<compile_context>
chip_gen: v7x
topology: tpu7x:2x2x1
jax: 0.10.2.dev20260603
libtpu: 0.0.44.dev20260713+nightly
codegen_flags: <defaults>
</compile_context>

<pallas_src>
import jax
import jax.numpy as jnp
from jax import lax
from jax.experimental import pallas as pl
from jax.experimental.pallas import tpu as pltpu
from jax.experimental.pallas import tpu_sc as plsc

_B, _L = 64, 512
_LANES = 16
_NC, _NS = 2, 16
_NW = _NC * _NS
_ROWS = _B // _NW
_NCHUNK = _L // _LANES


def _gat(x, idx):
    return x.at[idx].get(mode="promise_in_bounds")


def _body(lp1_hbm, lp2_hbm, sk_hbm, iv_hbm, par_hbm,
          out1_hbm, out2_hbm,
          lp1_v, lp2_v, sk_v, iv_v, par_v, sem):
    wid = lax.axis_index("c") * _NS + lax.axis_index("s")
    base = wid * _ROWS
    iota = lax.iota(jnp.int32, _LANES)
    zero_idx = iota * 0
    zero16 = jnp.zeros((_LANES,), jnp.float32)
    riota = 15 - iota
    nxt_idx = jnp.maximum(iota - 2, 0)
    prv_idx = jnp.minimum(iota + 2, 15)
    i14 = zero_idx + 14
    i1 = zero_idx + 1

    cps = [
        pltpu.async_copy(lp1_hbm.at[pl.ds(base, _ROWS)], lp1_v, sem),
        pltpu.async_copy(lp2_hbm.at[pl.ds(base, _ROWS)], lp2_v, sem),
        pltpu.async_copy(sk_hbm, sk_v, sem),
        pltpu.async_copy(iv_hbm, iv_v, sem),
        pltpu.async_copy(par_hbm, par_v, sem),
    ]
    for cp in cps:
        cp.wait()

    beta_v = plsc.load_gather(par_v, [zero_idx])
    ans_v = plsc.load_gather(par_v, [i1])
    lam_v = plsc.load_gather(par_v, [zero_idx + 2])

    def one_row(c, carry, s2, eraw, e2):
        suff_e_p, l14e_p, sp_p, bvr, bir, suff_s_p, bvc, bic = carry
        pref_e = plsc.cummax(eraw)
        suff_e = _gat(plsc.cummax(_gat(eraw, riota)), riota)
        pref_s = plsc.cummax(s2)
        suff_s = _gat(plsc.cummax(_gat(s2, riota)), riota)

        base_e = jnp.where(iota == 0, l14e_p, suff_e_p)
        nxt_e = jnp.where(iota >= 2, _gat(pref_e, nxt_idx), 0.0)
        rowv = sp_p * jnp.maximum(base_e, nxt_e)
        posr = (c - 1) * _LANES + iota
        updr = rowv > bvr
        bvr = jnp.where(updr, rowv, bvr)
        bir = jnp.where(updr, posr, bir)

        base_s = jnp.where(iota == 15, _gat(suff_s, i1), pref_s)
        prv_s = jnp.where(iota <= 13, _gat(suff_s_p, prv_idx), 0.0)
        colv = e2 * jnp.maximum(base_s, prv_s)
        posc = c * _LANES + iota
        updc = colv > bvc
        bvc = jnp.where(updc, colv, bvc)
        bic = jnp.where(updc, posc, bic)

        l14e = _gat(pref_e, i14)
        return suff_e, l14e, s2, bvr, bir, suff_s, bvc, bic

    def fused(c, carry):
        sl = pl.ds(c * _LANES, _LANES)
        pos0 = (c * _LANES + iota) == 0
        out = []
        for t in range(_ROWS):
            sv = jnp.exp(lp1_v[t, sl])
            ev = jnp.exp(lp2_v[t, sl])
            s2 = jnp.where(pos0, 0.0, sv)
            e2 = jnp.where(pos0, 0.0, ev)
            out.append(one_row(c, carry[t], s2, ev, e2))
        return tuple(out)

    init1 = (zero16, zero16, zero16, zero16, zero_idx,
             zero16, zero16, zero_idx)
    fin = lax.fori_loop(0, _NCHUNK, fused, (init1,) * _ROWS, unroll=4)

    masks = []
    for t in range(_ROWS):
        suff_e_p, l14e_p, sp_p, bvr, bir, _, bvc, bic = fin[t]
        rowv = sp_p * jnp.where(iota == 0, l14e_p, suff_e_p)
        posr = (_NCHUNK - 1) * _LANES + iota
        updr = rowv > bvr
        bvr = jnp.where(updr, rowv, bvr)
        bir = jnp.where(updr, posr, bir)

        svmax = jnp.max(bvr)
        starts0 = jnp.min(jnp.where(bvr == svmax, bir, _L))
        evmax = jnp.max(bvc)
        ends0 = jnp.min(jnp.where(bvc == evmax, bic, _L))

        s0 = jnp.exp(lp1_v[t, pl.ds(0, _LANES)])
        e0 = jnp.exp(lp2_v[t, pl.ds(0, _LANES)])
        pn = jnp.max(jnp.where(iota == 0, s0 * e0, -1.0))
        starts = jnp.where(pn > svmax, 0, starts0)
        ends = jnp.where(pn > evmax, 0, ends0)

        bidx = jnp.full((_LANES,), base + t, jnp.int32)
        sk_b = plsc.load_gather(sk_v, [bidx])
        iv_b = plsc.load_gather(iv_v, [bidx])
        pred = beta_v * iv_b + (1.0 - beta_v) * sk_b
        tz = zero_idx + t
        has = (plsc.load_gather(lp1_v, [tz, jnp.full((_LANES,), starts, jnp.int32)])
               * plsc.load_gather(lp2_v, [tz, jnp.full((_LANES,), ends, jnp.int32)]))
        c0 = lp1_v[t, pl.ds(0, _LANES)] * lp2_v[t, pl.ds(0, _LANES)]
        null_s = jnp.max(jnp.where(iota == 0, c0, jnp.float32(-3.4e38)))
        null = jnp.full((_LANES,), null_s, jnp.float32)
        span = null - has
        na = lam_v * pred + (1.0 - lam_v) * span
        masks.append(na > ans_v)

    def out_body(c, _):
        sl = pl.ds(c * _LANES, _LANES)
        for t in range(_ROWS):
            lp1_v[t, sl] = jnp.where(masks[t], 0.0, lp1_v[t, sl])
            lp2_v[t, sl] = jnp.where(masks[t], 0.0, lp2_v[t, sl])
        return 0
    lax.fori_loop(0, _NCHUNK, out_body, 0, unroll=4)
    o1 = pltpu.async_copy(lp1_v, out1_hbm.at[pl.ds(base, _ROWS)], sem)
    o2 = pltpu.async_copy(lp2_v, out2_hbm.at[pl.ds(base, _ROWS)], sem)
    o1.wait()
    o2.wait()


_mesh = plsc.VectorSubcoreMesh(
    core_axis_name="c", subcore_axis_name="s",
    num_cores=_NC, num_subcores=_NS)

_rv_tav = pl.kernel(
    _body,
    out_type=[jax.ShapeDtypeStruct((_B, _L), jnp.float32),
              jax.ShapeDtypeStruct((_B, _L), jnp.float32)],
    mesh=_mesh,
    compiler_params=pltpu.CompilerParams(needs_layout_passes=False),
    scratch_types=[
        pltpu.VMEM((_ROWS, _L), jnp.float32),
        pltpu.VMEM((_ROWS, _L), jnp.float32),
        pltpu.VMEM((_B,), jnp.float32),
        pltpu.VMEM((_B,), jnp.float32),
        pltpu.VMEM((_LANES,), jnp.float32),
        pltpu.SemaphoreType.DMA,
    ],
)


def kernel(sketchy_prediction, intensive_prediction, log_p1, log_p2,
           beta, ans, lam, max_len=15, use_squad_v2=True):
    del max_len, use_squad_v2
    f32 = jnp.float32
    par = jnp.concatenate([
        beta.astype(f32).reshape(1), ans.astype(f32).reshape(1),
        lam.astype(f32).reshape(1), jnp.zeros((13,), f32)])
    out1, out2 = _rv_tav(
        log_p1.astype(f32), log_p2.astype(f32),
        sketchy_prediction.astype(f32), intensive_prediction.astype(f32), par)
    return (out1, out2)

# --- scband reference (transcript-rebuilt; emitter-appended) ---
"""Pipeline reference for scband-rv-tav-89232240542107 (READ-ONLY COPY).

The authoritative reference and input builder live on the scoring server;
editing this copy changes nothing except your own understanding.
"""

import jax, jax.numpy as jnp
import numpy as np


def discretize(p_start, p_end, max_len, use_squad_v2):
    B, L = p_start.shape
    # joint probability of each (start, end) span
    p_joint = p_start[:, :, None] * p_end[:, None, :]  # (B, L, L)
    # legal spans: end >= start and length <= max_len
    idx = jnp.arange(L)
    legal = ((idx[None, :] >= idx[:, None]) & (idx[None, :] - idx[:, None] < max_len)).astype(p_joint.dtype)
    p_joint = p_joint * legal[None, :, :]
    p_no_answer = p_joint[:, 0, 0]
    p_joint_v2 = p_joint.at[:, 0, :].set(0.0)
    p_joint_v2 = p_joint_v2.at[:, :, 0].set(0.0)
    p_joint = jnp.where(use_squad_v2, p_joint_v2, p_joint)
    max_in_row = jnp.max(p_joint, axis=2)  # (B, L)
    max_in_col = jnp.max(p_joint, axis=1)  # (B, L)
    starts = jnp.argmax(max_in_row, axis=-1)
    ends = jnp.argmax(max_in_col, axis=-1)
    starts_v2 = jnp.where(p_no_answer > jnp.max(max_in_row, axis=-1), 0, starts)
    ends_v2 = jnp.where(p_no_answer > jnp.max(max_in_col, axis=-1), 0, ends)
    starts = jnp.where(use_squad_v2, starts_v2, starts)
    ends = jnp.where(use_squad_v2, ends_v2, ends)
    return starts, ends


def setup_inputs(seed: int = 0) -> dict:
    key = jax.random.key(seed)
    B, L = 64, 512
    k1, k2, k3, k4 = jax.random.split(key, 4)
    sketchy_prediction = jax.random.normal(k1, (B,), dtype=jnp.float32)
    intensive_prediction = jax.random.normal(k2, (B,), dtype=jnp.float32)
    log_p1 = jax.random.normal(k3, (B, L), dtype=jnp.float32)
    log_p2 = jax.random.normal(k4, (B, L), dtype=jnp.float32)
    # learned scalar parameters of RV_TAV
    beta = jnp.array([0.1], dtype=jnp.float32)
    ans = jnp.array([0.5], dtype=jnp.float32)
    lam = jnp.array([0.5], dtype=jnp.float32)
    return {
        "sketchy_prediction": sketchy_prediction,
        "intensive_prediction": intensive_prediction,
        "log_p1": log_p1,
        "log_p2": log_p2,
        "beta": beta,
        "ans": ans,
        "lam": lam,
        "max_len": 15,
        "use_squad_v2": True,
    }


def reference(sketchy_prediction, intensive_prediction, log_p1, log_p2, beta, ans, lam, max_len=15, use_squad_v2=True):
    s_in = jnp.exp(log_p1)
    e_in = jnp.exp(log_p2)
    starts, ends = discretize(s_in, e_in, max_len, use_squad_v2)
    pred_answerable = beta * intensive_prediction + (1.0 - beta) * sketchy_prediction  # (B,)
    B = log_p1.shape[0]
    rows = jnp.arange(B)
    has = log_p1[rows, starts] * log_p2[rows, ends]  # (B,)
    null = log_p1[:, 0] * log_p2[:, 0]  # (B,)
    span_answerable = null - has
    not_answerable = lam * pred_answerable + (1.0 - lam) * span_answerable  # (B,)
    mask = not_answerable > ans  # (B,)
    l_p1 = jnp.where(mask[:, None], 0.0, log_p1)
    l_p2 = jnp.where(mask[:, None], 0.0, log_p2)
    return (l_p1, l_p2)

if __name__ == "__main__":
    import jax
    _d = setup_inputs()
    print(jax.jit(kernel)(*tuple(_d.values())))

</pallas_src>

<mosaic_0001>
#map = affine_map<(d0, d1) -> (0, 0)>
#map1 = affine_map<(d0, d1) -> (0)>
module attributes {stable_mosaic.version = 14 : i64} {
  func.func @_body(%arg0: i32, %arg1: i32, %arg2: memref<64x512xf32, #tpu.memory_space<hbm>>, %arg3: memref<64x512xf32, #tpu.memory_space<hbm>>, %arg4: memref<64xf32, #tpu.memory_space<hbm>>, %arg5: memref<64xf32, #tpu.memory_space<hbm>>, %arg6: memref<16xf32, #tpu.memory_space<hbm>>, %arg7: memref<64x512xf32, #tpu.memory_space<hbm>>, %arg8: memref<64x512xf32, #tpu.memory_space<hbm>>, %arg9: memref<2x512xf32, #tpu.memory_space<vmem>>, %arg10: memref<2x512xf32, #tpu.memory_space<vmem>>, %arg11: memref<64xf32, #tpu.memory_space<vmem>>, %arg12: memref<64xf32, #tpu.memory_space<vmem>>, %arg13: memref<16xf32, #tpu.memory_space<vmem>>, %arg14: memref<!tpu.dma_semaphore, #tpu.memory_space<semaphore_mem>>) attributes {dimension_semantics = [#tpu.dimension_semantics<core_parallel>, #tpu.dimension_semantics<subcore_parallel>], iteration_bounds = array<i64: 2, 16>, scalar_prefetch = 0 : i64, scratch_operands = 6 : i64, tpu.core_type = #tpu.core_type<sc_vector_subcore>, window_params = [{transform_indices = #map}, {transform_indices = #map}, {transform_indices = #map1}, {transform_indices = #map1}, {transform_indices = #map1}, {transform_indices = #map}, {transform_indices = #map}]} {
    %mul3A = arith.constant 16 : i32
    %mul3A_0 = arith.muli %arg0, %mul3A : i32
    %add3A = arith.addi %mul3A_0, %arg1 : i32
    %mul3A_1 = arith.constant 2 : i32
    %mul3A_2 = arith.muli %add3A, %mul3A_1 : i32
    %iota3A = tpu.iota {dimensions = array<i32: 0>} : vector<16xi32>
    %mul3A_3 = arith.constant 0 : i32
    %mul3A_4 = vector.broadcast %mul3A_3 : i32 to vector<16xi32>
    %mul3A_5 = arith.muli %iota3A, %mul3A_4 : vector<16xi32>
    %broadcast_in_dim3A = arith.constant 0.000000e+00 : f32
    %broadcast_in_dim3A_6 = vector.broadcast %broadcast_in_dim3A : f32 to vector<16xf32>
    %sub3A = arith.constant 15 : i32
    %sub3A_7 = vector.broadcast %sub3A : i32 to vector<16xi32>
    %sub3A_8 = arith.subi %sub3A_7, %iota3A : vector<16xi32>
    %sub3A_9 = arith.constant 2 : i32
    %sub3A_10 = vector.broadcast %sub3A_9 : i32 to vector<16xi32>
    %sub3A_11 = arith.subi %iota3A, %sub3A_10 : vector<16xi32>
    %max3A = arith.constant 0 : i32
    %max3A_12 = vector.broadcast %max3A : i32 to vector<16xi32>
    %max3A_13 = arith.maxsi %sub3A_11, %max3A_12 : vector<16xi32>
    %add3A_14 = arith.constant 2 : i32
    %add3A_15 = vector.broadcast %add3A_14 : i32 to vector<16xi32>
    %add3A_16 = arith.addi %iota3A, %add3A_15 : vector<16xi32>
    %min3A = arith.constant 15 : i32
    %min3A_17 = vector.broadcast %min3A : i32 to vector<16xi32>
    %min3A_18 = arith.minsi %add3A_16, %min3A_17 : vector<16xi32>
    %add3A_19 = arith.constant 14 : i32
    %add3A_20 = vector.broadcast %add3A_19 : i32 to vector<16xi32>
    %add3A_21 = arith.addi %mul3A_5, %add3A_20 : vector<16xi32>
    %add3A_22 = arith.constant 1 : i32
    %add3A_23 = vector.broadcast %add3A_22 : i32 to vector<16xi32>
    %add3A_24 = arith.addi %mul3A_5, %add3A_23 : vector<16xi32>
    %dma_start3A = arith.constant 0 : i32
    %dma_start3A_25 = tpu.memref_slice %arg2[%mul3A_2, %dma_start3A] : memref<64x512xf32, #tpu.memory_space<hbm>> -> memref<2x512xf32, #tpu.memory_space<hbm>>
    %dma_start3A_26 = arith.constant 0 : i32
    %dma_start3A_27 = tpu.memref_slice %arg2[%mul3A_2, %dma_start3A_26] : memref<64x512xf32, #tpu.memory_space<hbm>> -> memref<2x512xf32, #tpu.memory_space<hbm>>
    tpu.enqueue_dma source(%dma_start3A_27 : memref<2x512xf32, #tpu.memory_space<hbm>>) target(%arg9 : memref<2x512xf32, #tpu.memory_space<vmem>>) target_semaphore(%arg14 : memref<!tpu.dma_semaphore, #tpu.memory_space<semaphore_mem>>)
    %dma_start3A_28 = arith.constant 0 : i32
    %dma_start3A_29 = tpu.memref_slice %arg3[%mul3A_2, %dma_start3A_28] : memref<64x512xf32, #tpu.memory_space<hbm>> -> memref<2x512xf32, #tpu.memory_space<hbm>>
    %dma_start3A_30 = arith.constant 0 : i32
    %dma_start3A_31 = tpu.memref_slice %arg3[%mul3A_2, %dma_start3A_30] : memref<64x512xf32, #tpu.memory_space<hbm>> -> memref<2x512xf32, #tpu.memory_space<hbm>>
    tpu.enqueue_dma source(%dma_start3A_31 : memref<2x512xf32, #tpu.memory_space<hbm>>) target(%arg10 : memref<2x512xf32, #tpu.memory_space<vmem>>) target_semaphore(%arg14 : memref<!tpu.dma_semaphore, #tpu.memory_space<semaphore_mem>>)
    tpu.enqueue_dma source(%arg4 : memref<64xf32, #tpu.memory_space<hbm>>) target(%arg11 : memref<64xf32, #tpu.memory_space<vmem>>) target_semaphore(%arg14 : memref<!tpu.dma_semaphore, #tpu.memory_space<semaphore_mem>>)
    tpu.enqueue_dma source(%arg5 : memref<64xf32, #tpu.memory_space<hbm>>) target(%arg12 : memref<64xf32, #tpu.memory_space<vmem>>) target_semaphore(%arg14 : memref<!tpu.dma_semaphore, #tpu.memory_space<semaphore_mem>>)
    tpu.enqueue_dma source(%arg6 : memref<16xf32, #tpu.memory_space<hbm>>) target(%arg13 : memref<16xf32, #tpu.memory_space<vmem>>) target_semaphore(%arg14 : memref<!tpu.dma_semaphore, #tpu.memory_space<semaphore_mem>>)
    %dma_wait3A = arith.constant 0 : i32
    %dma_wait3A_32 = tpu.memref_slice %arg2[%mul3A_2, %dma_wait3A] : memref<64x512xf32, #tpu.memory_space<hbm>> -> memref<2x512xf32, #tpu.memory_space<hbm>>
    %dma_wait3A_33 = arith.constant 0 : i32
    %dma_wait3A_34 = tpu.memref_slice %arg2[%mul3A_2, %dma_wait3A_33] : memref<64x512xf32, #tpu.memory_space<hbm>> -> memref<2x512xf32, #tpu.memory_space<hbm>>
    tpu.wait_dma2 semaphore(%arg14 : memref<!tpu.dma_semaphore, #tpu.memory_space<semaphore_mem>>) src(%dma_wait3A_34 : memref<2x512xf32, #tpu.memory_space<hbm>>) dst(%arg9 : memref<2x512xf32, #tpu.memory_space<vmem>>)
    %dma_wait3A_35 = arith.constant 0 : i32
    %dma_wait3A_36 = tpu.memref_slice %arg3[%mul3A_2, %dma_wait3A_35] : memref<64x512xf32, #tpu.memory_space<hbm>> -> memref<2x512xf32, #tpu.memory_space<hbm>>
    %dma_wait3A_37 = arith.constant 0 : i32
    %dma_wait3A_38 = tpu.memref_slice %arg3[%mul3A_2, %dma_wait3A_37] : memref<64x512xf32, #tpu.memory_space<hbm>> -> memref<2x512xf32, #tpu.memory_space<hbm>>
    tpu.wait_dma2 semaphore(%arg14 : memref<!tpu.dma_semaphore, #tpu.memory_space<semaphore_mem>>) src(%dma_wait3A_38 : memref<2x512xf32, #tpu.memory_space<hbm>>) dst(%arg10 : memref<2x512xf32, #tpu.memory_space<vmem>>)
    tpu.wait_dma2 semaphore(%arg14 : memref<!tpu.dma_semaphore, #tpu.memory_space<semaphore_mem>>) src(%arg4 : memref<64xf32, #tpu.memory_space<hbm>>) dst(%arg11 : memref<64xf32, #tpu.memory_space<vmem>>)
    tpu.wait_dma2 semaphore(%arg14 : memref<!tpu.dma_semaphore, #tpu.memory_space<semaphore_mem>>) src(%arg5 : memref<64xf32, #tpu.memory_space<hbm>>) dst(%arg12 : memref<64xf32, #tpu.memory_space<vmem>>)
    tpu.wait_dma2 semaphore(%arg14 : memref<!tpu.dma_semaphore, #tpu.memory_space<semaphore_mem>>) src(%arg6 : memref<16xf32, #tpu.memory_space<hbm>>) dst(%arg13 : memref<16xf32, #tpu.memory_space<vmem>>)
    %gather3A = tpu.vector_load_idx %arg13[%mul3A_5] : memref<16xf32, #tpu.memory_space<vmem>>[vector<16xi32>], vector<16xf32>,
    %gather3A_39 = tpu.vector_load_idx %arg13[%add3A_24] : memref<16xf32, #tpu.memory_space<vmem>>[vector<16xi32>], vector<16xf32>,
    %add3A_40 = arith.constant 2 : i32
    %add3A_41 = vector.broadcast %add3A_40 : i32 to vector<16xi32>
    %add3A_42 = arith.addi %mul3A_5, %add3A_41 : vector<16xi32>
    %gather3A_43 = tpu.vector_load_idx %arg13[%add3A_42] : memref<16xf32, #tpu.memory_space<vmem>>[vector<16xi32>], vector<16xf32>,
    %scan3A = arith.constant 0 : i32
    %scan3A_44 = arith.constant 32 : i32
    %scan3A_45 = arith.addi %scan3A, %scan3A_44 : i32
    %scan3A_46 = arith.constant 4 : i32
    %scan3A_47:16 = scf.for %scan3A_302 = %scan3A to %scan3A_45 step %scan3A_46 iter_args(%scan3A_303 = %broadcast_in_dim3A_6, %scan3A_304 = %broadcast_in_dim3A_6, %scan3A_305 = %broadcast_in_dim3A_6, %scan3A_306 = %broadcast_in_dim3A_6, %scan3A_307 = %mul3A_5, %scan3A_308 = %broadcast_in_dim3A_6, %scan3A_309 = %broadcast_in_dim3A_6, %scan3A_310 = %mul3A_5, %scan3A_311 = %broadcast_in_dim3A_6, %scan3A_312 = %broadcast_in_dim3A_6, %scan3A_313 = %broadcast_in_dim3A_6, %scan3A_314 = %broadcast_in_dim3A_6, %scan3A_315 = %mul3A_5, %scan3A_316 = %broadcast_in_dim3A_6, %scan3A_317 = %broadcast_in_dim3A_6, %scan3A_318 = %mul3A_5) -> (vector<16xf32>, vector<16xf32>, vector<16xf32>, vector<16xf32>, vector<16xi32>, vector<16xf32>, vector<16xf32>, vector<16xi32>, vector<16xf32>, vector<16xf32>, vector<16xf32>, vector<16xf32>, vector<16xi32>, vector<16xf32>, vector<16xf32>, vector<16xi32>)  : i32 {
      %mul3A_319 = arith.constant 16 : i32
      %mul3A_320 = arith.muli %scan3A_302, %mul3A_319 : i32
      %mul3A_321 = arith.constant 16 : i32
      %mul3A_322 = arith.muli %scan3A_302, %mul3A_321 : i32
      %add3A_323 = vector.broadcast %mul3A_322 : i32 to vector<16xi32>
      %add3A_324 = arith.addi %add3A_323, %iota3A : vector<16xi32>
      %eq3A_325 = arith.constant 0 : i32
      %eq3A_326 = vector.broadcast %eq3A_325 : i32 to vector<16xi32>
      %eq3A_327 = arith.cmpi eq, %add3A_324, %eq3A_326 : vector<16xi32>
      %get3A_328 = arith.constant 0 : i32
      %get3A_329 = arith.index_cast %get3A_328 : i32 to index
      %get3A_330 = arith.index_cast %mul3A_320 : i32 to index
      %get3A_331 = tpu.vector_load %arg9[%get3A_329, %get3A_330] {strides = array<i32>} : memref<2x512xf32, #tpu.memory_space<vmem>>, vector<16xf32>,
      %exp3A_332 = math.exp %get3A_331 : vector<16xf32>
      %get3A_333 = arith.constant 0 : i32
      %get3A_334 = arith.index_cast %get3A_333 : i32 to index
      %get3A_335 = arith.index_cast %mul3A_320 : i32 to index
      %get3A_336 = tpu.vector_load %arg10[%get3A_334, %get3A_335] {strides = array<i32>} : memref<2x512xf32, #tpu.memory_space<vmem>>, vector<16xf32>,
      %exp3A_337 = math.exp %get3A_336 : vector<16xf32>
      %jit3A_338 = arith.constant 0.000000e+00 : f32
      %broadcast_in_dim3A_339 = vector.broadcast %jit3A_338 : f32 to vector<16xf32>
      %select_n3A_340 = arith.select %eq3A_327, %broadcast_in_dim3A_339, %exp3A_332 : vector<16xi1>, vector<16xf32>
      %jit3A_341 = arith.constant 0.000000e+00 : f32
      %broadcast_in_dim3A_342 = vector.broadcast %jit3A_341 : f32 to vector<16xf32>
      %select_n3A_343 = arith.select %eq3A_327, %broadcast_in_dim3A_342, %exp3A_337 : vector<16xi1>, vector<16xf32>
      %broadcast_in_dim3A_344 = arith.constant true
      %broadcast_in_dim3A_345 = vector.broadcast %broadcast_in_dim3A_344 : i1 to vector<16xi1>
      %masked_cummax3A = tpu.scan <max>, %exp3A_337 masked %broadcast_in_dim3A_345 : vector<16xf32>, vector<16xi1> -> vector<16xf32>
      %lt3A = arith.constant 0 : i32
      %lt3A_346 = vector.broadcast %lt3A : i32 to vector<16xi32>
      %lt3A_347 = arith.cmpi slt, %sub3A_8, %lt3A_346 : vector<16xi32>
      %add3A_348 = arith.constant 16 : i32
      %add3A_349 = vector.broadcast %add3A_348 : i32 to vector<16xi32>
      %add3A_350 = arith.addi %sub3A_8, %add3A_349 : vector<16xi32>
      %select_n3A_351 = arith.select %lt3A_347, %add3A_350, %sub3A_8 : vector<16xi1>, vector<16xi32>
      %broadcast_in_dim3A_352 = vector.shape_cast %select_n3A_351 : vector<16xi32> to vector<16x1xi32>
      %gather3A_353 = vector.shape_cast %broadcast_in_dim3A_352 : vector<16x1xi32> to vector<16xi32>
      %gather3A_354 = tpu.dynamic_gather %exp3A_337[%gather3A_353] in [0] : vector<16xf32>, vector<16xi32> -> vector<16xf32>
      %broadcast_in_dim3A_355 = arith.constant true
      %broadcast_in_dim3A_356 = vector.broadcast %broadcast_in_dim3A_355 : i1 to vector<16xi1>
      %masked_cummax3A_357 = tpu.scan <max>, %gather3A_354 masked %broadcast_in_dim3A_356 : vector<16xf32>, vector<16xi1> -> vector<16xf32>
      %lt3A_358 = arith.constant 0 : i32
      %lt3A_359 = vector.broadcast %lt3A_358 : i32 to vector<16xi32>
      %lt3A_360 = arith.cmpi slt, %sub3A_8, %lt3A_359 : vector<16xi32>
      %add3A_361 = arith.constant 16 : i32
      %add3A_362 = vector.broadcast %add3A_361 : i32 to vector<16xi32>
      %add3A_363 = arith.addi %sub3A_8, %add3A_362 : vector<16xi32>
      %select_n3A_364 = arith.select %lt3A_360, %add3A_363, %sub3A_8 : vector<16xi1>, vector<16xi32>
      %broadcast_in_dim3A_365 = vector.shape_cast %select_n3A_364 : vector<16xi32> to vector<16x1xi32>
      %gather3A_366 = vector.shape_cast %broadcast_in_dim3A_365 : vector<16x1xi32> to vector<16xi32>
      %gather3A_367 = tpu.dynamic_gather %masked_cummax3A_357[%gather3A_366] in [0] : vector<16xf32>, vector<16xi32> -> vector<16xf32>
      %broadcast_in_dim3A_368 = arith.constant true
      %broadcast_in_dim3A_369 = vector.broadcast %broadcast_in_dim3A_368 : i1 to vector<16xi1>
      %masked_cummax3A_370 = tpu.scan <max>, %select_n3A_340 masked %broadcast_in_dim3A_369 : vector<16xf32>, vector<16xi1> -> vector<16xf32>
      %lt3A_371 = arith.constant 0 : i32
      %lt3A_372 = vector.broadcast %lt3A_371 : i32 to vector<16xi32>
      %lt3A_373 = arith.cmpi slt, %sub3A_8, %lt3A_372 : vector<16xi32>
      %add3A_374 = arith.constant 16 : i32
      %add3A_375 = vector.broadcast %add3A_374 : i32 to vector<16xi32>
      %add3A_376 = arith.addi %sub3A_8, %add3A_375 : vector<16xi32>
      %select_n3A_377 = arith.select %lt3A_373, %add3A_376, %sub3A_8 : vector<16xi1>, vector<16xi32>
      %broadcast_in_dim3A_378 = vector.shape_cast %select_n3A_377 : vector<16xi32> to vector<16x1xi32>
      %gather3A_379 = vector.shape_cast %broadcast_in_dim3A_378 : vector<16x1xi32> to vector<16xi32>
      %gather3A_380 = tpu.dynamic_gather %select_n3A_340[%gather3A_379] in [0] : vector<16xf32>, vector<16xi32> -> vector<16xf32>
      %broadcast_in_dim3A_381 = arith.constant true
      %broadcast_in_dim3A_382 = vector.broadcast %broadcast_in_dim3A_381 : i1 to vector<16xi1>
      %masked_cummax3A_383 = tpu.scan <max>, %gather3A_380 masked %broadcast_in_dim3A_382 : vector<16xf32>, vector<16xi1> -> vector<16xf32>
      %lt3A_384 = arith.constant 0 : i32
      %lt3A_385 = vector.broadcast %lt3A_384 : i32 to vector<16xi32>
      %lt3A_386 = arith.cmpi slt, %sub3A_8, %lt3A_385 : vector<16xi32>
      %add3A_387 = arith.constant 16 : i32
      %add3A_388 = vector.broadcast %add3A_387 : i32 to vector<16xi32>
      %add3A_389 = arith.addi %sub3A_8, %add3A_388 : vector<16xi32>
      %select_n3A_390 = arith.select %lt3A_386, %add3A_389, %sub3A_8 : vector<16xi1>, vector<16xi32>
      %broadcast_in_dim3A_391 = vector.shape_cast %select_n3A_390 : vector<16xi32> to vector<16x1xi32>
      %gather3A_392 = vector.shape_cast %broadcast_in_dim3A_391 : vector<16x1xi32> to vector<16xi32>
      %gather3A_393 = tpu.dynamic_gather %masked_cummax3A_383[%gather3A_392] in [0] : vector<16xf32>, vector<16xi32> -> vector<16xf32>
      %eq3A_394 = arith.constant 0 : i32
      %eq3A_395 = vector.broadcast %eq3A_394 : i32 to vector<16xi32>
      %eq3A_396 = arith.cmpi eq, %iota3A, %eq3A_395 : vector<16xi32>
      %select_n3A_397 = arith.select %eq3A_396, %scan3A_304, %scan3A_303 : vector<16xi1>, vector<16xf32>
      %ge3A = arith.constant 2 : i32
      %ge3A_398 = vector.broadcast %ge3A : i32 to vector<16xi32>
      %ge3A_399 = arith.cmpi sge, %iota3A, %ge3A_398 : vector<16xi32>
      %lt3A_400 = arith.constant 0 : i32
      %lt3A_401 = vector.broadcast %lt3A_400 : i32 to vector<16xi32>
      %lt3A_402 = arith.cmpi slt, %max3A_13, %lt3A_401 : vector<16xi32>
      %add3A_403 = arith.constant 16 : i32
      %add3A_404 = vector.broadcast %add3A_403 : i32 to vector<16xi32>
      %add3A_405 = arith.addi %max3A_13, %add3A_404 : vector<16xi32>
      %select_n3A_406 = arith.select %lt3A_402, %add3A_405, %max3A_13 : vector<16xi1>, vector<16xi32>
      %broadcast_in_dim3A_407 = vector.shape_cast %select_n3A_406 : vector<16xi32> to vector<16x1xi32>
      %gather3A_408 = vector.shape_cast %broadcast_in_dim3A_407 : vector<16x1xi32> to vector<16xi32>
      %gather3A_409 = tpu.dynamic_gather %masked_cummax3A[%gather3A_408] in [0] : vector<16xf32>, vector<16xi32> -> vector<16xf32>
      %jit3A_410 = arith.constant 0.000000e+00 : f32
      %broadcast_in_dim3A_411 = vector.broadcast %jit3A_410 : f32 to vector<16xf32>
      %select_n3A_412 = arith.select %ge3A_399, %gather3A_409, %broadcast_in_dim3A_411 : vector<16xi1>, vector<16xf32>
      %max3A_413 = arith.maximumf %select_n3A_397, %select_n3A_412 : vector<16xf32>
      %mul3A_414 = arith.mulf %scan3A_305, %max3A_413 : vector<16xf32>
      %sub3A_415 = arith.constant 1 : i32
      %sub3A_416 = arith.subi %scan3A_302, %sub3A_415 : i32
      %mul3A_417 = arith.constant 16 : i32
      %mul3A_418 = arith.muli %sub3A_416, %mul3A_417 : i32
      %add3A_419 = vector.broadcast %mul3A_418 : i32 to vector<16xi32>
      %add3A_420 = arith.addi %add3A_419, %iota3A : vector<16xi32>
      %gt3A_421 = arith.cmpf ogt, %mul3A_414, %scan3A_306 : vector<16xf32>
      %select_n3A_422 = arith.select %gt3A_421, %mul3A_414, %scan3A_306 : vector<16xi1>, vector<16xf32>
      %select_n3A_423 = arith.select %gt3A_421, %add3A_420, %scan3A_307 : vector<16xi1>, vector<16xi32>
      %eq3A_424 = arith.constant 15 : i32
      %eq3A_425 = vector.broadcast %eq3A_424 : i32 to vector<16xi32>
      %eq3A_426 = arith.cmpi eq, %iota3A, %eq3A_425 : vector<16xi32>
      %lt3A_427 = arith.constant 0 : i32
      %lt3A_428 = vector.broadcast %lt3A_427 : i32 to vector<16xi32>
      %lt3A_429 = arith.cmpi slt, %add3A_24, %lt3A_428 : vector<16xi32>
      %add3A_430 = arith.constant 16 : i32
      %add3A_431 = vector.broadcast %add3A_430 : i32 to vector<16xi32>
      %add3A_432 = arith.addi %add3A_24, %add3A_431 : vector<16xi32>
      %select_n3A_433 = arith.select %lt3A_429, %add3A_432, %add3A_24 : vector<16xi1>, vector<16xi32>
      %broadcast_in_dim3A_434 = vector.shape_cast %select_n3A_433 : vector<16xi32> to vector<16x1xi32>
      %gather3A_435 = vector.shape_cast %broadcast_in_dim3A_434 : vector<16x1xi32> to vector<16xi32>
      %gather3A_436 = tpu.dynamic_gather %gather3A_393[%gather3A_435] in [0] : vector<16xf32>, vector<16xi32> -> vector<16xf32>
      %select_n3A_437 = arith.select %eq3A_426, %gather3A_436, %masked_cummax3A_370 : vector<16xi1>, vector<16xf32>
      %le3A = arith.constant 13 : i32
      %le3A_438 = vector.broadcast %le3A : i32 to vector<16xi32>
      %le3A_439 = arith.cmpi sle, %iota3A, %le3A_438 : vector<16xi32>
      %lt3A_440 = arith.constant 0 : i32
      %lt3A_441 = vector.broadcast %lt3A_440 : i32 to vector<16xi32>
      %lt3A_442 = arith.cmpi slt, %min3A_18, %lt3A_441 : vector<16xi32>
      %add3A_443 = arith.constant 16 : i32
      %add3A_444 = vector.broadcast %add3A_443 : i32 to vector<16xi32>
      %add3A_445 = arith.addi %min3A_18, %add3A_444 : vector<16xi32>
      %select_n3A_446 = arith.select %lt3A_442, %add3A_445, %min3A_18 : vector<16xi1>, vector<16xi32>
      %broadcast_in_dim3A_447 = vector.shape_cast %select_n3A_446 : vector<16xi32> to vector<16x1xi32>
      %gather3A_448 = vector.shape_cast %broadcast_in_dim3A_447 : vector<16x1xi32> to vector<16xi32>
      %gather3A_449 = tpu.dynamic_gather %scan3A_308[%gather3A_448] in [0] : vector<16xf32>, vector<16xi32> -> vector<16xf32>
      %jit3A_450 = arith.constant 0.000000e+00 : f32
      %broadcast_in_dim3A_451 = vector.broadcast %jit3A_450 : f32 to vector<16xf32>
      %select_n3A_452 = arith.select %le3A_439, %gather3A_449, %broadcast_in_dim3A_451 : vector<16xi1>, vector<16xf32>
      %max3A_453 = arith.maximumf %select_n3A_437, %select_n3A_452 : vector<16xf32>
      %mul3A_454 = arith.mulf %select_n3A_343, %max3A_453 : vector<16xf32>
      %mul3A_455 = arith.constant 16 : i32
      %mul3A_456 = arith.muli %scan3A_302, %mul3A_455 : i32
      %add3A_457 = vector.broadcast %mul3A_456 : i32 to vector<16xi32>
      %add3A_458 = arith.addi %add3A_457, %iota3A : vector<16xi32>
      %gt3A_459 = arith.cmpf ogt, %mul3A_454, %scan3A_309 : vector<16xf32>
      %select_n3A_460 = arith.select %gt3A_459, %mul3A_454, %scan3A_309 : vector<16xi1>, vector<16xf32>
      %select_n3A_461 = arith.select %gt3A_459, %add3A_458, %scan3A_310 : vector<16xi1>, vector<16xi32>
      %lt3A_462 = arith.constant 0 : i32
      %lt3A_463 = vector.broadcast %lt3A_462 : i32 to vector<16xi32>
      %lt3A_464 = arith.cmpi slt, %add3A_21, %lt3A_463 : vector<16xi32>
      %add3A_465 = arith.constant 16 : i32
      %add3A_466 = vector.broadcast %add3A_465 : i32 to vector<16xi32>
      %add3A_467 = arith.addi %add3A_21, %add3A_466 : vector<16xi32>
      %select_n3A_468 = arith.select %lt3A_464, %add3A_467, %add3A_21 : vector<16xi1>, vector<16xi32>
      %broadcast_in_dim3A_469 = vector.shape_cast %select_n3A_468 : vector<16xi32> to vector<16x1xi32>
      %gather3A_470 = vector.shape_cast %broadcast_in_dim3A_469 : vector<16x1xi32> to vector<16xi32>
      %gather3A_471 = tpu.dynamic_gather %masked_cummax3A[%gather3A_470] in [0] : vector<16xf32>, vector<16xi32> -> vector<16xf32>
      %get3A_472 = arith.constant 1 : i32
      %get3A_473 = arith.index_cast %get3A_472 : i32 to index
      %get3A_474 = arith.index_cast %mul3A_320 : i32 to index
      %get3A_475 = tpu.vector_load %arg9[%get3A_473, %get3A_474] {strides = array<i32>} : memref<2x512xf32, #tpu.memory_space<vmem>>, vector<16xf32>,
      %exp3A_476 = math.exp %get3A_475 : vector<16xf32>
      %get3A_477 = arith.constant 1 : i32
      %get3A_478 = arith.index_cast %get3A_477 : i32 to index
      %get3A_479 = arith.index_cast %mul3A_320 : i32 to index
      %get3A_480 = tpu.vector_load %arg10[%get3A_478, %get3A_479] {strides = array<i32>} : memref<2x512xf32, #tpu.memory_space<vmem>>, vector<16xf32>,
      %exp3A_481 = math.exp %get3A_480 : vector<16xf32>
      %jit3A_482 = arith.constant 0.000000e+00 : f32
      %broadcast_in_dim3A_483 = vector.broadcast %jit3A_482 : f32 to vector<16xf32>
      %select_n3A_484 = arith.select %eq3A_327, %broadcast_in_dim3A_483, %exp3A_476 : vector<16xi1>, vector<16xf32>
      %jit3A_485 = arith.constant 0.000000e+00 : f32
      %broadcast_in_dim3A_486 = vector.broadcast %jit3A_485 : f32 to vector<16xf32>
      %select_n3A_487 = arith.select %eq3A_327, %broadcast_in_dim3A_486, %exp3A_481 : vector<16xi1>, vector<16xf32>
      %broadcast_in_dim3A_488 = arith.constant true
      %broadcast_in_dim3A_489 = vector.broadcast %broadcast_in_dim3A_488 : i1 to vector<16xi1>
      %masked_cummax3A_490 = tpu.scan <max>, %exp3A_481 masked %broadcast_in_dim3A_489 : vector<16xf32>, vector<16xi1> -> vector<16xf32>
      %lt3A_491 = arith.constant 0 : i32
      %lt3A_492 = vector.broadcast %lt3A_491 : i32 to vector<16xi32>
      %lt3A_493 = arith.cmpi slt, %sub3A_8, %lt3A_492 : vector<16xi32>
      %add3A_494 = arith.constant 16 : i32
      %add3A_495 = vector.broadcast %add3A_494 : i32 to vector<16xi32>
      %add3A_496 = arith.addi %sub3A_8, %add3A_495 : vector<16xi32>
      %select_n3A_497 = arith.select %lt3A_493, %add3A_496, %sub3A_8 : vector<16xi1>, vector<16xi32>
      %broadcast_in_dim3A_498 = vector.shape_cast %select_n3A_497 : vector<16xi32> to vector<16x1xi32>
      %gather3A_499 = vector.shape_cast %broadcast_in_dim3A_498 : vector<16x1xi32> to vector<16xi32>
      %gather3A_500 = tpu.dynamic_gather %exp3A_481[%gather3A_499] in [0] : vector<16xf32>, vector<16xi32> -> vector<16xf32>
      %broadcast_in_dim3A_501 = arith.constant true
      %broadcast_in_dim3A_502 = vector.broadcast %broadcast_in_dim3A_501 : i1 to vector<16xi1>
      %masked_cummax3A_503 = tpu.scan <max>, %gather3A_500 masked %broadcast_in_dim3A_502 : vector<16xf32>, vector<16xi1> -> vector<16xf32>
      %lt3A_504 = arith.constant 0 : i32
      %lt3A_505 = vector.broadcast %lt3A_504 : i32 to vector<16xi32>
      %lt3A_506 = arith.cmpi slt, %sub3A_8, %lt3A_505 : vector<16xi32>
      %add3A_507 = arith.constant 16 : i32
      %add3A_508 = vector.broadcast %add3A_507 : i32 to vector<16xi32>
      %add3A_509 = arith.addi %sub3A_8, %add3A_508 : vector<16xi32>
      %select_n3A_510 = arith.select %lt3A_506, %add3A_509, %sub3A_8 : vector<16xi1>, vector<16xi32>
      %broadcast_in_dim3A_511 = vector.shape_cast %select_n3A_510 : vector<16xi32> to vector<16x1xi32>
      %gather3A_512 = vector.shape_cast %broadcast_in_dim3A_511 : vector<16x1xi32> to vector<16xi32>
      %gather3A_513 = tpu.dynamic_gather %masked_cummax3A_503[%gather3A_512] in [0] : vector<16xf32>, vector<16xi32> -> vector<16xf32>
      %broadcast_in_dim3A_514 = arith.constant true
      %broadcast_in_dim3A_515 = vector.broadcast %broadcast_in_dim3A_514 : i1 to vector<16xi1>
      %masked_cummax3A_516 = tpu.scan <max>, %select_n3A_484 masked %broadcast_in_dim3A_515 : vector<16xf32>, vector<16xi1> -> vector<16xf32>
      %lt3A_517 = arith.constant 0 : i32
      %lt3A_518 = vector.broadcast %lt3A_517 : i32 to vector<16xi32>
      %lt3A_519 = arith.cmpi slt, %sub3A_8, %lt3A_518 : vector<16xi32>
      %add3A_520 = arith.constant 16 : i32
      %add3A_521 = vector.broadcast %add3A_520 : i32 to vector<16xi32>
      %add3A_522 = arith.addi %sub3A_8, %add3A_521 : vector<16xi32>
      %select_n3A_523 = arith.select %lt3A_519, %add3A_522, %sub3A_8 : vector<16xi1>, vector<16xi32>
      %broadcast_in_dim3A_524 = vector.shape_cast %select_n3A_523 : vector<16xi32> to vector<16x1xi32>
      %gather3A_525 = vector.shape_cast %broadcast_in_dim3A_524 : vector<16x1xi32> to vector<16xi32>
      %gather3A_526 = tpu.dynamic_gather %select_n3A_484[%gather3A_525] in [0] : vector<16xf32>, vector<16xi32> -> vector<16xf32>
      %broadcast_in_dim3A_527 = arith.constant true
      %broadcast_in_dim3A_528 = vector.broadcast %broadcast_in_dim3A_527 : i1 to vector<16xi1>
      %masked_cummax3A_529 = tpu.scan <max>, %gather3A_526 masked %broadcast_in_dim3A_528 : vector<16xf32>, vector<16xi1> -> vector<16xf32>
      %lt3A_530 = arith.constant 0 : i32
      %lt3A_531 = vector.broadcast %lt3A_530 : i32 to vector<16xi32>
      %lt3A_532 = arith.cmpi slt, %sub3A_8, %lt3A_531 : vector<16xi32>
      %add3A_533 = arith.constant 16 : i32
      %add3A_534 = vector.broadcast %add3A_533 : i32 to vector<16xi32>
      %add3A_535 = arith.addi %sub3A_8, %add3A_534 : vector<16xi32>
      %select_n3A_536 = arith.select %lt3A_532, %add3A_535, %sub3A_8 : vector<16xi1>, vector<16xi32>
      %broadcast_in_dim3A_537 = vector.shape_cast %select_n3A_536 : vector<16xi32> to vector<16x1xi32>
      %gather3A_538 = vector.shape_cast %broadcast_in_dim3A_537 : vector<16x1xi32> to vector<16xi32>
      %gather3A_539 = tpu.dynamic_gather %masked_cummax3A_529[%gather3A_538] in [0] : vector<16xf32>, vector<16xi32> -> vector<16xf32>
      %eq3A_540 = arith.constant 0 : i32
      %eq3A_541 = vector.broadcast %eq3A_540 : i32 to vector<16xi32>
      %eq3A_542 = arith.cmpi eq, %iota3A, %eq3A_541 : vector<16xi32>
      %select_n3A_543 = arith.select %eq3A_542, %scan3A_312, %scan3A_311 : vector<16xi1>, vector<16xf32>
      %ge3A_544 = arith.constant 2 : i32
      %ge3A_545 = vector.broadcast %ge3A_544 : i32 to vector<16xi32>
      %ge3A_546 = arith.cmpi sge, %iota3A, %ge3A_545 : vector<16xi32>
      %lt3A_547 = arith.constant 0 : i32
      %lt3A_548 = vector.broadcast %lt3A_547 : i32 to vector<16xi32>
      %lt3A_549 = arith.cmpi slt, %max3A_13, %lt3A_548 : vector<16xi32>
      %add3A_550 = arith.constant 16 : i32
      %add3A_551 = vector.broadcast %add3A_550 : i32 to vector<16xi32>
      %add3A_552 = arith.addi %max3A_13, %add3A_551 : vector<16xi32>
      %select_n3A_553 = arith.select %lt3A_549, %add3A_552, %max3A_13 : vector<16xi1>, vector<16xi32>
      %broadcast_in_dim3A_554 = vector.shape_cast %select_n3A_553 : vector<16xi32> to vector<16x1xi32>
      %gather3A_555 = vector.shape_cast %broadcast_in_dim3A_554 : vector<16x1xi32> to vector<16xi32>
      %gather3A_556 = tpu.dynamic_gather %masked_cummax3A_490[%gather3A_555] in [0] : vector<16xf32>, vector<16xi32> -> vector<16xf32>
      %jit3A_557 = arith.constant 0.000000e+00 : f32
      %broadcast_in_dim3A_558 = vector.broadcast %jit3A_557 : f32 to vector<16xf32>
      %select_n3A_559 = arith.select %ge3A_546, %gather3A_556, %broadcast_in_dim3A_558 : vector<16xi1>, vector<16xf32>
      %max3A_560 = arith.maximumf %select_n3A_543, %select_n3A_559 : vector<16xf32>
      %mul3A_561 = arith.mulf %scan3A_313, %max3A_560 : vector<16xf32>
      %sub3A_562 = arith.constant 1 : i32
      %sub3A_563 = arith.subi %scan3A_302, %sub3A_562 : i32
      %mul3A_564 = arith.constant 16 : i32
      %mul3A_565 = arith.muli %sub3A_563, %mul3A_564 : i32
      %add3A_566 = vector.broadcast %mul3A_565 : i32 to vector<16xi32>
      %add3A_567 = arith.addi %add3A_566, %iota3A : vector<16xi32>
      %gt3A_568 = arith.cmpf ogt, %mul3A_561, %scan3A_314 : vector<16xf32>
      %select_n3A_569 = arith.select %gt3A_568, %mul3A_561, %scan3A_314 : vector<16xi1>, vector<16xf32>
      %select_n3A_570 = arith.select %gt3A_568, %add3A_567, %scan3A_315 : vector<16xi1>, vector<16xi32>
      %eq3A_571 = arith.constant 15 : i32
      %eq3A_572 = vector.broadcast %eq3A_571 : i32 to vector<16xi32>
      %eq3A_573 = arith.cmpi eq, %iota3A, %eq3A_572 : vector<16xi32>
      %lt3A_574 = arith.constant 0 : i32
      %lt3A_575 = vector.broadcast %lt3A_574 : i32 to vector<16xi32>
      %lt3A_576 = arith.cmpi slt, %add3A_24, %lt3A_575 : vector<16xi32>
      %add3A_577 = arith.constant 16 : i32
      %add3A_578 = vector.broadcast %add3A_577 : i32 to vector<16xi32>
      %add3A_579 = arith.addi %add3A_24, %add3A_578 : vector<16xi32>
      %select_n3A_580 = arith.select %lt3A_576, %add3A_579, %add3A_24 : vector<16xi1>, vector<16xi32>
      %broadcast_in_dim3A_581 = vector.shape_cast %select_n3A_580 : vector<16xi32> to vector<16x1xi32>
      %gather3A_582 = vector.shape_cast %broadcast_in_dim3A_581 : vector<16x1xi32> to vector<16xi32>
      %gather3A_583 = tpu.dynamic_gather %gather3A_539[%gather3A_582] in [0] : vector<16xf32>, vector<16xi32> -> vector<16xf32>
      %select_n3A_584 = arith.select %eq3A_573, %gather3A_583, %masked_cummax3A_516 : vector<16xi1>, vector<16xf32>
      %le3A_585 = arith.constant 13 : i32
      %le3A_586 = vector.broadcast %le3A_585 : i32 to vector<16xi32>
      %le3A_587 = arith.cmpi sle, %iota3A, %le3A_586 : vector<16xi32>
      %lt3A_588 = arith.constant 0 : i32
      %lt3A_589 = vector.broadcast %lt3A_588 : i32 to vector<16xi32>
      %lt3A_590 = arith.cmpi slt, %min3A_18, %lt3A_589 : vector<16xi32>
      %add3A_591 = arith.constant 16 : i32
      %add3A_592 = vector.broadcast %add3A_591 : i32 to vector<16xi32>
      %add3A_593 = arith.addi %min3A_18, %add3A_592 : vector<16xi32>
      %select_n3A_594 = arith.select %lt3A_590, %add3A_593, %min3A_18 : vector<16xi1>, vector<16xi32>
      %broadcast_in_dim3A_595 = vector.shape_cast %select_n3A_594 : vector<16xi32> to vector<16x1xi32>
      %gather3A_596 = vector.shape_cast %broadcast_in_dim3A_595 : vector<16x1xi32> to vector<16xi32>
      %gather3A_597 = tpu.dynamic_gather %scan3A_316[%gather3A_596] in [0] : vector<16xf32>, vector<16xi32> -> vector<16xf32>
      %jit3A_598 = arith.constant 0.000000e+00 : f32
      %broadcast_in_dim3A_599 = vector.broadcast %jit3A_598 : f32 to vector<16xf32>
      %select_n3A_600 = arith.select %le3A_587, %gather3A_597, %broadcast_in_dim3A_599 : vector<16xi1>, vector<16xf32>
      %max3A_601 = arith.maximumf %select_n3A_584, %select_n3A_600 : vector<16xf32>
      %mul3A_602 = arith.mulf %select_n3A_487, %max3A_601 : vector<16xf32>
      %mul3A_603 = arith.constant 16 : i32
      %mul3A_604 = arith.muli %scan3A_302, %mul3A_603 : i32
      %add3A_605 = vector.broadcast %mul3A_604 : i32 to vector<16xi32>
      %add3A_606 = arith.addi %add3A_605, %iota3A : vector<16xi32>
      %gt3A_607 = arith.cmpf ogt, %mul3A_602, %scan3A_317 : vector<16xf32>
      %select_n3A_608 = arith.select %gt3A_607, %mul3A_602, %scan3A_317 : vector<16xi1>, vector<16xf32>
      %select_n3A_609 = arith.select %gt3A_607, %add3A_606, %scan3A_318 : vector<16xi1>, vector<16xi32>
      %lt3A_610 = arith.constant 0 : i32
      %lt3A_611 = vector.broadcast %lt3A_610 : i32 to vector<16xi32>
      %lt3A_612 = arith.cmpi slt, %add3A_21, %lt3A_611 : vector<16xi32>
      %add3A_613 = arith.constant 16 : i32
      %add3A_614 = vector.broadcast %add3A_613 : i32 to vector<16xi32>
      %add3A_615 = arith.addi %add3A_21, %add3A_614 : vector<16xi32>
      %select_n3A_616 = arith.select %lt3A_612, %add3A_615, %add3A_21 : vector<16xi1>, vector<16xi32>
      %broadcast_in_dim3A_617 = vector.shape_cast %select_n3A_616 : vector<16xi32> to vector<16x1xi32>
      %gather3A_618 = vector.shape_cast %broadcast_in_dim3A_617 : vector<16x1xi32> to vector<16xi32>
      %gather3A_619 = tpu.dynamic_gather %masked_cummax3A_490[%gather3A_618] in [0] : vector<16xf32>, vector<16xi32> -> vector<16xf32>
      %scan3A_620 = arith.constant 1 : i32
      %scan3A_621 = arith.addi %scan3A_302, %scan3A_620 : i32
      %mul3A_622 = arith.constant 16 : i32
      %mul3A_623 = arith.muli %scan3A_621, %mul3A_622 : i32
      %mul3A_624 = arith.constant 16 : i32
      %mul3A_625 = arith.muli %scan3A_621, %mul3A_624 : i32
      %add3A_626 = vector.broadcast %mul3A_625 : i32 to vector<16xi32>
      %add3A_627 = arith.addi %add3A_626, %iota3A : vector<16xi32>
      %eq3A_628 = arith.constant 0 : i32
      %eq3A_629 = vector.broadcast %eq3A_628 : i32 to vector<16xi32>
      %eq3A_630 = arith.cmpi eq, %add3A_627, %eq3A_629 : vector<16xi32>
      %get3A_631 = arith.constant 0 : i32
      %get3A_632 = arith.index_cast %get3A_631 : i32 to index
      %get3A_633 = arith.index_cast %mul3A_623 : i32 to index
      %get3A_634 = tpu.vector_load %arg9[%get3A_632, %get3A_633] {strides = array<i32>} : memref<2x512xf32, #tpu.memory_space<vmem>>, vector<16xf32>,
      %exp3A_635 = math.exp %get3A_634 : vector<16xf32>
      %get3A_636 = arith.constant 0 : i32
      %get3A_637 = arith.index_cast %get3A_636 : i32 to index
      %get3A_638 = arith.index_cast %mul3A_623 : i32 to index
      %get3A_639 = tpu.vector_load %arg10[%get3A_637, %get3A_638] {strides = array<i32>} : memref<2x512xf32, #tpu.memory_space<vmem>>, vector<16xf32>,
      %exp3A_640 = math.exp %get3A_639 : vector<16xf32>
      %jit3A_641 = arith.constant 0.000000e+00 : f32
      %broadcast_in_dim3A_642 = vector.broadcast %jit3A_641 : f32 to vector<16xf32>
      %select_n3A_643 = arith.select %eq3A_630, %broadcast_in_dim3A_642, %exp3A_635 : vector<16xi1>, vector<16xf32>
      %jit3A_644 = arith.constant 0.000000e+00 : f32
      %broadcast_in_dim3A_645 = vector.broadcast %jit3A_644 : f32 to vector<16xf32>
      %select_n3A_646 = arith.select %eq3A_630, %broadcast_in_dim3A_645, %exp3A_640 : vector<16xi1>, vector<16xf32>
      %broadcast_in_dim3A_647 = arith.constant true
      %broadcast_in_dim3A_648 = vector.broadcast %broadcast_in_dim3A_647 : i1 to vector<16xi1>
      %masked_cummax3A_649 = tpu.scan <max>, %exp3A_640 masked %broadcast_in_dim3A_648 : vector<16xf32>, vector<16xi1> -> vector<16xf32>
      %lt3A_650 = arith.constant 0 : i32
      %lt3A_651 = vector.broadcast %lt3A_650 : i32 to vector<16xi32>
      %lt3A_652 = arith.cmpi slt, %sub3A_8, %lt3A_651 : vector<16xi32>
      %add3A_653 = arith.constant 16 : i32
      %add3A_654 = vector.broadcast %add3A_653 : i32 to vector<16xi32>
      %add3A_655 = arith.addi %sub3A_8, %add3A_654 : vector<16xi32>
      %select_n3A_656 = arith.select %lt3A_652, %add3A_655, %sub3A_8 : vector<16xi1>, vector<16xi32>
      %broadcast_in_dim3A_657 = vector.shape_cast %select_n3A_656 : vector<16xi32> to vector<16x1xi32>
      %gather3A_658 = vector.shape_cast %broadcast_in_dim3A_657 : vector<16x1xi32> to vector<16xi32>
      %gather3A_659 = tpu.dynamic_gather %exp3A_640[%gather3A_658] in [0] : vector<16xf32>, vector<16xi32> -> vector<16xf32>
      %broadcast_in_dim3A_660 = arith.constant true
      %broadcast_in_dim3A_661 = vector.broadcast %broadcast_in_dim3A_660 : i1 to vector<16xi1>
      %masked_cummax3A_662 = tpu.scan <max>, %gather3A_659 masked %broadcast_in_dim3A_661 : vector<16xf32>, vector<16xi1> -> vector<16xf32>
      %lt3A_663 = arith.constant 0 : i32
      %lt3A_664 = vector.broadcast %lt3A_663 : i32 to vector<16xi32>
      %lt3A_665 = arith.cmpi slt, %sub3A_8, %lt3A_664 : vector<16xi32>
      %add3A_666 = arith.constant 16 : i32
      %add3A_667 = vector.broadcast %add3A_666 : i32 to vector<16xi32>
      %add3A_668 = arith.addi %sub3A_8, %add3A_667 : vector<16xi32>
      %select_n3A_669 = arith.select %lt3A_665, %add3A_668, %sub3A_8 : vector<16xi1>, vector<16xi32>
      %broadcast_in_dim3A_670 = vector.shape_cast %select_n3A_669 : vector<16xi32> to vector<16x1xi32>
      %gather3A_671 = vector.shape_cast %broadcast_in_dim3A_670 : vector<16x1xi32> to vector<16xi32>
      %gather3A_672 = tpu.dynamic_gather %masked_cummax3A_662[%gather3A_671] in [0] : vector<16xf32>, vector<16xi32> -> vector<16xf32>
      %broadcast_in_dim3A_673 = arith.constant true
      %broadcast_in_dim3A_674 = vector.broadcast %broadcast_in_dim3A_673 : i1 to vector<16xi1>
      %masked_cummax3A_675 = tpu.scan <max>, %select_n3A_643 masked %broadcast_in_dim3A_674 : vector<16xf32>, vector<16xi1> -> vector<16xf32>
      %lt3A_676 = arith.constant 0 : i32
      %lt3A_677 = vector.broadcast %lt3A_676 : i32 to vector<16xi32>
      %lt3A_678 = arith.cmpi slt, %sub3A_8, %lt3A_677 : vector<16xi32>
      %add3A_679 = arith.constant 16 : i32
      %add3A_680 = vector.broadcast %add3A_679 : i32 to vector<16xi32>
      %add3A_681 = arith.addi %sub3A_8, %add3A_680 : vector<16xi32>
      %select_n3A_682 = arith.select %lt3A_678, %add3A_681, %sub3A_8 : vector<16xi1>, vector<16xi32>
      %broadcast_in_dim3A_683 = vector.shape_cast %select_n3A_682 : vector<16xi32> to vector<16x1xi32>
      %gather3A_684 = vector.shape_cast %broadcast_in_dim3A_683 : vector<16x1xi32> to vector<16xi32>
      %gather3A_685 = tpu.dynamic_gather %select_n3A_643[%gather3A_684] in [0] : vector<16xf32>, vector<16xi32> -> vector<16xf32>
      %broadcast_in_dim3A_686 = arith.constant true
      %broadcast_in_dim3A_687 = vector.broadcast %broadcast_in_dim3A_686 : i1 to vector<16xi1>
      %masked_cummax3A_688 = tpu.scan <max>, %gather3A_685 masked %broadcast_in_dim3A_687 : vector<16xf32>, vector<16xi1> -> vector<16xf32>
      %lt3A_689 = arith.constant 0 : i32
      %lt3A_690 = vector.broadcast %lt3A_689 : i32 to vector<16xi32>
      %lt3A_691 = arith.cmpi slt, %sub3A_8, %lt3A_690 : vector<16xi32>
      %add3A_692 = arith.constant 16 : i32
      %add3A_693 = vector.broadcast %add3A_692 : i32 to vector<16xi32>
      %add3A_694 = arith.addi %sub3A_8, %add3A_693 : vector<16xi32>
      %select_n3A_695 = arith.select %lt3A_691, %add3A_694, %sub3A_8 : vector<16xi1>, vector<16xi32>
      %broadcast_in_dim3A_696 = vector.shape_cast %select_n3A_695 : vector<16xi32> to vector<16x1xi32>
      %gather3A_697 = vector.shape_cast %broadcast_in_dim3A_696 : vector<16x1xi32> to vector<16xi32>
      %gather3A_698 = tpu.dynamic_gather %masked_cummax3A_688[%gather3A_697] in [0] : vector<16xf32>, vector<16xi32> -> vector<16xf32>
      %eq3A_699 = arith.constant 0 : i32
      %eq3A_700 = vector.broadcast %eq3A_699 : i32 to vector<16xi32>
      %eq3A_701 = arith.cmpi eq, %iota3A, %eq3A_700 : vector<16xi32>
      %select_n3A_702 = arith.select %eq3A_701, %gather3A_471, %gather3A_367 : vector<16xi1>, vector<16xf32>
      %ge3A_703 = arith.constant 2 : i32
      %ge3A_704 = vector.broadcast %ge3A_703 : i32 to vector<16xi32>
      %ge3A_705 = arith.cmpi sge, %iota3A, %ge3A_704 : vector<16xi32>
      %lt3A_706 = arith.constant 0 : i32
      %lt3A_707 = vector.broadcast %lt3A_706 : i32 to vector<16xi32>
      %lt3A_708 = arith.cmpi slt, %max3A_13, %lt3A_707 : vector<16xi32>
      %add3A_709 = arith.constant 16 : i32
      %add3A_710 = vector.broadcast %add3A_709 : i32 to vector<16xi32>
      %add3A_711 = arith.addi %max3A_13, %add3A_710 : vector<16xi32>
      %select_n3A_712 = arith.select %lt3A_708, %add3A_711, %max3A_13 : vector<16xi1>, vector<16xi32>
      %broadcast_in_dim3A_713 = vector.shape_cast %select_n3A_712 : vector<16xi32> to vector<16x1xi32>
      %gather3A_714 = vector.shape_cast %broadcast_in_dim3A_713 : vector<16x1xi32> to vector<16xi32>
      %gather3A_715 = tpu.dynamic_gather %masked_cummax3A_649[%gather3A_714] in [0] : vector<16xf32>, vector<16xi32> -> vector<16xf32>
      %jit3A_716 = arith.constant 0.000000e+00 : f32
      %broadcast_in_dim3A_717 = vector.broadcast %jit3A_716 : f32 to vector<16xf32>
      %select_n3A_718 = arith.select %ge3A_705, %gather3A_715, %broadcast_in_dim3A_717 : vector<16xi1>, vector<16xf32>
      %max3A_719 = arith.maximumf %select_n3A_702, %select_n3A_718 : vector<16xf32>
      %mul3A_720 = arith.mulf %select_n3A_340, %max3A_719 : vector<16xf32>
      %sub3A_721 = arith.constant 1 : i32
      %sub3A_722 = arith.subi %scan3A_621, %sub3A_721 : i32
      %mul3A_723 = arith.constant 16 : i32
      %mul3A_724 = arith.muli %sub3A_722, %mul3A_723 : i32
      %add3A_725 = vector.broadcast %mul3A_724 : i32 to vector<16xi32>
      %add3A_726 = arith.addi %add3A_725, %iota3A : vector<16xi32>
      %gt3A_727 = arith.cmpf ogt, %mul3A_720, %select_n3A_422 : vector<16xf32>
      %select_n3A_728 = arith.select %gt3A_727, %mul3A_720, %select_n3A_422 : vector<16xi1>, vector<16xf32>
      %select_n3A_729 = arith.select %gt3A_727, %add3A_726, %select_n3A_423 : vector<16xi1>, vector<16xi32>
      %eq3A_730 = arith.constant 15 : i32
      %eq3A_731 = vector.broadcast %eq3A_730 : i32 to vector<16xi32>
      %eq3A_732 = arith.cmpi eq, %iota3A, %eq3A_731 : vector<16xi32>
      %lt3A_733 = arith.constant 0 : i32
      %lt3A_734 = vector.broadcast %lt3A_733 : i32 to vector<16xi32>
      %lt3A_735 = arith.cmpi slt, %add3A_24, %lt3A_734 : vector<16xi32>
      %add3A_736 = arith.constant 16 : i32
      %add3A_737 = vector.broadcast %add3A_736 : i32 to vector<16xi32>
      %add3A_738 = arith.addi %add3A_24, %add3A_737 : vector<16xi32>
      %select_n3A_739 = arith.select %lt3A_735, %add3A_738, %add3A_24 : vector<16xi1>, vector<16xi32>
      %broadcast_in_dim3A_740 = vector.shape_cast %select_n3A_739 : vector<16xi32> to vector<16x1xi32>
      %gather3A_741 = vector.shape_cast %broadcast_in_dim3A_740 : vector<16x1xi32> to vector<16xi32>
      %gather3A_742 = tpu.dynamic_gather %gather3A_698[%gather3A_741] in [0] : vector<16xf32>, vector<16xi32> -> vector<16xf32>
      %select_n3A_743 = arith.select %eq3A_732, %gather3A_742, %masked_cummax3A_675 : vector<16xi1>, vector<16xf32>
      %le3A_744 = arith.constant 13 : i32
      %le3A_745 = vector.broadcast %le3A_744 : i32 to vector<16xi32>
      %le3A_746 = arith.cmpi sle, %iota3A, %le3A_745 : vector<16xi32>
      %lt3A_747 = arith.constant 0 : i32
      %lt3A_748 = vector.broadcast %lt3A_747 : i32 to vector<16xi32>
      %lt3A_749 = arith.cmpi slt, %min3A_18, %lt3A_748 : vector<16xi32>
      %add3A_750 = arith.constant 16 : i32
      %add3A_751 = vector.broadcast %add3A_750 : i32 to vector<16xi32>
      %add3A_752 = arith.addi %min3A_18, %add3A_751 : vector<16xi32>
      %select_n3A_753 = arith.select %lt3A_749, %add3A_752, %min3A_18 : vector<16xi1>, vector<16xi32>
      %broadcast_in_dim3A_754 = vector.shape_cast %select_n3A_753 : vector<16xi32> to vector<16x1xi32>
      %gather3A_755 = vector.shape_cast %broadcast_in_dim3A_754 : vector<16x1xi32> to vector<16xi32>
      %gather3A_756 = tpu.dynamic_gather %gather3A_393[%gather3A_755] in [0] : vector<16xf32>, vector<16xi32> -> vector<16xf32>
      %jit3A_757 = arith.constant 0.000000e+00 : f32
      %broadcast_in_dim3A_758 = vector.broadcast %jit3A_757 : f32 to vector<16xf32>
      %select_n3A_759 = arith.select %le3A_746, %gather3A_756, %broadcast_in_dim3A_758 : vector<16xi1>, vector<16xf32>
      %max3A_760 = arith.maximumf %select_n3A_743, %select_n3A_759 : vector<16xf32>
      %mul3A_761 = arith.mulf %select_n3A_646, %max3A_760 : vector<16xf32>
      %mul3A_762 = arith.constant 16 : i32
      %mul3A_763 = arith.muli %scan3A_621, %mul3A_762 : i32
      %add3A_764 = vector.broadcast %mul3A_763 : i32 to vector<16xi32>
      %add3A_765 = arith.addi %add3A_764, %iota3A : vector<16xi32>
      %gt3A_766 = arith.cmpf ogt, %mul3A_761, %select_n3A_460 : vector<16xf32>
      %select_n3A_767 = arith.select %gt3A_766, %mul3A_761, %select_n3A_460 : vector<16xi1>, vector<16xf32>
      %select_n3A_768 = arith.select %gt3A_766, %add3A_765, %select_n3A_461 : vector<16xi1>, vector<16xi32>
      %lt3A_769 = arith.constant 0 : i32
      %lt3A_770 = vector.broadcast %lt3A_769 : i32 to vector<16xi32>
      %lt3A_771 = arith.cmpi slt, %add3A_21, %lt3A_770 : vector<16xi32>
      %add3A_772 = arith.constant 16 : i32
      %add3A_773 = vector.broadcast %add3A_772 : i32 to vector<16xi32>
      %add3A_774 = arith.addi %add3A_21, %add3A_773 : vector<16xi32>
      %select_n3A_775 = arith.select %lt3A_771, %add3A_774, %add3A_21 : vector<16xi1>, vector<16xi32>
      %broadcast_in_dim3A_776 = vector.shape_cast %select_n3A_775 : vector<16xi32> to vector<16x1xi32>
      %gather3A_777 = vector.shape_cast %broadcast_in_dim3A_776 : vector<16x1xi32> to vector<16xi32>
      %gather3A_778 = tpu.dynamic_gather %masked_cummax3A_649[%gather3A_777] in [0] : vector<16xf32>, vector<16xi32> -> vector<16xf32>
      %get3A_779 = arith.constant 1 : i32
      %get3A_780 = arith.index_cast %get3A_779 : i32 to index
      %get3A_781 = arith.index_cast %mul3A_623 : i32 to index
      %get3A_782 = tpu.vector_load %arg9[%get3A_780, %get3A_781] {strides = array<i32>} : memref<2x512xf32, #tpu.memory_space<vmem>>, vector<16xf32>,
      %exp3A_783 = math.exp %get3A_782 : vector<16xf32>
      %get3A_784 = arith.constant 1 : i32
      %get3A_785 = arith.index_cast %get3A_784 : i32 to index
      %get3A_786 = arith.index_cast %mul3A_623 : i32 to index
      %get3A_787 = tpu.vector_load %arg10[%get3A_785, %get3A_786] {strides = array<i32>} : memref<2x512xf32, #tpu.memory_space<vmem>>, vector<16xf32>,
      %exp3A_788 = math.exp %get3A_787 : vector<16xf32>
      %jit3A_789 = arith.constant 0.000000e+00 : f32
      %broadcast_in_dim3A_790 = vector.broadcast %jit3A_789 : f32 to vector<16xf32>
      %select_n3A_791 = arith.select %eq3A_630, %broadcast_in_dim3A_790, %exp3A_783 : vector<16xi1>, vector<16xf32>
      %jit3A_792 = arith.constant 0.000000e+00 : f32
      %broadcast_in_dim3A_793 = vector.broadcast %jit3A_792 : f32 to vector<16xf32>
      %select_n3A_794 = arith.select %eq3A_630, %broadcast_in_dim3A_793, %exp3A_788 : vector<16xi1>, vector<16xf32>
      %broadcast_in_dim3A_795 = arith.constant true
      %broadcast_in_dim3A_796 = vector.broadcast %broadcast_in_dim3A_795 : i1 to vector<16xi1>
      %masked_cummax3A_797 = tpu.scan <max>, %exp3A_788 masked %broadcast_in_dim3A_796 : vector<16xf32>, vector<16xi1> -> vector<16xf32>
      %lt3A_798 = arith.constant 0 : i32
      %lt3A_799 = vector.broadcast %lt3A_798 : i32 to vector<16xi32>
      %lt3A_800 = arith.cmpi slt, %sub3A_8, %lt3A_799 : vector<16xi32>
      %add3A_801 = arith.constant 16 : i32
      %add3A_802 = vector.broadcast %add3A_801 : i32 to vector<16xi32>
      %add3A_803 = arith.addi %sub3A_8, %add3A_802 : vector<16xi32>
      %select_n3A_804 = arith.select %lt3A_800, %add3A_803, %sub3A_8 : vector<16xi1>, vector<16xi32>
      %broadcast_in_dim3A_805 = vector.shape_cast %select_n3A_804 : vector<16xi32> to vector<16x1xi32>
      %gather3A_806 = vector.shape_cast %broadcast_in_dim3A_805 : vector<16x1xi32> to vector<16xi32>
      %gather3A_807 = tpu.dynamic_gather %exp3A_788[%gather3A_806] in [0] : vector<16xf32>, vector<16xi32> -> vector<16xf32>
      %broadcast_in_dim3A_808 = arith.constant true
      %broadcast_in_dim3A_809 = vector.broadcast %broadcast_in_dim3A_808 : i1 to vector<16xi1>
      %masked_cummax3A_810 = tpu.scan <max>, %gather3A_807 masked %broadcast_in_dim3A_809 : vector<16xf32>, vector<16xi1> -> vector<16xf32>
      %lt3A_811 = arith.constant 0 : i32
      %lt3A_812 = vector.broadcast %lt3A_811 : i32 to vector<16xi32>
      %lt3A_813 = arith.cmpi slt, %sub3A_8, %lt3A_812 : vector<16xi32>
      %add3A_814 = arith.constant 16 : i32
      %add3A_815 = vector.broadcast %add3A_814 : i32 to vector<16xi32>
      %add3A_816 = arith.addi %sub3A_8, %add3A_815 : vector<16xi32>
      %select_n3A_817 = arith.select %lt3A_813, %add3A_816, %sub3A_8 : vector<16xi1>, vector<16xi32>
      %broadcast_in_dim3A_818 = vector.shape_cast %select_n3A_817 : vector<16xi32> to vector<16x1xi32>
      %gather3A_819 = vector.shape_cast %broadcast_in_dim3A_818 : vector<16x1xi32> to vector<16xi32>
      %gather3A_820 = tpu.dynamic_gather %masked_cummax3A_810[%gather3A_819] in [0] : vector<16xf32>, vector<16xi32> -> vector<16xf32>
      %broadcast_in_dim3A_821 = arith.constant true
      %broadcast_in_dim3A_822 = vector.broadcast %broadcast_in_dim3A_821 : i1 to vector<16xi1>
      %masked_cummax3A_823 = tpu.scan <max>, %select_n3A_791 masked %broadcast_in_dim3A_822 : vector<16xf32>, vector<16xi1> -> vector<16xf32>
      %lt3A_824 = arith.constant 0 : i32
      %lt3A_825 = vector.broadcast %lt3A_824 : i32 to vector<16xi32>
      %lt3A_826 = arith.cmpi slt, %sub3A_8, %lt3A_825 : vector<16xi32>
      %add3A_827 = arith.constant 16 : i32
      %add3A_828 = vector.broadcast %add3A_827 : i32 to vector<16xi32>
      %add3A_829 = arith.addi %sub3A_8, %add3A_828 : vector<16xi32>
      %select_n3A_830 = arith.select %lt3A_826, %add3A_829, %sub3A_8 : vector<16xi1>, vector<16xi32>
      %broadcast_in_dim3A_831 = vector.shape_cast %select_n3A_830 : vector<16xi32> to vector<16x1xi32>
      %gather3A_832 = vector.shape_cast %broadcast_in_dim3A_831 : vector<16x1xi32> to vector<16xi32>
      %gather3A_833 = tpu.dynamic_gather %select_n3A_791[%gather3A_832] in [0] : vector<16xf32>, vector<16xi32> -> vector<16xf32>
      %broadcast_in_dim3A_834 = arith.constant true
      %broadcast_in_dim3A_835 = vector.broadcast %broadcast_in_dim3A_834 : i1 to vector<16xi1>
      %masked_cummax3A_836 = tpu.scan <max>, %gather3A_833 masked %broadcast_in_dim3A_835 : vector<16xf32>, vector<16xi1> -> vector<16xf32>
      %lt3A_837 = arith.constant 0 : i32
      %lt3A_838 = vector.broadcast %lt3A_837 : i32 to vector<16xi32>
      %lt3A_839 = arith.cmpi slt, %sub3A_8, %lt3A_838 : vector<16xi32>
      %add3A_840 = arith.constant 16 : i32
      %add3A_841 = vector.broadcast %add3A_840 : i32 to vector<16xi32>
      %add3A_842 = arith.addi %sub3A_8, %add3A_841 : vector<16xi32>
      %select_n3A_843 = arith.select %lt3A_839, %add3A_842, %sub3A_8 : vector<16xi1>, vector<16xi32>
      %broadcast_in_dim3A_844 = vector.shape_cast %select_n3A_843 : vector<16xi32> to vector<16x1xi32>
      %gather3A_845 = vector.shape_cast %broadcast_in_dim3A_844 : vector<16x1xi32> to vector<16xi32>
      %gather3A_846 = tpu.dynamic_gather %masked_cummax3A_836[%gather3A_845] in [0] : vector<16xf32>, vector<16xi32> -> vector<16xf32>
      %eq3A_847 = arith.constant 0 : i32
      %eq3A_848 = vector.broadcast %eq3A_847 : i32 to vector<16xi32>
      %eq3A_849 = arith.cmpi eq, %iota3A, %eq3A_848 : vector<16xi32>
      %select_n3A_850 = arith.select %eq3A_849, %gather3A_619, %gather3A_513 : vector<16xi1>, vector<16xf32>
      %ge3A_851 = arith.constant 2 : i32
      %ge3A_852 = vector.broadcast %ge3A_851 : i32 to vector<16xi32>
      %ge3A_853 = arith.cmpi sge, %iota3A, %ge3A_852 : vector<16xi32>
      %lt3A_854 = arith.constant 0 : i32
      %lt3A_855 = vector.broadcast %lt3A_854 : i32 to vector<16xi32>
      %lt3A_856 = arith.cmpi slt, %max3A_13, %lt3A_855 : vector<16xi32>
      %add3A_857 = arith.constant 16 : i32
      %add3A_858 = vector.broadcast %add3A_857 : i32 to vector<16xi32>
      %add3A_859 = arith.addi %max3A_13, %add3A_858 : vector<16xi32>
      %select_n3A_860 = arith.select %lt3A_856, %add3A_859, %max3A_13 : vector<16xi1>, vector<16xi32>
      %broadcast_in_dim3A_861 = vector.shape_cast %select_n3A_860 : vector<16xi32> to vector<16x1xi32>
      %gather3A_862 = vector.shape_cast %broadcast_in_dim3A_861 : vector<16x1xi32> to vector<16xi32>
      %gather3A_863 = tpu.dynamic_gather %masked_cummax3A_797[%gather3A_862] in [0] : vector<16xf32>, vector<16xi32> -> vector<16xf32>
      %jit3A_864 = arith.constant 0.000000e+00 : f32
      %broadcast_in_dim3A_865 = vector.broadcast %jit3A_864 : f32 to vector<16xf32>
      %select_n3A_866 = arith.select %ge3A_853, %gather3A_863, %broadcast_in_dim3A_865 : vector<16xi1>, vector<16xf32>
      %max3A_867 = arith.maximumf %select_n3A_850, %select_n3A_866 : vector<16xf32>
      %mul3A_868 = arith.mulf %select_n3A_484, %max3A_867 : vector<16xf32>
      %sub3A_869 = arith.constant 1 : i32
      %sub3A_870 = arith.subi %scan3A_621, %sub3A_869 : i32
      %mul3A_871 = arith.constant 16 : i32
      %mul3A_872 = arith.muli %sub3A_870, %mul3A_871 : i32
      %add3A_873 = vector.broadcast %mul3A_872 : i32 to vector<16xi32>
      %add3A_874 = arith.addi %add3A_873, %iota3A : vector<16xi32>
      %gt3A_875 = arith.cmpf ogt, %mul3A_868, %select_n3A_569 : vector<16xf32>
      %select_n3A_876 = arith.select %gt3A_875, %mul3A_868, %select_n3A_569 : vector<16xi1>, vector<16xf32>
      %select_n3A_877 = arith.select %gt3A_875, %add3A_874, %select_n3A_570 : vector<16xi1>, vector<16xi32>
      %eq3A_878 = arith.constant 15 : i32
      %eq3A_879 = vector.broadcast %eq3A_878 : i32 to vector<16xi32>
      %eq3A_880 = arith.cmpi eq, %iota3A, %eq3A_879 : vector<16xi32>
      %lt3A_881 = arith.constant 0 : i32
      %lt3A_882 = vector.broadcast %lt3A_881 : i32 to vector<16xi32>
      %lt3A_883 = arith.cmpi slt, %add3A_24, %lt3A_882 : vector<16xi32>
      %add3A_884 = arith.constant 16 : i32
      %add3A_885 = vector.broadcast %add3A_884 : i32 to vector<16xi32>
      %add3A_886 = arith.addi %add3A_24, %add3A_885 : vector<16xi32>
      %select_n3A_887 = arith.select %lt3A_883, %add3A_886, %add3A_24 : vector<16xi1>, vector<16xi32>
      %broadcast_in_dim3A_888 = vector.shape_cast %select_n3A_887 : vector<16xi32> to vector<16x1xi32>
      %gather3A_889 = vector.shape_cast %broadcast_in_dim3A_888 : vector<16x1xi32> to vector<16xi32>
      %gather3A_890 = tpu.dynamic_gather %gather3A_846[%gather3A_889] in [0] : vector<16xf32>, vector<16xi32> -> vector<16xf32>
      %select_n3A_891 = arith.select %eq3A_880, %gather3A_890, %masked_cummax3A_823 : vector<16xi1>, vector<16xf32>
      %le3A_892 = arith.constant 13 : i32
      %le3A_893 = vector.broadcast %le3A_892 : i32 to vector<16xi32>
      %le3A_894 = arith.cmpi sle, %iota3A, %le3A_893 : vector<16xi32>
      %lt3A_895 = arith.constant 0 : i32
      %lt3A_896 = vector.broadcast %lt3A_895 : i32 to vector<16xi32>
      %lt3A_897 = arith.cmpi slt, %min3A_18, %lt3A_896 : vector<16xi32>
      %add3A_898 = arith.constant 16 : i32
      %add3A_899 = vector.broadcast %add3A_898 : i32 to vector<16xi32>
      %add3A_900 = arith.addi %min3A_18, %add3A_899 : vector<16xi32>
      %select_n3A_901 = arith.select %lt3A_897, %add3A_900, %min3A_18 : vector<16xi1>, vector<16xi32>
      %broadcast_in_dim3A_902 = vector.shape_cast %select_n3A_901 : vector<16xi32> to vector<16x1xi32>
      %gather3A_903 = vector.shape_cast %broadcast_in_dim3A_902 : vector<16x1xi32> to vector<16xi32>
      %gather3A_904 = tpu.dynamic_gather %gather3A_539[%gather3A_903] in [0] : vector<16xf32>, vector<16xi32> -> vector<16xf32>
      %jit3A_905 = arith.constant 0.000000e+00 : f32
      %broadcast_in_dim3A_906 = vector.broadcast %jit3A_905 : f32 to vector<16xf32>
      %select_n3A_907 = arith.select %le3A_894, %gather3A_904, %broadcast_in_dim3A_906 : vector<16xi1>, vector<16xf32>
      %max3A_908 = arith.maximumf %select_n3A_891, %select_n3A_907 : vector<16xf32>
      %mul3A_909 = arith.mulf %select_n3A_794, %max3A_908 : vector<16xf32>
      %mul3A_910 = arith.constant 16 : i32
      %mul3A_911 = arith.muli %scan3A_621, %mul3A_910 : i32
      %add3A_912 = vector.broadcast %mul3A_911 : i32 to vector<16xi32>
      %add3A_913 = arith.addi %add3A_912, %iota3A : vector<16xi32>
      %gt3A_914 = arith.cmpf ogt, %mul3A_909, %select_n3A_608 : vector<16xf32>
      %select_n3A_915 = arith.select %gt3A_914, %mul3A_909, %select_n3A_608 : vector<16xi1>, vector<16xf32>
      %select_n3A_916 = arith.select %gt3A_914, %add3A_913, %select_n3A_609 : vector<16xi1>, vector<16xi32>
      %lt3A_917 = arith.constant 0 : i32
      %lt3A_918 = vector.broadcast %lt3A_917 : i32 to vector<16xi32>
      %lt3A_919 = arith.cmpi slt, %add3A_21, %lt3A_918 : vector<16xi32>
      %add3A_920 = arith.constant 16 : i32
      %add3A_921 = vector.broadcast %add3A_920 : i32 to vector<16xi32>
      %add3A_922 = arith.addi %add3A_21, %add3A_921 : vector<16xi32>
      %select_n3A_923 = arith.select %lt3A_919, %add3A_922, %add3A_21 : vector<16xi1>, vector<16xi32>
      %broadcast_in_dim3A_924 = vector.shape_cast %select_n3A_923 : vector<16xi32> to vector<16x1xi32>
      %gather3A_925 = vector.shape_cast %broadcast_in_dim3A_924 : vector<16x1xi32> to vector<16xi32>
      %gather3A_926 = tpu.dynamic_gather %masked_cummax3A_797[%gather3A_925] in [0] : vector<16xf32>, vector<16xi32> -> vector<16xf32>
      %scan3A_927 = arith.constant 2 : i32
      %scan3A_928 = arith.addi %scan3A_302, %scan3A_927 : i32
      %mul3A_929 = arith.constant 16 : i32
      %mul3A_930 = arith.muli %scan3A_928, %mul3A_929 : i32
      %mul3A_931 = arith.constant 16 : i32
      %mul3A_932 = arith.muli %scan3A_928, %mul3A_931 : i32
      %add3A_933 = vector.broadcast %mul3A_932 : i32 to vector<16xi32>
      %add3A_934 = arith.addi %add3A_933, %iota3A : vector<16xi32>
      %eq3A_935 = arith.constant 0 : i32
      %eq3A_936 = vector.broadcast %eq3A_935 : i32 to vector<16xi32>
      %eq3A_937 = arith.cmpi eq, %add3A_934, %eq3A_936 : vector<16xi32>
      %get3A_938 = arith.constant 0 : i32
      %get3A_939 = arith.index_cast %get3A_938 : i32 to index
      %get3A_940 = arith.index_cast %mul3A_930 : i32 to index
      %get3A_941 = tpu.vector_load %arg9[%get3A_939, %get3A_940] {strides = array<i32>} : memref<2x512xf32, #tpu.memory_space<vmem>>, vector<16xf32>,
      %exp3A_942 = math.exp %get3A_941 : vector<16xf32>
      %get3A_943 = arith.constant 0 : i32
      %get3A_944 = arith.index_cast %get3A_943 : i32 to index
      %get3A_945 = arith.index_cast %mul3A_930 : i32 to index
      %get3A_946 = tpu.vector_load %arg10[%get3A_944, %get3A_945] {strides = array<i32>} : memref<2x512xf32, #tpu.memory_space<vmem>>, vector<16xf32>,
      %exp3A_947 = math.exp %get3A_946 : vector<16xf32>
      %jit3A_948 = arith.constant 0.000000e+00 : f32
      %broadcast_in_dim3A_949 = vector.broadcast %jit3A_948 : f32 to vector<16xf32>
      %select_n3A_950 = arith.select %eq3A_937, %broadcast_in_dim3A_949, %exp3A_942 : vector<16xi1>, vector<16xf32>
      %jit3A_951 = arith.constant 0.000000e+00 : f32
      %broadcast_in_dim3A_952 = vector.broadcast %jit3A_951 : f32 to vector<16xf32>
      %select_n3A_953 = arith.select %eq3A_937, %broadcast_in_dim3A_952, %exp3A_947 : vector<16xi1>, vector<16xf32>
      %broadcast_in_dim3A_954 = arith.constant true
      %broadcast_in_dim3A_955 = vector.broadcast %broadcast_in_dim3A_954 : i1 to vector<16xi1>
      %masked_cummax3A_956 = tpu.scan <max>, %exp3A_947 masked %broadcast_in_dim3A_955 : vector<16xf32>, vector<16xi1> -> vector<16xf32>
      %lt3A_957 = arith.constant 0 : i32
      %lt3A_958 = vector.broadcast %lt3A_957 : i32 to vector<16xi32>
      %lt3A_959 = arith.cmpi slt, %sub3A_8, %lt3A_958 : vector<16xi32>
      %add3A_960 = arith.constant 16 : i32
      %add3A_961 = vector.broadcast %add3A_960 : i32 to vector<16xi32>
      %add3A_962 = arith.addi %sub3A_8, %add3A_961 : vector<16xi32>
      %select_n3A_963 = arith.select %lt3A_959, %add3A_962, %sub3A_8 : vector<16xi1>, vector<16xi32>
      %broadcast_in_dim3A_964 = vector.shape_cast %select_n3A_963 : vector<16xi32> to vector<16x1xi32>
      %gather3A_965 = vector.shape_cast %broadcast_in_dim3A_964 : vector<16x1xi32> to vector<16xi32>
      %gather3A_966 = tpu.dynamic_gather %exp3A_947[%gather3A_965] in [0] : vector<16xf32>, vector<16xi32> -> vector<16xf32>
      %broadcast_in_dim3A_967 = arith.constant true
      %broadcast_in_dim3A_968 = vector.broadcast %broadcast_in_dim3A_967 : i1 to vector<16xi1>
      %masked_cummax3A_969 = tpu.scan <max>, %gather3A_966 masked %broadcast_in_dim3A_968 : vector<16xf32>, vector<16xi1> -> vector<16xf32>
      %lt3A_970 = arith.constant 0 : i32
      %lt3A_971 = vector.broadcast %lt3A_970 : i32 to vector<16xi32>
      %lt3A_972 = arith.cmpi slt, %sub3A_8, %lt3A_971 : vector<16xi32>
      %add3A_973 = arith.constant 16 : i32
      %add3A_974 = vector.broadcast %add3A_973 : i32 to vector<16xi32>
      %add3A_975 = arith.addi %sub3A_8, %add3A_974 : vector<16xi32>
      %select_n3A_976 = arith.select %lt3A_972, %add3A_975, %sub3A_8 : vector<16xi1>, vector<16xi32>
      %broadcast_in_dim3A_977 = vector.shape_cast %select_n3A_976 : vector<16xi32> to vector<16x1xi32>
      %gather3A_978 = vector.shape_cast %broadcast_in_dim3A_977 : vector<16x1xi32> to vector<16xi32>
      %gather3A_979 = tpu.dynamic_gather %masked_cummax3A_969[%gather3A_978] in [0] : vector<16xf32>, vector<16xi32> -> vector<16xf32>
      %broadcast_in_dim3A_980 = arith.constant true
      %broadcast_in_dim3A_981 = vector.broadcast %broadcast_in_dim3A_980 : i1 to vector<16xi1>
      %masked_cummax3A_982 = tpu.scan <max>, %select_n3A_950 masked %broadcast_in_dim3A_981 : vector<16xf32>, vector<16xi1> -> vector<16xf32>
      %lt3A_983 = arith.constant 0 : i32
      %lt3A_984 = vector.broadcast %lt3A_983 : i32 to vector<16xi32>
      %lt3A_985 = arith.cmpi slt, %sub3A_8, %lt3A_984 : vector<16xi32>
      %add3A_986 = arith.constant 16 : i32
      %add3A_987 = vector.broadcast %add3A_986 : i32 to vector<16xi32>
      %add3A_988 = arith.addi %sub3A_8, %add3A_987 : vector<16xi32>
      %select_n3A_989 = arith.select %lt3A_985, %add3A_988, %sub3A_8 : vector<16xi1>, vector<16xi32>
      %broadcast_in_dim3A_990 = vector.shape_cast %select_n3A_989 : vector<16xi32> to vector<16x1xi32>
      %gather3A_991 = vector.shape_cast %broadcast_in_dim3A_990 : vector<16x1xi32> to vector<16xi32>
      %gather3A_992 = tpu.dynamic_gather %select_n3A_950[%gather3A_991] in [0] : vector<16xf32>, vector<16xi32> -> vector<16xf32>
      %broadcast_in_dim3A_993 = arith.constant true
      %broadcast_in_dim3A_994 = vector.broadcast %broadcast_in_dim3A_993 : i1 to vector<16xi1>
      %masked_cummax3A_995 = tpu.scan <max>, %gather3A_992 masked %broadcast_in_dim3A_994 : vector<16xf32>, vector<16xi1> -> vector<16xf32>
      %lt3A_996 = arith.constant 0 : i32
      %lt3A_997 = vector.broadcast %lt3A_996 : i32 to vector<16xi32>
      %lt3A_998 = arith.cmpi slt, %sub3A_8, %lt3A_997 : vector<16xi32>
      %add3A_999 = arith.constant 16 : i32
      %add3A_1000 = vector.broadcast %add3A_999 : i32 to vector<16xi32>
      %add3A_1001 = arith.addi %sub3A_8, %add3A_1000 : vector<16xi32>
      %select_n3A_1002 = arith.select %lt3A_998, %add3A_1001, %sub3A_8 : vector<16xi1>, vector<16xi32>
      %broadcast_in_dim3A_1003 = vector.shape_cast %select_n3A_1002 : vector<16xi32> to vector<16x1xi32>
      %gather3A_1004 = vector.shape_cast %broadcast_in_dim3A_1003 : vector<16x1xi32> to vector<16xi32>
      %gather3A_1005 = tpu.dynamic_gather %masked_cummax3A_995[%gather3A_1004] in [0] : vector<16xf32>, vector<16xi32> -> vector<16xf32>
      %eq3A_1006 = arith.constant 0 : i32
      %eq3A_1007 = vector.broadcast %eq3A_1006 : i32 to vector<16xi32>
      %eq3A_1008 = arith.cmpi eq, %iota3A, %eq3A_1007 : vector<16xi32>
      %select_n3A_1009 = arith.select %eq3A_1008, %gather3A_778, %gather3A_672 : vector<16xi1>, vector<16xf32>
      %ge3A_1010 = arith.constant 2 : i32
      %ge3A_1011 = vector.broadcast %ge3A_1010 : i32 to vector<16xi32>
      %ge3A_1012 = arith.cmpi sge, %iota3A, %ge3A_1011 : vector<16xi32>
      %lt3A_1013 = arith.constant 0 : i32
      %lt3A_1014 = vector.broadcast %lt3A_1013 : i32 to vector<16xi32>
      %lt3A_1015 = arith.cmpi slt, %max3A_13, %lt3A_1014 : vector<16xi32>
      %add3A_1016 = arith.constant 16 : i32
      %add3A_1017 = vector.broadcast %add3A_1016 : i32 to vector<16xi32>
      %add3A_1018 = arith.addi %max3A_13, %add3A_1017 : vector<16xi32>
      %select_n3A_1019 = arith.select %lt3A_1015, %add3A_1018, %max3A_13 : vector<16xi1>, vector<16xi32>
      %broadcast_in_dim3A_1020 = vector.shape_cast %select_n3A_1019 : vector<16xi32> to vector<16x1xi32>
      %gather3A_1021 = vector.shape_cast %broadcast_in_dim3A_1020 : vector<16x1xi32> to vector<16xi32>
      %gather3A_1022 = tpu.dynamic_gather %masked_cummax3A_956[%gather3A_1021] in [0] : vector<16xf32>, vector<16xi32> -> vector<16xf32>
      %jit3A_1023 = arith.constant 0.000000e+00 : f32
      %broadcast_in_dim3A_1024 = vector.broadcast %jit3A_1023 : f32 to vector<16xf32>
      %select_n3A_1025 = arith.select %ge3A_1012, %gather3A_1022, %broadcast_in_dim3A_1024 : vector<16xi1>, vector<16xf32>
      %max3A_1026 = arith.maximumf %select_n3A_1009, %select_n3A_1025 : vector<16xf32>
      %mul3A_1027 = arith.mulf %select_n3A_643, %max3A_1026 : vector<16xf32>
      %sub3A_1028 = arith.constant 1 : i32
      %sub3A_1029 = arith.subi %scan3A_928, %sub3A_1028 : i32
      %mul3A_1030 = arith.constant 16 : i32
      %mul3A_1031 = arith.muli %sub3A_1029, %mul3A_1030 : i32
      %add3A_1032 = vector.broadcast %mul3A_1031 : i32 to vector<16xi32>
      %add3A_1033 = arith.addi %add3A_1032, %iota3A : vector<16xi32>
      %gt3A_1034 = arith.cmpf ogt, %mul3A_1027, %select_n3A_728 : vector<16xf32>
      %select_n3A_1035 = arith.select %gt3A_1034, %mul3A_1027, %select_n3A_728 : vector<16xi1>, vector<16xf32>
      %select_n3A_1036 = arith.select %gt3A_1034, %add3A_1033, %select_n3A_729 : vector<16xi1>, vector<16xi32>
      %eq3A_1037 = arith.constant 15 : i32
      %eq3A_1038 = vector.broadcast %eq3A_1037 : i32 to vector<16xi32>
      %eq3A_1039 = arith.cmpi eq, %iota3A, %eq3A_1038 : vector<16xi32>
      %lt3A_1040 = arith.constant 0 : i32
      %lt3A_1041 = vector.broadcast %lt3A_1040 : i32 to vector<16xi32>
      %lt3A_1042 = arith.cmpi slt, %add3A_24, %lt3A_1041 : vector<16xi32>
      %add3A_1043 = arith.constant 16 : i32
      %add3A_1044 = vector.broadcast %add3A_1043 : i32 to vector<16xi32>
      %add3A_1045 = arith.addi %add3A_24, %add3A_1044 : vector<16xi32>
      %select_n3A_1046 = arith.select %lt3A_1042, %add3A_1045, %add3A_24 : vector<16xi1>, vector<16xi32>
      %broadcast_in_dim3A_1047 = vector.shape_cast %select_n3A_1046 : vector<16xi32> to vector<16x1xi32>
      %gather3A_1048 = vector.shape_cast %broadcast_in_dim3A_1047 : vector<16x1xi32> to vector<16xi32>
      %gather3A_1049 = tpu.dynamic_gather %gather3A_1005[%gather3A_1048] in [0] : vector<16xf32>, vector<16xi32> -> vector<16xf32>
      %select_n3A_1050 = arith.select %eq3A_1039, %gather3A_1049, %masked_cummax3A_982 : vector<16xi1>, vector<16xf32>
      %le3A_1051 = arith.constant 13 : i32
      %le3A_1052 = vector.broadcast %le3A_1051 : i32 to vector<16xi32>
      %le3A_1053 = arith.cmpi sle, %iota3A, %le3A_1052 : vector<16xi32>
      %lt3A_1054 = arith.constant 0 : i32
      %lt3A_1055 = vector.broadcast %lt3A_1054 : i32 to vector<16xi32>
      %lt3A_1056 = arith.cmpi slt, %min3A_18, %lt3A_1055 : vector<16xi32>
      %add3A_1057 = arith.constant 16 : i32
      %add3A_1058 = vector.broadcast %add3A_1057 : i32 to vector<16xi32>
      %add3A_1059 = arith.addi %min3A_18, %add3A_1058 : vector<16xi32>
      %select_n3A_1060 = arith.select %lt3A_1056, %add3A_1059, %min3A_18 : vector<16xi1>, vector<16xi32>
      %broadcast_in_dim3A_1061 = vector.shape_cast %select_n3A_1060 : vector<16xi32> to vector<16x1xi32>
      %gather3A_1062 = vector.shape_cast %broadcast_in_dim3A_1061 : vector<16x1xi32> to vector<16xi32>
      %gather3A_1063 = tpu.dynamic_gather %gather3A_698[%gather3A_1062] in [0] : vector<16xf32>, vector<16xi32> -> vector<16xf32>
      %jit3A_1064 = arith.constant 0.000000e+00 : f32
      %broadcast_in_dim3A_1065 = vector.broadcast %jit3A_1064 : f32 to vector<16xf32>
      %select_n3A_1066 = arith.select %le3A_1053, %gather3A_1063, %broadcast_in_dim3A_1065 : vector<16xi1>, vector<16xf32>
      %max3A_1067 = arith.maximumf %select_n3A_1050, %select_n3A_1066 : vector<16xf32>
      %mul3A_1068 = arith.mulf %select_n3A_953, %max3A_1067 : vector<16xf32>
      %mul3A_1069 = arith.constant 16 : i32
      %mul3A_1070 = arith.muli %scan3A_928, %mul3A_1069 : i32
      %add3A_1071 = vector.broadcast %mul3A_1070 : i32 to vector<16xi32>
      %add3A_1072 = arith.addi %add3A_1071, %iota3A : vector<16xi32>
      %gt3A_1073 = arith.cmpf ogt, %mul3A_1068, %select_n3A_767 : vector<16xf32>
      %select_n3A_1074 = arith.select %gt3A_1073, %mul3A_1068, %select_n3A_767 : vector<16xi1>, vector<16xf32>
      %select_n3A_1075 = arith.select %gt3A_1073, %add3A_1072, %select_n3A_768 : vector<16xi1>, vector<16xi32>
      %lt3A_1076 = arith.constant 0 : i32
      %lt3A_1077 = vector.broadcast %lt3A_1076 : i32 to vector<16xi32>
      %lt3A_1078 = arith.cmpi slt, %add3A_21, %lt3A_1077 : vector<16xi32>
      %add3A_1079 = arith.constant 16 : i32
      %add3A_1080 = vector.broadcast %add3A_1079 : i32 to vector<16xi32>
      %add3A_1081 = arith.addi %add3A_21, %add3A_1080 : vector<16xi32>
      %select_n3A_1082 = arith.select %lt3A_1078, %add3A_1081, %add3A_21 : vector<16xi1>, vector<16xi32>
      %broadcast_in_dim3A_1083 = vector.shape_cast %select_n3A_1082 : vector<16xi32> to vector<16x1xi32>
      %gather3A_1084 = vector.shape_cast %broadcast_in_dim3A_1083 : vector<16x1xi32> to vector<16xi32>
      %gather3A_1085 = tpu.dynamic_gather %masked_cummax3A_956[%gather3A_1084] in [0] : vector<16xf32>, vector<16xi32> -> vector<16xf32>
      %get3A_1086 = arith.constant 1 : i32
      %get3A_1087 = arith.index_cast %get3A_1086 : i32 to index
      %get3A_1088 = arith.index_cast %mul3A_930 : i32 to index
      %get3A_1089 = tpu.vector_load %arg9[%get3A_1087, %get3A_1088] {strides = array<i32>} : memref<2x512xf32, #tpu.memory_space<vmem>>, vector<16xf32>,
      %exp3A_1090 = math.exp %get3A_1089 : vector<16xf32>
      %get3A_1091 = arith.constant 1 : i32
      %get3A_1092 = arith.index_cast %get3A_1091 : i32 to index
      %get3A_1093 = arith.index_cast %mul3A_930 : i32 to index
      %get3A_1094 = tpu.vector_load %arg10[%get3A_1092, %get3A_1093] {strides = array<i32>} : memref<2x512xf32, #tpu.memory_space<vmem>>, vector<16xf32>,
      %exp3A_1095 = math.exp %get3A_1094 : vector<16xf32>
      %jit3A_1096 = arith.constant 0.000000e+00 : f32
      %broadcast_in_dim3A_1097 = vector.broadcast %jit3A_1096 : f32 to vector<16xf32>
      %select_n3A_1098 = arith.select %eq3A_937, %broadcast_in_dim3A_1097, %exp3A_1090 : vector<16xi1>, vector<16xf32>
      %jit3A_1099 = arith.constant 0.000000e+00 : f32
      %broadcast_in_dim3A_1100 = vector.broadcast %jit3A_1099 : f32 to vector<16xf32>
      %select_n3A_1101 = arith.select %eq3A_937, %broadcast_in_dim3A_1100, %exp3A_1095 : vector<16xi1>, vector<16xf32>
      %broadcast_in_dim3A_1102 = arith.constant true
      %broadcast_in_dim3A_1103 = vector.broadcast %broadcast_in_dim3A_1102 : i1 to vector<16xi1>
      %masked_cummax3A_1104 = tpu.scan <max>, %exp3A_1095 masked %broadcast_in_dim3A_1103 : vector<16xf32>, vector<16xi1> -> vector<16xf32>
      %lt3A_1105 = arith.constant 0 : i32
      %lt3A_1106 = vector.broadcast %lt3A_1105 : i32 to vector<16xi32>
      %lt3A_1107 = arith.cmpi slt, %sub3A_8, %lt3A_1106 : vector<16xi32>
      %add3A_1108 = arith.constant 16 : i32
      %add3A_1109 = vector.broadcast %add3A_1108 : i32 to vector<16xi32>
      %add3A_1110 = arith.addi %sub3A_8, %add3A_1109 : vector<16xi32>
      %select_n3A_1111 = arith.select %lt3A_1107, %add3A_1110, %sub3A_8 : vector<16xi1>, vector<16xi32>
      %broadcast_in_dim3A_1112 = vector.shape_cast %select_n3A_1111 : vector<16xi32> to vector<16x1xi32>
      %gather3A_1113 = vector.shape_cast %broadcast_in_dim3A_1112 : vector<16x1xi32> to vector<16xi32>
      %gather3A_1114 = tpu.dynamic_gather %exp3A_1095[%gather3A_1113] in [0] : vector<16xf32>, vector<16xi32> -> vector<16xf32>
      %broadcast_in_dim3A_1115 = arith.constant true
      %broadcast_in_dim3A_1116 = vector.broadcast %broadcast_in_dim3A_1115 : i1 to vector<16xi1>
      %masked_cummax3A_1117 = tpu.scan <max>, %gather3A_1114 masked %broadcast_in_dim3A_1116 : vector<16xf32>, vector<16xi1> -> vector<16xf32>
      %lt3A_1118 = arith.constant 0 : i32
      %lt3A_1119 = vector.broadcast %lt3A_1118 : i32 to vector<16xi32>
      %lt3A_1120 = arith.cmpi slt, %sub3A_8, %lt3A_1119 : vector<16xi32>
      %add3A_1121 = arith.constant 16 : i32
      %add3A_1122 = vector.broadcast %add3A_1121 : i32 to vector<16xi32>
      %add3A_1123 = arith.addi %sub3A_8, %add3A_1122 : vector<16xi32>
      %select_n3A_1124 = arith.select %lt3A_1120, %add3A_1123, %sub3A_8 : vector<16xi1>, vector<16xi32>
      %broadcast_in_dim3A_1125 = vector.shape_cast %select_n3A_1124 : vector<16xi32> to vector<16x1xi32>
      %gather3A_1126 = vector.shape_cast %broadcast_in_dim3A_1125 : vector<16x1xi32> to vector<16xi32>
      %gather3A_1127 = tpu.dynamic_gather %masked_cummax3A_1117[%gather3A_1126] in [0] : vector<16xf32>, vector<16xi32> -> vector<16xf32>
      %broadcast_in_dim3A_1128 = arith.constant true
      %broadcast_in_dim3A_1129 = vector.broadcast %broadcast_in_dim3A_1128 : i1 to vector<16xi1>
      %masked_cummax3A_1130 = tpu.scan <max>, %select_n3A_1098 masked %broadcast_in_dim3A_1129 : vector<16xf32>, vector<16xi1> -> vector<16xf32>
      %lt3A_1131 = arith.constant 0 : i32
      %lt3A_1132 = vector.broadcast %lt3A_1131 : i32 to vector<16xi32>
      %lt3A_1133 = arith.cmpi slt, %sub3A_8, %lt3A_1132 : vector<16xi32>
      %add3A_1134 = arith.constant 16 : i32
      %add3A_1135 = vector.broadcast %add3A_1134 : i32 to vector<16xi32>
      %add3A_1136 = arith.addi %sub3A_8, %add3A_1135 : vector<16xi32>
      %select_n3A_1137 = arith.select %lt3A_1133, %add3A_1136, %sub3A_8 : vector<16xi1>, vector<16xi32>
      %broadcast_in_dim3A_1138 = vector.shape_cast %select_n3A_1137 : vector<16xi32> to vector<16x1xi32>
      %gather3A_1139 = vector.shape_cast %broadcast_in_dim3A_1138 : vector<16x1xi32> to vector<16xi32>
      %gather3A_1140 = tpu.dynamic_gather %select_n3A_1098[%gather3A_1139] in [0] : vector<16xf32>, vector<16xi32> -> vector<16xf32>
      %broadcast_in_dim3A_1141 = arith.constant true
      %broadcast_in_dim3A_1142 = vector.broadcast %broadcast_in_dim3A_1141 : i1 to vector<16xi1>
      %masked_cummax3A_1143 = tpu.scan <max>, %gather3A_1140 masked %broadcast_in_dim3A_1142 : vector<16xf32>, vector<16xi1> -> vector<16xf32>
      %lt3A_1144 = arith.constant 0 : i32
      %lt3A_1145 = vector.broadcast %lt3A_1144 : i32 to vector<16xi32>
      %lt3A_1146 = arith.cmpi slt, %sub3A_8, %lt3A_1145 : vector<16xi32>
      %add3A_1147 = arith.constant 16 : i32
      %add3A_1148 = vector.broadcast %add3A_1147 : i32 to vector<16xi32>
      %add3A_1149 = arith.addi %sub3A_8, %add3A_1148 : vector<16xi32>
      %select_n3A_1150 = arith.select %lt3A_1146, %add3A_1149, %sub3A_8 : vector<16xi1>, vector<16xi32>
      %broadcast_in_dim3A_1151 = vector.shape_cast %select_n3A_1150 : vector<16xi32> to vector<16x1xi32>
      %gather3A_1152 = vector.shape_cast %broadcast_in_dim3A_1151 : vector<16x1xi32> to vector<16xi32>
      %gather3A_1153 = tpu.dynamic_gather %masked_cummax3A_1143[%gather3A_1152] in [0] : vector<16xf32>, vector<16xi32> -> vector<16xf32>
      %eq3A_1154 = arith.constant 0 : i32
      %eq3A_1155 = vector.broadcast %eq3A_1154 : i32 to vector<16xi32>
      %eq3A_1156 = arith.cmpi eq, %iota3A, %eq3A_1155 : vector<16xi32>
      %select_n3A_1157 = arith.select %eq3A_1156, %gather3A_926, %gather3A_820 : vector<16xi1>, vector<16xf32>
      %ge3A_1158 = arith.constant 2 : i32
      %ge3A_1159 = vector.broadcast %ge3A_1158 : i32 to vector<16xi32>
      %ge3A_1160 = arith.cmpi sge, %iota3A, %ge3A_1159 : vector<16xi32>
      %lt3A_1161 = arith.constant 0 : i32
      %lt3A_1162 = vector.broadcast %lt3A_1161 : i32 to vector<16xi32>
      %lt3A_1163 = arith.cmpi slt, %max3A_13, %lt3A_1162 : vector<16xi32>
      %add3A_1164 = arith.constant 16 : i32
      %add3A_1165 = vector.broadcast %add3A_1164 : i32 to vector<16xi32>
      %add3A_1166 = arith.addi %max3A_13, %add3A_1165 : vector<16xi32>
      %select_n3A_1167 = arith.select %lt3A_1163, %add3A_1166, %max3A_13 : vector<16xi1>, vector<16xi32>
      %broadcast_in_dim3A_1168 = vector.shape_cast %select_n3A_1167 : vector<16xi32> to vector<16x1xi32>
      %gather3A_1169 = vector.shape_cast %broadcast_in_dim3A_1168 : vector<16x1xi32> to vector<16xi32>
      %gather3A_1170 = tpu.dynamic_gather %masked_cummax3A_1104[%gather3A_1169] in [0] : vector<16xf32>, vector<16xi32> -> vector<16xf32>
      %jit3A_1171 = arith.constant 0.000000e+00 : f32
      %broadcast_in_dim3A_1172 = vector.broadcast %jit3A_1171 : f32 to vector<16xf32>
      %select_n3A_1173 = arith.select %ge3A_1160, %gather3A_1170, %broadcast_in_dim3A_1172 : vector<16xi1>, vector<16xf32>
      %max3A_1174 = arith.maximumf %select_n3A_1157, %select_n3A_1173 : vector<16xf32>
      %mul3A_1175 = arith.mulf %select_n3A_791, %max3A_1174 : vector<16xf32>
      %sub3A_1176 = arith.constant 1 : i32
      %sub3A_1177 = arith.subi %scan3A_928, %sub3A_1176 : i32
      %mul3A_1178 = arith.constant 16 : i32
      %mul3A_1179 = arith.muli %sub3A_1177, %mul3A_1178 : i32
      %add3A_1180 = vector.broadcast %mul3A_1179 : i32 to vector<16xi32>
      %add3A_1181 = arith.addi %add3A_1180, %iota3A : vector<16xi32>
      %gt3A_1182 = arith.cmpf ogt, %mul3A_1175, %select_n3A_876 : vector<16xf32>
      %select_n3A_1183 = arith.select %gt3A_1182, %mul3A_1175, %select_n3A_876 : vector<16xi1>, vector<16xf32>
      %select_n3A_1184 = arith.select %gt3A_1182, %add3A_1181, %select_n3A_877 : vector<16xi1>, vector<16xi32>
      %eq3A_1185 = arith.constant 15 : i32
      %eq3A_1186 = vector.broadcast %eq3A_1185 : i32 to vector<16xi32>
      %eq3A_1187 = arith.cmpi eq, %iota3A, %eq3A_1186 : vector<16xi32>
      %lt3A_1188 = arith.constant 0 : i32
      %lt3A_1189 = vector.broadcast %lt3A_1188 : i32 to vector<16xi32>
      %lt3A_1190 = arith.cmpi slt, %add3A_24, %lt3A_1189 : vector<16xi32>
      %add3A_1191 = arith.constant 16 : i32
      %add3A_1192 = vector.broadcast %add3A_1191 : i32 to vector<16xi32>
      %add3A_1193 = arith.addi %add3A_24, %add3A_1192 : vector<16xi32>
      %select_n3A_1194 = arith.select %lt3A_1190, %add3A_1193, %add3A_24 : vector<16xi1>, vector<16xi32>
      %broadcast_in_dim3A_1195 = vector.shape_cast %select_n3A_1194 : vector<16xi32> to vector<16x1xi32>
      %gather3A_1196 = vector.shape_cast %broadcast_in_dim3A_1195 : vector<16x1xi32> to vector<16xi32>
      %gather3A_1197 = tpu.dynamic_gather %gather3A_1153[%gather3A_1196] in [0] : vector<16xf32>, vector<16xi32> -> vector<16xf32>
      %select_n3A_1198 = arith.select %eq3A_1187, %gather3A_1197, %masked_cummax3A_1130 : vector<16xi1>, vector<16xf32>
      %le3A_1199 = arith.constant 13 : i32
      %le3A_1200 = vector.broadcast %le3A_1199 : i32 to vector<16xi32>
      %le3A_1201 = arith.cmpi sle, %iota3A, %le3A_1200 : vector<16xi32>
      %lt3A_1202 = arith.constant 0 : i32
      %lt3A_1203 = vector.broadcast %lt3A_1202 : i32 to vector<16xi32>
      %lt3A_1204 = arith.cmpi slt, %min3A_18, %lt3A_1203 : vector<16xi32>
      %add3A_1205 = arith.constant 16 : i32
      %add3A_1206 = vector.broadcast %add3A_1205 : i32 to vector<16xi32>
      %add3A_1207 = arith.addi %min3A_18, %add3A_1206 : vector<16xi32>
      %select_n3A_1208 = arith.select %lt3A_1204, %add3A_1207, %min3A_18 : vector<16xi1>, vector<16xi32>
      %broadcast_in_dim3A_1209 = vector.shape_cast %select_n3A_1208 : vector<16xi32> to vector<16x1xi32>
      %gather3A_1210 = vector.shape_cast %broadcast_in_dim3A_1209 : vector<16x1xi32> to vector<16xi32>
      %gather3A_1211 = tpu.dynamic_gather %gather3A_846[%gather3A_1210] in [0] : vector<16xf32>, vector<16xi32> -> vector<16xf32>
      %jit3A_1212 = arith.constant 0.000000e+00 : f32
      %broadcast_in_dim3A_1213 = vector.broadcast %jit3A_1212 : f32 to vector<16xf32>
      %select_n3A_1214 = arith.select %le3A_1201, %gather3A_1211, %broadcast_in_dim3A_1213 : vector<16xi1>, vector<16xf32>
      %max3A_1215 = arith.maximumf %select_n3A_1198, %select_n3A_1214 : vector<16xf32>
      %mul3A_1216 = arith.mulf %select_n3A_1101, %max3A_1215 : vector<16xf32>
      %mul3A_1217 = arith.constant 16 : i32
      %mul3A_1218 = arith.muli %scan3A_928, %mul3A_1217 : i32
      %add3A_1219 = vector.broadcast %mul3A_1218 : i32 to vector<16xi32>
      %add3A_1220 = arith.addi %add3A_1219, %iota3A : vector<16xi32>
      %gt3A_1221 = arith.cmpf ogt, %mul3A_1216, %select_n3A_915 : vector<16xf32>
      %select_n3A_1222 = arith.select %gt3A_1221, %mul3A_1216, %select_n3A_915 : vector<16xi1>, vector<16xf32>
      %select_n3A_1223 = arith.select %gt3A_1221, %add3A_1220, %select_n3A_916 : vector<16xi1>, vector<16xi32>
      %lt3A_1224 = arith.constant 0 : i32
      %lt3A_1225 = vector.broadcast %lt3A_1224 : i32 to vector<16xi32>
      %lt3A_1226 = arith.cmpi slt, %add3A_21, %lt3A_1225 : vector<16xi32>
      %add3A_1227 = arith.constant 16 : i32
      %add3A_1228 = vector.broadcast %add3A_1227 : i32 to vector<16xi32>
      %add3A_1229 = arith.addi %add3A_21, %add3A_1228 : vector<16xi32>
      %select_n3A_1230 = arith.select %lt3A_1226, %add3A_1229, %add3A_21 : vector<16xi1>, vector<16xi32>
      %broadcast_in_dim3A_1231 = vector.shape_cast %select_n3A_1230 : vector<16xi32> to vector<16x1xi32>
      %gather3A_1232 = vector.shape_cast %broadcast_in_dim3A_1231 : vector<16x1xi32> to vector<16xi32>
      %gather3A_1233 = tpu.dynamic_gather %masked_cummax3A_1104[%gather3A_1232] in [0] : vector<16xf32>, vector<16xi32> -> vector<16xf32>
      %scan3A_1234 = arith.constant 3 : i32
      %scan3A_1235 = arith.addi %scan3A_302, %scan3A_1234 : i32
      %mul3A_1236 = arith.constant 16 : i32
      %mul3A_1237 = arith.muli %scan3A_1235, %mul3A_1236 : i32
      %mul3A_1238 = arith.constant 16 : i32
      %mul3A_1239 = arith.muli %scan3A_1235, %mul3A_1238 : i32
      %add3A_1240 = vector.broadcast %mul3A_1239 : i32 to vector<16xi32>
      %add3A_1241 = arith.addi %add3A_1240, %iota3A : vector<16xi32>
      %eq3A_1242 = arith.constant 0 : i32
      %eq3A_1243 = vector.broadcast %eq3A_1242 : i32 to vector<16xi32>
      %eq3A_1244 = arith.cmpi eq, %add3A_1241, %eq3A_1243 : vector<16xi32>
      %get3A_1245 = arith.constant 0 : i32
      %get3A_1246 = arith.index_cast %get3A_1245 : i32 to index
      %get3A_1247 = arith.index_cast %mul3A_1237 : i32 to index
      %get3A_1248 = tpu.vector_load %arg9[%get3A_1246, %get3A_1247] {strides = array<i32>} : memref<2x512xf32, #tpu.memory_space<vmem>>, vector<16xf32>,
      %exp3A_1249 = math.exp %get3A_1248 : vector<16xf32>
      %get3A_1250 = arith.constant 0 : i32
      %get3A_1251 = arith.index_cast %get3A_1250 : i32 to index
      %get3A_1252 = arith.index_cast %mul3A_1237 : i32 to index
      %get3A_1253 = tpu.vector_load %arg10[%get3A_1251, %get3A_1252] {strides = array<i32>} : memref<2x512xf32, #tpu.memory_space<vmem>>, vector<16xf32>,
      %exp3A_1254 = math.exp %get3A_1253 : vector<16xf32>
      %jit3A_1255 = arith.constant 0.000000e+00 : f32
      %broadcast_in_dim3A_1256 = vector.broadcast %jit3A_1255 : f32 to vector<16xf32>
      %select_n3A_1257 = arith.select %eq3A_1244, %broadcast_in_dim3A_1256, %exp3A_1249 : vector<16xi1>, vector<16xf32>
      %jit3A_1258 = arith.constant 0.000000e+00 : f32
      %broadcast_in_dim3A_1259 = vector.broadcast %jit3A_1258 : f32 to vector<16xf32>
      %select_n3A_1260 = arith.select %eq3A_1244, %broadcast_in_dim3A_1259, %exp3A_1254 : vector<16xi1>, vector<16xf32>
      %broadcast_in_dim3A_1261 = arith.constant true
      %broadcast_in_dim3A_1262 = vector.broadcast %broadcast_in_dim3A_1261 : i1 to vector<16xi1>
      %masked_cummax3A_1263 = tpu.scan <max>, %exp3A_1254 masked %broadcast_in_dim3A_1262 : vector<16xf32>, vector<16xi1> -> vector<16xf32>
      %lt3A_1264 = arith.constant 0 : i32
      %lt3A_1265 = vector.broadcast %lt3A_1264 : i32 to vector<16xi32>
      %lt3A_1266 = arith.cmpi slt, %sub3A_8, %lt3A_1265 : vector<16xi32>
      %add3A_1267 = arith.constant 16 : i32
      %add3A_1268 = vector.broadcast %add3A_1267 : i32 to vector<16xi32>
      %add3A_1269 = arith.addi %sub3A_8, %add3A_1268 : vector<16xi32>
      %select_n3A_1270 = arith.select %lt3A_1266, %add3A_1269, %sub3A_8 : vector<16xi1>, vector<16xi32>
      %broadcast_in_dim3A_1271 = vector.shape_cast %select_n3A_1270 : vector<16xi32> to vector<16x1xi32>
      %gather3A_1272 = vector.shape_cast %broadcast_in_dim3A_1271 : vector<16x1xi32> to vector<16xi32>
      %gather3A_1273 = tpu.dynamic_gather %exp3A_1254[%gather3A_1272] in [0] : vector<16xf32>, vector<16xi32> -> vector<16xf32>
      %broadcast_in_dim3A_1274 = arith.constant true
      %broadcast_in_dim3A_1275 = vector.broadcast %broadcast_in_dim3A_1274 : i1 to vector<16xi1>
      %masked_cummax3A_1276 = tpu.scan <max>, %gather3A_1273 masked %broadcast_in_dim3A_1275 : vector<16xf32>, vector<16xi1> -> vector<16xf32>
      %lt3A_1277 = arith.constant 0 : i32
      %lt3A_1278 = vector.broadcast %lt3A_1277 : i32 to vector<16xi32>
      %lt3A_1279 = arith.cmpi slt, %sub3A_8, %lt3A_1278 : vector<16xi32>
      %add3A_1280 = arith.constant 16 : i32
      %add3A_1281 = vector.broadcast %add3A_1280 : i32 to vector<16xi32>
      %add3A_1282 = arith.addi %sub3A_8, %add3A_1281 : vector<16xi32>
      %select_n3A_1283 = arith.select %lt3A_1279, %add3A_1282, %sub3A_8 : vector<16xi1>, vector<16xi32>
      %broadcast_in_dim3A_1284 = vector.shape_cast %select_n3A_1283 : vector<16xi32> to vector<16x1xi32>
      %gather3A_1285 = vector.shape_cast %broadcast_in_dim3A_1284 : vector<16x1xi32> to vector<16xi32>
      %gather3A_1286 = tpu.dynamic_gather %masked_cummax3A_1276[%gather3A_1285] in [0] : vector<16xf32>, vector<16xi32> -> vector<16xf32>
      %broadcast_in_dim3A_1287 = arith.constant true
      %broadcast_in_dim3A_1288 = vector.broadcast %broadcast_in_dim3A_1287 : i1 to vector<16xi1>
      %masked_cummax3A_1289 = tpu.scan <max>, %select_n3A_1257 masked %broadcast_in_dim3A_1288 : vector<16xf32>, vector<16xi1> -> vector<16xf32>
      %lt3A_1290 = arith.constant 0 : i32
      %lt3A_1291 = vector.broadcast %lt3A_1290 : i32 to vector<16xi32>
      %lt3A_1292 = arith.cmpi slt, %sub3A_8, %lt3A_1291 : vector<16xi32>
      %add3A_1293 = arith.constant 16 : i32
      %add3A_1294 = vector.broadcast %add3A_1293 : i32 to vector<16xi32>
      %add3A_1295 = arith.addi %sub3A_8, %add3A_1294 : vector<16xi32>
      %select_n3A_1296 = arith.select %lt3A_1292, %add3A_1295, %sub3A_8 : vector<16xi1>, vector<16xi32>
      %broadcast_in_dim3A_1297 = vector.shape_cast %select_n3A_1296 : vector<16xi32> to vector<16x1xi32>
      %gather3A_1298 = vector.shape_cast %broadcast_in_dim3A_1297 : vector<16x1xi32> to vector<16xi32>
      %gather3A_1299 = tpu.dynamic_gather %select_n3A_1257[%gather3A_1298] in [0] : vector<16xf32>, vector<16xi32> -> vector<16xf32>
      %broadcast_in_dim3A_1300 = arith.constant true
      %broadcast_in_dim3A_1301 = vector.broadcast %broadcast_in_dim3A_1300 : i1 to vector<16xi1>
      %masked_cummax3A_1302 = tpu.scan <max>, %gather3A_1299 masked %broadcast_in_dim3A_1301 : vector<16xf32>, vector<16xi1> -> vector<16xf32>
      %lt3A_1303 = arith.constant 0 : i32
      %lt3A_1304 = vector.broadcast %lt3A_1303 : i32 to vector<16xi32>
      %lt3A_1305 = arith.cmpi slt, %sub3A_8, %lt3A_1304 : vector<16xi32>
      %add3A_1306 = arith.constant 16 : i32
      %add3A_1307 = vector.broadcast %add3A_1306 : i32 to vector<16xi32>
      %add3A_1308 = arith.addi %sub3A_8, %add3A_1307 : vector<16xi32>
      %select_n3A_1309 = arith.select %lt3A_1305, %add3A_1308, %sub3A_8 : vector<16xi1>, vector<16xi32>
      %broadcast_in_dim3A_1310 = vector.shape_cast %select_n3A_1309 : vector<16xi32> to vector<16x1xi32>
      %gather3A_1311 = vector.shape_cast %broadcast_in_dim3A_1310 : vector<16x1xi32> to vector<16xi32>
      %gather3A_1312 = tpu.dynamic_gather %masked_cummax3A_1302[%gather3A_1311] in [0] : vector<16xf32>, vector<16xi32> -> vector<16xf32>
      %eq3A_1313 = arith.constant 0 : i32
      %eq3A_1314 = vector.broadcast %eq3A_1313 : i32 to vector<16xi32>
      %eq3A_1315 = arith.cmpi eq, %iota3A, %eq3A_1314 : vector<16xi32>
      %select_n3A_1316 = arith.select %eq3A_1315, %gather3A_1085, %gather3A_979 : vector<16xi1>, vector<16xf32>
      %ge3A_1317 = arith.constant 2 : i32
      %ge3A_1318 = vector.broadcast %ge3A_1317 : i32 to vector<16xi32>
      %ge3A_1319 = arith.cmpi sge, %iota3A, %ge3A_1318 : vector<16xi32>
      %lt3A_1320 = arith.constant 0 : i32
      %lt3A_1321 = vector.broadcast %lt3A_1320 : i32 to vector<16xi32>
      %lt3A_1322 = arith.cmpi slt, %max3A_13, %lt3A_1321 : vector<16xi32>
      %add3A_1323 = arith.constant 16 : i32
      %add3A_1324 = vector.broadcast %add3A_1323 : i32 to vector<16xi32>
      %add3A_1325 = arith.addi %max3A_13, %add3A_1324 : vector<16xi32>
      %select_n3A_1326 = arith.select %lt3A_1322, %add3A_1325, %max3A_13 : vector<16xi1>, vector<16xi32>
      %broadcast_in_dim3A_1327 = vector.shape_cast %select_n3A_1326 : vector<16xi32> to vector<16x1xi32>
      %gather3A_1328 = vector.shape_cast %broadcast_in_dim3A_1327 : vector<16x1xi32> to vector<16xi32>
      %gather3A_1329 = tpu.dynamic_gather %masked_cummax3A_1263[%gather3A_1328] in [0] : vector<16xf32>, vector<16xi32> -> vector<16xf32>
      %jit3A_1330 = arith.constant 0.000000e+00 : f32
      %broadcast_in_dim3A_1331 = vector.broadcast %jit3A_1330 : f32 to vector<16xf32>
      %select_n3A_1332 = arith.select %ge3A_1319, %gather3A_1329, %broadcast_in_dim3A_1331 : vector<16xi1>, vector<16xf32>
      %max3A_1333 = arith.maximumf %select_n3A_1316, %select_n3A_1332 : vector<16xf32>
      %mul3A_1334 = arith.mulf %select_n3A_950, %max3A_1333 : vector<16xf32>
      %sub3A_1335 = arith.constant 1 : i32
      %sub3A_1336 = arith.subi %scan3A_1235, %sub3A_1335 : i32
      %mul3A_1337 = arith.constant 16 : i32
      %mul3A_1338 = arith.muli %sub3A_1336, %mul3A_1337 : i32
      %add3A_1339 = vector.broadcast %mul3A_1338 : i32 to vector<16xi32>
      %add3A_1340 = arith.addi %add3A_1339, %iota3A : vector<16xi32>
      %gt3A_1341 = arith.cmpf ogt, %mul3A_1334, %select_n3A_1035 : vector<16xf32>
      %select_n3A_1342 = arith.select %gt3A_1341, %mul3A_1334, %select_n3A_1035 : vector<16xi1>, vector<16xf32>
      %select_n3A_1343 = arith.select %gt3A_1341, %add3A_1340, %select_n3A_1036 : vector<16xi1>, vector<16xi32>
      %eq3A_1344 = arith.constant 15 : i32
      %eq3A_1345 = vector.broadcast %eq3A_1344 : i32 to vector<16xi32>
      %eq3A_1346 = arith.cmpi eq, %iota3A, %eq3A_1345 : vector<16xi32>
      %lt3A_1347 = arith.constant 0 : i32
      %lt3A_1348 = vector.broadcast %lt3A_1347 : i32 to vector<16xi32>
      %lt3A_1349 = arith.cmpi slt, %add3A_24, %lt3A_1348 : vector<16xi32>
      %add3A_1350 = arith.constant 16 : i32
      %add3A_1351 = vector.broadcast %add3A_1350 : i32 to vector<16xi32>
      %add3A_1352 = arith.addi %add3A_24, %add3A_1351 : vector<16xi32>
      %select_n3A_1353 = arith.select %lt3A_1349, %add3A_1352, %add3A_24 : vector<16xi1>, vector<16xi32>
      %broadcast_in_dim3A_1354 = vector.shape_cast %select_n3A_1353 : vector<16xi32> to vector<16x1xi32>
      %gather3A_1355 = vector.shape_cast %broadcast_in_dim3A_1354 : vector<16x1xi32> to vector<16xi32>
      %gather3A_1356 = tpu.dynamic_gather %gather3A_1312[%gather3A_1355] in [0] : vector<16xf32>, vector<16xi32> -> vector<16xf32>
      %select_n3A_1357 = arith.select %eq3A_1346, %gather3A_1356, %masked_cummax3A_1289 : vector<16xi1>, vector<16xf32>
      %le3A_1358 = arith.constant 13 : i32
      %le3A_1359 = vector.broadcast %le3A_1358 : i32 to vector<16xi32>
      %le3A_1360 = arith.cmpi sle, %iota3A, %le3A_1359 : vector<16xi32>
      %lt3A_1361 = arith.constant 0 : i32
      %lt3A_1362 = vector.broadcast %lt3A_1361 : i32 to vector<16xi32>
      %lt3A_1363 = arith.cmpi slt, %min3A_18, %lt3A_1362 : vector<16xi32>
      %add3A_1364 = arith.constant 16 : i32
      %add3A_1365 = vector.broadcast %add3A_1364 : i32 to vector<16xi32>
      %add3A_1366 = arith.addi %min3A_18, %add3A_1365 : vector<16xi32>
      %select_n3A_1367 = arith.select %lt3A_1363, %add3A_1366, %min3A_18 : vector<16xi1>, vector<16xi32>
      %broadcast_in_dim3A_1368 = vector.shape_cast %select_n3A_1367 : vector<16xi32> to vector<16x1xi32>
      %gather3A_1369 = vector.shape_cast %broadcast_in_dim3A_1368 : vector<16x1xi32> to vector<16xi32>
      %gather3A_1370 = tpu.dynamic_gather %gather3A_1005[%gather3A_1369] in [0] : vector<16xf32>, vector<16xi32> -> vector<16xf32>
      %jit3A_1371 = arith.constant 0.000000e+00 : f32
      %broadcast_in_dim3A_1372 = vector.broadcast %jit3A_1371 : f32 to vector<16xf32>
      %select_n3A_1373 = arith.select %le3A_1360, %gather3A_1370, %broadcast_in_dim3A_1372 : vector<16xi1>, vector<16xf32>
      %max3A_1374 = arith.maximumf %select_n3A_1357, %select_n3A_1373 : vector<16xf32>
      %mul3A_1375 = arith.mulf %select_n3A_1260, %max3A_1374 : vector<16xf32>
      %mul3A_1376 = arith.constant 16 : i32
      %mul3A_1377 = arith.muli %scan3A_1235, %mul3A_1376 : i32
      %add3A_1378 = vector.broadcast %mul3A_1377 : i32 to vector<16xi32>
      %add3A_1379 = arith.addi %add3A_1378, %iota3A : vector<16xi32>
      %gt3A_1380 = arith.cmpf ogt, %mul3A_1375, %select_n3A_1074 : vector<16xf32>
      %select_n3A_1381 = arith.select %gt3A_1380, %mul3A_1375, %select_n3A_1074 : vector<16xi1>, vector<16xf32>
      %select_n3A_1382 = arith.select %gt3A_1380, %add3A_1379, %select_n3A_1075 : vector<16xi1>, vector<16xi32>
      %lt3A_1383 = arith.constant 0 : i32
      %lt3A_1384 = vector.broadcast %lt3A_1383 : i32 to vector<16xi32>
      %lt3A_1385 = arith.cmpi slt, %add3A_21, %lt3A_1384 : vector<16xi32>
      %add3A_1386 = arith.constant 16 : i32
      %add3A_1387 = vector.broadcast %add3A_1386 : i32 to vector<16xi32>
      %add3A_1388 = arith.addi %add3A_21, %add3A_1387 : vector<16xi32>
      %select_n3A_1389 = arith.select %lt3A_1385, %add3A_1388, %add3A_21 : vector<16xi1>, vector<16xi32>
      %broadcast_in_dim3A_1390 = vector.shape_cast %select_n3A_1389 : vector<16xi32> to vector<16x1xi32>
      %gather3A_1391 = vector.shape_cast %broadcast_in_dim3A_1390 : vector<16x1xi32> to vector<16xi32>
      %gather3A_1392 = tpu.dynamic_gather %masked_cummax3A_1263[%gather3A_1391] in [0] : vector<16xf32>, vector<16xi32> -> vector<16xf32>
      %get3A_1393 = arith.constant 1 : i32
      %get3A_1394 = arith.index_cast %get3A_1393 : i32 to index
      %get3A_1395 = arith.index_cast %mul3A_1237 : i32 to index
      %get3A_1396 = tpu.vector_load %arg9[%get3A_1394, %get3A_1395] {strides = array<i32>} : memref<2x512xf32, #tpu.memory_space<vmem>>, vector<16xf32>,
      %exp3A_1397 = math.exp %get3A_1396 : vector<16xf32>
      %get3A_1398 = arith.constant 1 : i32
      %get3A_1399 = arith.index_cast %get3A_1398 : i32 to index
      %get3A_1400 = arith.index_cast %mul3A_1237 : i32 to index
      %get3A_1401 = tpu.vector_load %arg10[%get3A_1399, %get3A_1400] {strides = array<i32>} : memref<2x512xf32, #tpu.memory_space<vmem>>, vector<16xf32>,
      %exp3A_1402 = math.exp %get3A_1401 : vector<16xf32>
      %jit3A_1403 = arith.constant 0.000000e+00 : f32
      %broadcast_in_dim3A_1404 = vector.broadcast %jit3A_1403 : f32 to vector<16xf32>
      %select_n3A_1405 = arith.select %eq3A_1244, %broadcast_in_dim3A_1404, %exp3A_1397 : vector<16xi1>, vector<16xf32>
      %jit3A_1406 = arith.constant 0.000000e+00 : f32
      %broadcast_in_dim3A_1407 = vector.broadcast %jit3A_1406 : f32 to vector<16xf32>
      %select_n3A_1408 = arith.select %eq3A_1244, %broadcast_in_dim3A_1407, %exp3A_1402 : vector<16xi1>, vector<16xf32>
      %broadcast_in_dim3A_1409 = arith.constant true
      %broadcast_in_dim3A_1410 = vector.broadcast %broadcast_in_dim3A_1409 : i1 to vector<16xi1>
      %masked_cummax3A_1411 = tpu.scan <max>, %exp3A_1402 masked %broadcast_in_dim3A_1410 : vector<16xf32>, vector<16xi1> -> vector<16xf32>
      %lt3A_1412 = arith.constant 0 : i32
      %lt3A_1413 = vector.broadcast %lt3A_1412 : i32 to vector<16xi32>
      %lt3A_1414 = arith.cmpi slt, %sub3A_8, %lt3A_1413 : vector<16xi32>
      %add3A_1415 = arith.constant 16 : i32
      %add3A_1416 = vector.broadcast %add3A_1415 : i32 to vector<16xi32>
      %add3A_1417 = arith.addi %sub3A_8, %add3A_1416 : vector<16xi32>
      %select_n3A_1418 = arith.select %lt3A_1414, %add3A_1417, %sub3A_8 : vector<16xi1>, vector<16xi32>
      %broadcast_in_dim3A_1419 = vector.shape_cast %select_n3A_1418 : vector<16xi32> to vector<16x1xi32>
      %gather3A_1420 = vector.shape_cast %broadcast_in_dim3A_1419 : vector<16x1xi32> to vector<16xi32>
      %gather3A_1421 = tpu.dynamic_gather %exp3A_1402[%gather3A_1420] in [0] : vector<16xf32>, vector<16xi32> -> vector<16xf32>
      %broadcast_in_dim3A_1422 = arith.constant true
      %broadcast_in_dim3A_1423 = vector.broadcast %broadcast_in_dim3A_1422 : i1 to vector<16xi1>
      %masked_cummax3A_1424 = tpu.scan <max>, %gather3A_1421 masked %broadcast_in_dim3A_1423 : vector<16xf32>, vector<16xi1> -> vector<16xf32>
      %lt3A_1425 = arith.constant 0 : i32
      %lt3A_1426 = vector.broadcast %lt3A_1425 : i32 to vector<16xi32>
      %lt3A_1427 = arith.cmpi slt, %sub3A_8, %lt3A_1426 : vector<16xi32>
      %add3A_1428 = arith.constant 16 : i32
      %add3A_1429 = vector.broadcast %add3A_1428 : i32 to vector<16xi32>
      %add3A_1430 = arith.addi %sub3A_8, %add3A_1429 : vector<16xi32>
      %select_n3A_1431 = arith.select %lt3A_1427, %add3A_1430, %sub3A_8 : vector<16xi1>, vector<16xi32>
      %broadcast_in_dim3A_1432 = vector.shape_cast %select_n3A_1431 : vector<16xi32> to vector<16x1xi32>
      %gather3A_1433 = vector.shape_cast %broadcast_in_dim3A_1432 : vector<16x1xi32> to vector<16xi32>
      %gather3A_1434 = tpu.dynamic_gather %masked_cummax3A_1424[%gather3A_1433] in [0] : vector<16xf32>, vector<16xi32> -> vector<16xf32>
      %broadcast_in_dim3A_1435 = arith.constant true
      %broadcast_in_dim3A_1436 = vector.broadcast %broadcast_in_dim3A_1435 : i1 to vector<16xi1>
      %masked_cummax3A_1437 = tpu.scan <max>, %select_n3A_1405 masked %broadcast_in_dim3A_1436 : vector<16xf32>, vector<16xi1> -> vector<16xf32>
      %lt3A_1438 = arith.constant 0 : i32
      %lt3A_1439 = vector.broadcast %lt3A_1438 : i32 to vector<16xi32>
      %lt3A_1440 = arith.cmpi slt, %sub3A_8, %lt3A_1439 : vector<16xi32>
      %add3A_1441 = arith.constant 16 : i32
      %add3A_1442 = vector.broadcast %add3A_1441 : i32 to vector<16xi32>
      %add3A_1443 = arith.addi %sub3A_8, %add3A_1442 : vector<16xi32>
      %select_n3A_1444 = arith.select %lt3A_1440, %add3A_1443, %sub3A_8 : vector<16xi1>, vector<16xi32>
      %broadcast_in_dim3A_1445 = vector.shape_cast %select_n3A_1444 : vector<16xi32> to vector<16x1xi32>
      %gather3A_1446 = vector.shape_cast %broadcast_in_dim3A_1445 : vector<16x1xi32> to vector<16xi32>
      %gather3A_1447 = tpu.dynamic_gather %select_n3A_1405[%gather3A_1446] in [0] : vector<16xf32>, vector<16xi32> -> vector<16xf32>
      %broadcast_in_dim3A_1448 = arith.constant true
      %broadcast_in_dim3A_1449 = vector.broadcast %broadcast_in_dim3A_1448 : i1 to vector<16xi1>
      %masked_cummax3A_1450 = tpu.scan <max>, %gather3A_1447 masked %broadcast_in_dim3A_1449 : vector<16xf32>, vector<16xi1> -> vector<16xf32>
      %lt3A_1451 = arith.constant 0 : i32
      %lt3A_1452 = vector.broadcast %lt3A_1451 : i32 to vector<16xi32>
      %lt3A_1453 = arith.cmpi slt, %sub3A_8, %lt3A_1452 : vector<16xi32>
      %add3A_1454 = arith.constant 16 : i32
      %add3A_1455 = vector.broadcast %add3A_1454 : i32 to vector<16xi32>
      %add3A_1456 = arith.addi %sub3A_8, %add3A_1455 : vector<16xi32>
      %select_n3A_1457 = arith.select %lt3A_1453, %add3A_1456, %sub3A_8 : vector<16xi1>, vector<16xi32>
      %broadcast_in_dim3A_1458 = vector.shape_cast %select_n3A_1457 : vector<16xi32> to vector<16x1xi32>
      %gather3A_1459 = vector.shape_cast %broadcast_in_dim3A_1458 : vector<16x1xi32> to vector<16xi32>
      %gather3A_1460 = tpu.dynamic_gather %masked_cummax3A_1450[%gather3A_1459] in [0] : vector<16xf32>, vector<16xi32> -> vector<16xf32>
      %eq3A_1461 = arith.constant 0 : i32
      %eq3A_1462 = vector.broadcast %eq3A_1461 : i32 to vector<16xi32>
      %eq3A_1463 = arith.cmpi eq, %iota3A, %eq3A_1462 : vector<16xi32>
      %select_n3A_1464 = arith.select %eq3A_1463, %gather3A_1233, %gather3A_1127 : vector<16xi1>, vector<16xf32>
      %ge3A_1465 = arith.constant 2 : i32
      %ge3A_1466 = vector.broadcast %ge3A_1465 : i32 to vector<16xi32>
      %ge3A_1467 = arith.cmpi sge, %iota3A, %ge3A_1466 : vector<16xi32>
      %lt3A_1468 = arith.constant 0 : i32
      %lt3A_1469 = vector.broadcast %lt3A_1468 : i32 to vector<16xi32>
      %lt3A_1470 = arith.cmpi slt, %max3A_13, %lt3A_1469 : vector<16xi32>
      %add3A_1471 = arith.constant 16 : i32
      %add3A_1472 = vector.broadcast %add3A_1471 : i32 to vector<16xi32>
      %add3A_1473 = arith.addi %max3A_13, %add3A_1472 : vector<16xi32>
      %select_n3A_1474 = arith.select %lt3A_1470, %add3A_1473, %max3A_13 : vector<16xi1>, vector<16xi32>
      %broadcast_in_dim3A_1475 = vector.shape_cast %select_n3A_1474 : vector<16xi32> to vector<16x1xi32>
      %gather3A_1476 = vector.shape_cast %broadcast_in_dim3A_1475 : vector<16x1xi32> to vector<16xi32>
      %gather3A_1477 = tpu.dynamic_gather %masked_cummax3A_1411[%gather3A_1476] in [0] : vector<16xf32>, vector<16xi32> -> vector<16xf32>
      %jit3A_1478 = arith.constant 0.000000e+00 : f32
      %broadcast_in_dim3A_1479 = vector.broadcast %jit3A_1478 : f32 to vector<16xf32>
      %select_n3A_1480 = arith.select %ge3A_1467, %gather3A_1477, %broadcast_in_dim3A_1479 : vector<16xi1>, vector<16xf32>
      %max3A_1481 = arith.maximumf %select_n3A_1464, %select_n3A_1480 : vector<16xf32>
      %mul3A_1482 = arith.mulf %select_n3A_1098, %max3A_1481 : vector<16xf32>
      %sub3A_1483 = arith.constant 1 : i32
      %sub3A_1484 = arith.subi %scan3A_1235, %sub3A_1483 : i32
      %mul3A_1485 = arith.constant 16 : i32
      %mul3A_1486 = arith.muli %sub3A_1484, %mul3A_1485 : i32
      %add3A_1487 = vector.broadcast %mul3A_1486 : i32 to vector<16xi32>
      %add3A_1488 = arith.addi %add3A_1487, %iota3A : vector<16xi32>
      %gt3A_1489 = arith.cmpf ogt, %mul3A_1482, %select_n3A_1183 : vector<16xf32>
      %select_n3A_1490 = arith.select %gt3A_1489, %mul3A_1482, %select_n3A_1183 : vector<16xi1>, vector<16xf32>
      %select_n3A_1491 = arith.select %gt3A_1489, %add3A_1488, %select_n3A_1184 : vector<16xi1>, vector<16xi32>
      %eq3A_1492 = arith.constant 15 : i32
      %eq3A_1493 = vector.broadcast %eq3A_1492 : i32 to vector<16xi32>
      %eq3A_1494 = arith.cmpi eq, %iota3A, %eq3A_1493 : vector<16xi32>
      %lt3A_1495 = arith.constant 0 : i32
      %lt3A_1496 = vector.broadcast %lt3A_1495 : i32 to vector<16xi32>
      %lt3A_1497 = arith.cmpi slt, %add3A_24, %lt3A_1496 : vector<16xi32>
      %add3A_1498 = arith.constant 16 : i32
      %add3A_1499 = vector.broadcast %add3A_1498 : i32 to vector<16xi32>
      %add3A_1500 = arith.addi %add3A_24, %add3A_1499 : vector<16xi32>
      %select_n3A_1501 = arith.select %lt3A_1497, %add3A_1500, %add3A_24 : vector<16xi1>, vector<16xi32>
      %broadcast_in_dim3A_1502 = vector.shape_cast %select_n3A_1501 : vector<16xi32> to vector<16x1xi32>
      %gather3A_1503 = vector.shape_cast %broadcast_in_dim3A_1502 : vector<16x1xi32> to vector<16xi32>
      %gather3A_1504 = tpu.dynamic_gather %gather3A_1460[%gather3A_1503] in [0] : vector<16xf32>, vector<16xi32> -> vector<16xf32>
      %select_n3A_1505 = arith.select %eq3A_1494, %gather3A_1504, %masked_cummax3A_1437 : vector<16xi1>, vector<16xf32>
      %le3A_1506 = arith.constant 13 : i32
      %le3A_1507 = vector.broadcast %le3A_1506 : i32 to vector<16xi32>
      %le3A_1508 = arith.cmpi sle, %iota3A, %le3A_1507 : vector<16xi32>
      %lt3A_1509 = arith.constant 0 : i32
      %lt3A_1510 = vector.broadcast %lt3A_1509 : i32 to vector<16xi32>
      %lt3A_1511 = arith.cmpi slt, %min3A_18, %lt3A_1510 : vector<16xi32>
      %add3A_1512 = arith.constant 16 : i32
      %add3A_1513 = vector.broadcast %add3A_1512 : i32 to vector<16xi32>
      %add3A_1514 = arith.addi %min3A_18, %add3A_1513 : vector<16xi32>
      %select_n3A_1515 = arith.select %lt3A_1511, %add3A_1514, %min3A_18 : vector<16xi1>, vector<16xi32>
      %broadcast_in_dim3A_1516 = vector.shape_cast %select_n3A_1515 : vector<16xi32> to vector<16x1xi32>
      %gather3A_1517 = vector.shape_cast %broadcast_in_dim3A_1516 : vector<16x1xi32> to vector<16xi32>
      %gather3A_1518 = tpu.dynamic_gather %gather3A_1153[%gather3A_1517] in [0] : vector<16xf32>, vector<16xi32> -> vector<16xf32>
      %jit3A_1519 = arith.constant 0.000000e+00 : f32
      %broadcast_in_dim3A_1520 = vector.broadcast %jit3A_1519 : f32 to vector<16xf32>
      %select_n3A_1521 = arith.select %le3A_1508, %gather3A_1518, %broadcast_in_dim3A_1520 : vector<16xi1>, vector<16xf32>
      %max3A_1522 = arith.maximumf %select_n3A_1505, %select_n3A_1521 : vector<16xf32>
      %mul3A_1523 = arith.mulf %select_n3A_1408, %max3A_1522 : vector<16xf32>
      %mul3A_1524 = arith.constant 16 : i32
      %mul3A_1525 = arith.muli %scan3A_1235, %mul3A_1524 : i32
      %add3A_1526 = vector.broadcast %mul3A_1525 : i32 to vector<16xi32>
      %add3A_1527 = arith.addi %add3A_1526, %iota3A : vector<16xi32>
      %gt3A_1528 = arith.cmpf ogt, %mul3A_1523, %select_n3A_1222 : vector<16xf32>
      %select_n3A_1529 = arith.select %gt3A_1528, %mul3A_1523, %select_n3A_1222 : vector<16xi1>, vector<16xf32>
      %select_n3A_1530 = arith.select %gt3A_1528, %add3A_1527, %select_n3A_1223 : vector<16xi1>, vector<16xi32>
      %lt3A_1531 = arith.constant 0 : i32
      %lt3A_1532 = vector.broadcast %lt3A_1531 : i32 to vector<16xi32>
      %lt3A_1533 = arith.cmpi slt, %add3A_21, %lt3A_1532 : vector<16xi32>
      %add3A_1534 = arith.constant 16 : i32
      %add3A_1535 = vector.broadcast %add3A_1534 : i32 to vector<16xi32>
      %add3A_1536 = arith.addi %add3A_21, %add3A_1535 : vector<16xi32>
      %select_n3A_1537 = arith.select %lt3A_1533, %add3A_1536, %add3A_21 : vector<16xi1>, vector<16xi32>
      %broadcast_in_dim3A_1538 = vector.shape_cast %select_n3A_1537 : vector<16xi32> to vector<16x1xi32>
      %gather3A_1539 = vector.shape_cast %broadcast_in_dim3A_1538 : vector<16x1xi32> to vector<16xi32>
      %gather3A_1540 = tpu.dynamic_gather %masked_cummax3A_1411[%gather3A_1539] in [0] : vector<16xf32>, vector<16xi32> -> vector<16xf32>
      scf.yield %gather3A_1286, %gather3A_1392, %select_n3A_1257, %select_n3A_1342, %select_n3A_1343, %gather3A_1312, %select_n3A_1381, %select_n3A_1382, %gather3A_1434, %gather3A_1540, %select_n3A_1405, %select_n3A_1490, %select_n3A_1491, %gather3A_1460, %select_n3A_1529, %select_n3A_1530 : vector<16xf32>, vector<16xf32>, vector<16xf32>, vector<16xf32>, vector<16xi32>, vector<16xf32>, vector<16xf32>, vector<16xi32>, vector<16xf32>, vector<16xf32>, vector<16xf32>, vector<16xf32>, vector<16xi32>, vector<16xf32>, vector<16xf32>, vector<16xi32>
    }
    %scan3A_48 = arith.constant 32 : i32
    %eq3A = arith.constant 0 : i32
    %eq3A_49 = vector.broadcast %eq3A : i32 to vector<16xi32>
    %eq3A_50 = arith.cmpi eq, %iota3A, %eq3A_49 : vector<16xi32>
    %select_n3A = arith.select %eq3A_50, %scan3A_47#1, %scan3A_47#0 : vector<16xi1>, vector<16xf32>
    %mul3A_51 = arith.mulf %scan3A_47#2, %select_n3A : vector<16xf32>
    %add3A_52 = arith.constant 496 : i32
    %add3A_53 = vector.broadcast %add3A_52 : i32 to vector<16xi32>
    %add3A_54 = arith.addi %add3A_53, %iota3A : vector<16xi32>
    %gt3A = arith.cmpf ogt, %mul3A_51, %scan3A_47#3 : vector<16xf32>
    %select_n3A_55 = arith.select %gt3A, %mul3A_51, %scan3A_47#3 : vector<16xi1>, vector<16xf32>
    %select_n3A_56 = arith.select %gt3A, %add3A_54, %scan3A_47#4 : vector<16xi1>, vector<16xi32>
    %reduce_max3A = arith.constant true
    %reduce_max3A_57 = vector.broadcast %reduce_max3A : i1 to vector<16xi1>
    %reduce_max3A_58 = tpu.scan <max>, %select_n3A_55 masked %reduce_max3A_57 : vector<16xf32>, vector<16xi1> -> vector<16xf32>
    %reduce_max3A_59 = vector.extract %reduce_max3A_58[15] : f32 from vector<16xf32>
    %eq3A_60 = vector.broadcast %reduce_max3A_59 : f32 to vector<16xf32>
    %eq3A_61 = arith.cmpf oeq, %select_n3A_55, %eq3A_60 : vector<16xf32>
    %jit3A = arith.constant 512 : i32
    %broadcast_in_dim3A_62 = vector.broadcast %jit3A : i32 to vector<16xi32>
    %select_n3A_63 = arith.select %eq3A_61, %select_n3A_56, %broadcast_in_dim3A_62 : vector<16xi1>, vector<16xi32>
    %reduce_min3A = arith.constant true
    %reduce_min3A_64 = vector.broadcast %reduce_min3A : i1 to vector<16xi1>
    %reduce_min3A_65 = arith.constant -2147483648 : i32
    %reduce_min3A_66 = vector.broadcast %reduce_min3A_65 : i32 to vector<16xi32>
    %reduce_min3A_67 = arith.xori %select_n3A_63, %reduce_min3A_66 : vector<16xi32>
    %reduce_min3A_68 = tpu.scan <min>, %reduce_min3A_67 masked %reduce_min3A_64 : vector<16xi32>, vector<16xi1> -> vector<16xi32>
    %reduce_min3A_69 = arith.xori %reduce_min3A_68, %reduce_min3A_66 : vector<16xi32>
    %reduce_min3A_70 = vector.extract %reduce_min3A_69[15] : i32 from vector<16xi32>
    %reduce_max3A_71 = arith.constant true
    %reduce_max3A_72 = vector.broadcast %reduce_max3A_71 : i1 to vector<16xi1>
    %reduce_max3A_73 = tpu.scan <max>, %scan3A_47#6 masked %reduce_max3A_72 : vector<16xf32>, vector<16xi1> -> vector<16xf32>
    %reduce_max3A_74 = vector.extract %reduce_max3A_73[15] : f32 from vector<16xf32>
    %eq3A_75 = vector.broadcast %reduce_max3A_74 : f32 to vector<16xf32>
    %eq3A_76 = arith.cmpf oeq, %scan3A_47#6, %eq3A_75 : vector<16xf32>
    %jit3A_77 = arith.constant 512 : i32
    %broadcast_in_dim3A_78 = vector.broadcast %jit3A_77 : i32 to vector<16xi32>
    %select_n3A_79 = arith.select %eq3A_76, %scan3A_47#7, %broadcast_in_dim3A_78 : vector<16xi1>, vector<16xi32>
    %reduce_min3A_80 = arith.constant true
    %reduce_min3A_81 = vector.broadcast %reduce_min3A_80 : i1 to vector<16xi1>
    %reduce_min3A_82 = arith.constant -2147483648 : i32
    %reduce_min3A_83 = vector.broadcast %reduce_min3A_82 : i32 to vector<16xi32>
    %reduce_min3A_84 = arith.xori %select_n3A_79, %reduce_min3A_83 : vector<16xi32>
    %reduce_min3A_85 = tpu.scan <min>, %reduce_min3A_84 masked %reduce_min3A_81 : vector<16xi32>, vector<16xi1> -> vector<16xi32>
    %reduce_min3A_86 = arith.xori %reduce_min3A_85, %reduce_min3A_83 : vector<16xi32>
    %reduce_min3A_87 = vector.extract %reduce_min3A_86[15] : i32 from vector<16xi32>
    %get3A = arith.constant 0 : i32
    %get3A_88 = arith.index_cast %get3A : i32 to index
    %get3A_89 = arith.constant 0 : index
    %get3A_90 = tpu.vector_load %arg9[%get3A_88, %get3A_89] {strides = array<i32>} : memref<2x512xf32, #tpu.memory_space<vmem>>, vector<16xf32>,
    %exp3A = math.exp %get3A_90 : vector<16xf32>
    %get3A_91 = arith.constant 0 : i32
    %get3A_92 = arith.index_cast %get3A_91 : i32 to index
    %get3A_93 = arith.constant 0 : index
    %get3A_94 = tpu.vector_load %arg10[%get3A_92, %get3A_93] {strides = array<i32>} : memref<2x512xf32, #tpu.memory_space<vmem>>, vector<16xf32>,
    %exp3A_95 = math.exp %get3A_94 : vector<16xf32>
    %eq3A_96 = arith.constant 0 : i32
    %eq3A_97 = vector.broadcast %eq3A_96 : i32 to vector<16xi32>
    %eq3A_98 = arith.cmpi eq, %iota3A, %eq3A_97 : vector<16xi32>
    %mul3A_99 = arith.mulf %exp3A, %exp3A_95 : vector<16xf32>
    %jit3A_100 = arith.constant -1.000000e+00 : f32
    %broadcast_in_dim3A_101 = vector.broadcast %jit3A_100 : f32 to vector<16xf32>
    %select_n3A_102 = arith.select %eq3A_98, %mul3A_99, %broadcast_in_dim3A_101 : vector<16xi1>, vector<16xf32>
    %reduce_max3A_103 = arith.constant true
    %reduce_max3A_104 = vector.broadcast %reduce_max3A_103 : i1 to vector<16xi1>
    %reduce_max3A_105 = tpu.scan <max>, %select_n3A_102 masked %reduce_max3A_104 : vector<16xf32>, vector<16xi1> -> vector<16xf32>
    %reduce_max3A_106 = vector.extract %reduce_max3A_105[15] : f32 from vector<16xf32>
    %gt3A_107 = arith.cmpf ogt, %reduce_max3A_106, %reduce_max3A_59 : f32
    %jit3A_108 = arith.constant 0 : i32
    %select_n3A_109 = arith.select %gt3A_107, %jit3A_108, %reduce_min3A_70 : i32
    %gt3A_110 = arith.cmpf ogt, %reduce_max3A_106, %reduce_max3A_74 : f32
    %jit3A_111 = arith.constant 0 : i32
    %select_n3A_112 = arith.select %gt3A_110, %jit3A_111, %reduce_min3A_87 : i32
    %add3A_113 = arith.constant 0 : i32
    %add3A_114 = arith.addi %mul3A_2, %add3A_113 : i32
    %broadcast_in_dim3A_115 = vector.broadcast %add3A_114 : i32 to vector<16xi32>
    %gather3A_116 = tpu.vector_load_idx %arg11[%broadcast_in_dim3A_115] : memref<64xf32, #tpu.memory_space<vmem>>[vector<16xi32>], vector<16xf32>,
    %gather3A_117 = tpu.vector_load_idx %arg12[%broadcast_in_dim3A_115] : memref<64xf32, #tpu.memory_space<vmem>>[vector<16xi32>], vector<16xf32>,
    %mul3A_118 = arith.mulf %gather3A, %gather3A_117 : vector<16xf32>
    %sub3A_119 = arith.constant 1.000000e+00 : f32
    %sub3A_120 = vector.broadcast %sub3A_119 : f32 to vector<16xf32>
    %sub3A_121 = arith.subf %sub3A_120, %gather3A : vector<16xf32>
    %mul3A_122 = arith.mulf %sub3A_121, %gather3A_116 : vector<16xf32>
    %add3A_123 = arith.addf %mul3A_118, %mul3A_122 : vector<16xf32>
    %add3A_124 = arith.constant 0 : i32
    %add3A_125 = vector.broadcast %add3A_124 : i32 to vector<16xi32>
    %add3A_126 = arith.addi %mul3A_5, %add3A_125 : vector<16xi32>
    %broadcast_in_dim3A_127 = vector.broadcast %select_n3A_109 : i32 to vector<16xi32>
    %gather3A_128 = tpu.vector_load_idx %arg9[%add3A_126, %broadcast_in_dim3A_127] : memref<2x512xf32, #tpu.memory_space<vmem>>[vector<16xi32>, vector<16xi32>], vector<16xf32>,
    %broadcast_in_dim3A_129 = vector.broadcast %select_n3A_112 : i32 to vector<16xi32>
    %gather3A_130 = tpu.vector_load_idx %arg10[%add3A_126, %broadcast_in_dim3A_129] : memref<2x512xf32, #tpu.memory_space<vmem>>[vector<16xi32>, vector<16xi32>], vector<16xf32>,
    %mul3A_131 = arith.mulf %gather3A_128, %gather3A_130 : vector<16xf32>
    %get3A_132 = arith.constant 0 : i32
    %get3A_133 = arith.index_cast %get3A_132 : i32 to index
    %get3A_134 = arith.constant 0 : index
    %get3A_135 = tpu.vector_load %arg9[%get3A_133, %get3A_134] {strides = array<i32>} : memref<2x512xf32, #tpu.memory_space<vmem>>, vector<16xf32>,
    %get3A_136 = arith.constant 0 : i32
    %get3A_137 = arith.index_cast %get3A_136 : i32 to index
    %get3A_138 = arith.constant 0 : index
    %get3A_139 = tpu.vector_load %arg10[%get3A_137, %get3A_138] {strides = array<i32>} : memref<2x512xf32, #tpu.memory_space<vmem>>, vector<16xf32>,
    %mul3A_140 = arith.mulf %get3A_135, %get3A_139 : vector<16xf32>
    %eq3A_141 = arith.constant 0 : i32
    %eq3A_142 = vector.broadcast %eq3A_141 : i32 to vector<16xi32>
    %eq3A_143 = arith.cmpi eq, %iota3A, %eq3A_142 : vector<16xi32>
    %jit3A_144 = arith.constant -3.400000e+38 : f32
    %broadcast_in_dim3A_145 = vector.broadcast %jit3A_144 : f32 to vector<16xf32>
    %select_n3A_146 = arith.select %eq3A_143, %mul3A_140, %broadcast_in_dim3A_145 : vector<16xi1>, vector<16xf32>
    %reduce_max3A_147 = arith.constant true
    %reduce_max3A_148 = vector.broadcast %reduce_max3A_147 : i1 to vector<16xi1>
    %reduce_max3A_149 = tpu.scan <max>, %select_n3A_146 masked %reduce_max3A_148 : vector<16xf32>, vector<16xi1> -> vector<16xf32>
    %reduce_max3A_150 = vector.extract %reduce_max3A_149[15] : f32 from vector<16xf32>
    %broadcast_in_dim3A_151 = vector.broadcast %reduce_max3A_150 : f32 to vector<16xf32>
    %sub3A_152 = arith.subf %broadcast_in_dim3A_151, %mul3A_131 : vector<16xf32>
    %mul3A_153 = arith.mulf %gather3A_43, %add3A_123 : vector<16xf32>
    %sub3A_154 = arith.constant 1.000000e+00 : f32
    %sub3A_155 = vector.broadcast %sub3A_154 : f32 to vector<16xf32>
    %sub3A_156 = arith.subf %sub3A_155, %gather3A_43 : vector<16xf32>
    %mul3A_157 = arith.mulf %sub3A_156, %sub3A_152 : vector<16xf32>
    %add3A_158 = arith.addf %mul3A_153, %mul3A_157 : vector<16xf32>
    %gt3A_159 = arith.cmpf ogt, %add3A_158, %gather3A_39 : vector<16xf32>
    %eq3A_160 = arith.constant 0 : i32
    %eq3A_161 = vector.broadcast %eq3A_160 : i32 to vector<16xi32>
    %eq3A_162 = arith.cmpi eq, %iota3A, %eq3A_161 : vector<16xi32>
    %select_n3A_163 = arith.select %eq3A_162, %scan3A_47#9, %scan3A_47#8 : vector<16xi1>, vector<16xf32>
    %mul3A_164 = arith.mulf %scan3A_47#10, %select_n3A_163 : vector<16xf32>
    %add3A_165 = arith.constant 496 : i32
    %add3A_166 = vector.broadcast %add3A_165 : i32 to vector<16xi32>
    %add3A_167 = arith.addi %add3A_166, %iota3A : vector<16xi32>
    %gt3A_168 = arith.cmpf ogt, %mul3A_164, %scan3A_47#11 : vector<16xf32>
    %select_n3A_169 = arith.select %gt3A_168, %mul3A_164, %scan3A_47#11 : vector<16xi1>, vector<16xf32>
    %select_n3A_170 = arith.select %gt3A_168, %add3A_167, %scan3A_47#12 : vector<16xi1>, vector<16xi32>
    %reduce_max3A_171 = arith.constant true
    %reduce_max3A_172 = vector.broadcast %reduce_max3A_171 : i1 to vector<16xi1>
    %reduce_max3A_173 = tpu.scan <max>, %select_n3A_169 masked %reduce_max3A_172 : vector<16xf32>, vector<16xi1> -> vector<16xf32>
    %reduce_max3A_174 = vector.extract %reduce_max3A_173[15] : f32 from vector<16xf32>
    %eq3A_175 = vector.broadcast %reduce_max3A_174 : f32 to vector<16xf32>
    %eq3A_176 = arith.cmpf oeq, %select_n3A_169, %eq3A_175 : vector<16xf32>
    %jit3A_177 = arith.constant 512 : i32
    %broadcast_in_dim3A_178 = vector.broadcast %jit3A_177 : i32 to vector<16xi32>
    %select_n3A_179 = arith.select %eq3A_176, %select_n3A_170, %broadcast_in_dim3A_178 : vector<16xi1>, vector<16xi32>
    %reduce_min3A_180 = arith.constant true
    %reduce_min3A_181 = vector.broadcast %reduce_min3A_180 : i1 to vector<16xi1>
    %reduce_min3A_182 = arith.constant -2147483648 : i32
    %reduce_min3A_183 = vector.broadcast %reduce_min3A_182 : i32 to vector<16xi32>
    %reduce_min3A_184 = arith.xori %select_n3A_179, %reduce_min3A_183 : vector<16xi32>
    %reduce_min3A_185 = tpu.scan <min>, %reduce_min3A_184 masked %reduce_min3A_181 : vector<16xi32>, vector<16xi1> -> vector<16xi32>
    %reduce_min3A_186 = arith.xori %reduce_min3A_185, %reduce_min3A_183 : vector<16xi32>
    %reduce_min3A_187 = vector.extract %reduce_min3A_186[15] : i32 from vector<16xi32>
    %reduce_max3A_188 = arith.constant true
    %reduce_max3A_189 = vector.broadcast %reduce_max3A_188 : i1 to vector<16xi1>
    %reduce_max3A_190 = tpu.scan <max>, %scan3A_47#14 masked %reduce_max3A_189 : vector<16xf32>, vector<16xi1> -> vector<16xf32>
    %reduce_max3A_191 = vector.extract %reduce_max3A_190[15] : f32 from vector<16xf32>
    %eq3A_192 = vector.broadcast %reduce_max3A_191 : f32 to vector<16xf32>
    %eq3A_193 = arith.cmpf oeq, %scan3A_47#14, %eq3A_192 : vector<16xf32>
    %jit3A_194 = arith.constant 512 : i32
    %broadcast_in_dim3A_195 = vector.broadcast %jit3A_194 : i32 to vector<16xi32>
    %select_n3A_196 = arith.select %eq3A_193, %scan3A_47#15, %broadcast_in_dim3A_195 : vector<16xi1>, vector<16xi32>
    %reduce_min3A_197 = arith.constant true
    %reduce_min3A_198 = vector.broadcast %reduce_min3A_197 : i1 to vector<16xi1>
    %reduce_min3A_199 = arith.constant -2147483648 : i32
    %reduce_min3A_200 = vector.broadcast %reduce_min3A_199 : i32 to vector<16xi32>
    %reduce_min3A_201 = arith.xori %select_n3A_196, %reduce_min3A_200 : vector<16xi32>
    %reduce_min3A_202 = tpu.scan <min>, %reduce_min3A_201 masked %reduce_min3A_198 : vector<16xi32>, vector<16xi1> -> vector<16xi32>
    %reduce_min3A_203 = arith.xori %reduce_min3A_202, %reduce_min3A_200 : vector<16xi32>
    %reduce_min3A_204 = vector.extract %reduce_min3A_203[15] : i32 from vector<16xi32>
    %get3A_205 = arith.constant 1 : i32
    %get3A_206 = arith.index_cast %get3A_205 : i32 to index
    %get3A_207 = arith.constant 0 : index
    %get3A_208 = tpu.vector_load %arg9[%get3A_206, %get3A_207] {strides = array<i32>} : memref<2x512xf32, #tpu.memory_space<vmem>>, vector<16xf32>,
    %exp3A_209 = math.exp %get3A_208 : vector<16xf32>
    %get3A_210 = arith.constant 1 : i32
    %get3A_211 = arith.index_cast %get3A_210 : i32 to index
    %get3A_212 = arith.constant 0 : index
    %get3A_213 = tpu.vector_load %arg10[%get3A_211, %get3A_212] {strides = array<i32>} : memref<2x512xf32, #tpu.memory_space<vmem>>, vector<16xf32>,
    %exp3A_214 = math.exp %get3A_213 : vector<16xf32>
    %eq3A_215 = arith.constant 0 : i32
    %eq3A_216 = vector.broadcast %eq3A_215 : i32 to vector<16xi32>
    %eq3A_217 = arith.cmpi eq, %iota3A, %eq3A_216 : vector<16xi32>
    %mul3A_218 = arith.mulf %exp3A_209, %exp3A_214 : vector<16xf32>
    %jit3A_219 = arith.constant -1.000000e+00 : f32
    %broadcast_in_dim3A_220 = vector.broadcast %jit3A_219 : f32 to vector<16xf32>
    %select_n3A_221 = arith.select %eq3A_217, %mul3A_218, %broadcast_in_dim3A_220 : vector<16xi1>, vector<16xf32>
    %reduce_max3A_222 = arith.constant true
    %reduce_max3A_223 = vector.broadcast %reduce_max3A_222 : i1 to vector<16xi1>
    %reduce_max3A_224 = tpu.scan <max>, %select_n3A_221 masked %reduce_max3A_223 : vector<16xf32>, vector<16xi1> -> vector<16xf32>
    %reduce_max3A_225 = vector.extract %reduce_max3A_224[15] : f32 from vector<16xf32>
    %gt3A_226 = arith.cmpf ogt, %reduce_max3A_225, %reduce_max3A_174 : f32
    %jit3A_227 = arith.constant 0 : i32
    %select_n3A_228 = arith.select %gt3A_226, %jit3A_227, %reduce_min3A_187 : i32
    %gt3A_229 = arith.cmpf ogt, %reduce_max3A_225, %reduce_max3A_191 : f32
    %jit3A_230 = arith.constant 0 : i32
    %select_n3A_231 = arith.select %gt3A_229, %jit3A_230, %reduce_min3A_204 : i32
    %add3A_232 = arith.constant 1 : i32
    %add3A_233 = arith.addi %mul3A_2, %add3A_232 : i32
    %broadcast_in_dim3A_234 = vector.broadcast %add3A_233 : i32 to vector<16xi32>
    %gather3A_235 = tpu.vector_load_idx %arg11[%broadcast_in_dim3A_234] : memref<64xf32, #tpu.memory_space<vmem>>[vector<16xi32>], vector<16xf32>,
    %gather3A_236 = tpu.vector_load_idx %arg12[%broadcast_in_dim3A_234] : memref<64xf32, #tpu.memory_space<vmem>>[vector<16xi32>], vector<16xf32>,
    %mul3A_237 = arith.mulf %gather3A, %gather3A_236 : vector<16xf32>
    %sub3A_238 = arith.constant 1.000000e+00 : f32
    %sub3A_239 = vector.broadcast %sub3A_238 : f32 to vector<16xf32>
    %sub3A_240 = arith.subf %sub3A_239, %gather3A : vector<16xf32>
    %mul3A_241 = arith.mulf %sub3A_240, %gather3A_235 : vector<16xf32>
    %add3A_242 = arith.addf %mul3A_237, %mul3A_241 : vector<16xf32>
    %add3A_243 = arith.constant 1 : i32
    %add3A_244 = vector.broadcast %add3A_243 : i32 to vector<16xi32>
    %add3A_245 = arith.addi %mul3A_5, %add3A_244 : vector<16xi32>
    %broadcast_in_dim3A_246 = vector.broadcast %select_n3A_228 : i32 to vector<16xi32>
    %gather3A_247 = tpu.vector_load_idx %arg9[%add3A_245, %broadcast_in_dim3A_246] : memref<2x512xf32, #tpu.memory_space<vmem>>[vector<16xi32>, vector<16xi32>], vector<16xf32>,
    %broadcast_in_dim3A_248 = vector.broadcast %select_n3A_231 : i32 to vector<16xi32>
    %gather3A_249 = tpu.vector_load_idx %arg10[%add3A_245, %broadcast_in_dim3A_248] : memref<2x512xf32, #tpu.memory_space<vmem>>[vector<16xi32>, vector<16xi32>], vector<16xf32>,
    %mul3A_250 = arith.mulf %gather3A_247, %gather3A_249 : vector<16xf32>
    %get3A_251 = arith.constant 1 : i32
    %get3A_252 = arith.index_cast %get3A_251 : i32 to index
    %get3A_253 = arith.constant 0 : index
    %get3A_254 = tpu.vector_load %arg9[%get3A_252, %get3A_253] {strides = array<i32>} : memref<2x512xf32, #tpu.memory_space<vmem>>, vector<16xf32>,
    %get3A_255 = arith.constant 1 : i32
    %get3A_256 = arith.index_cast %get3A_255 : i32 to index
    %get3A_257 = arith.constant 0 : index
    %get3A_258 = tpu.vector_load %arg10[%get3A_256, %get3A_257] {strides = array<i32>} : memref<2x512xf32, #tpu.memory_space<vmem>>, vector<16xf32>,
    %mul3A_259 = arith.mulf %get3A_254, %get3A_258 : vector<16xf32>
    %eq3A_260 = arith.constant 0 : i32
    %eq3A_261 = vector.broadcast %eq3A_260 : i32 to vector<16xi32>
    %eq3A_262 = arith.cmpi eq, %iota3A, %eq3A_261 : vector<16xi32>
    %jit3A_263 = arith.constant -3.400000e+38 : f32
    %broadcast_in_dim3A_264 = vector.broadcast %jit3A_263 : f32 to vector<16xf32>
    %select_n3A_265 = arith.select %eq3A_262, %mul3A_259, %broadcast_in_dim3A_264 : vector<16xi1>, vector<16xf32>
    %reduce_max3A_266 = arith.constant true
    %reduce_max3A_267 = vector.broadcast %reduce_max3A_266 : i1 to vector<16xi1>
    %reduce_max3A_268 = tpu.scan <max>, %select_n3A_265 masked %reduce_max3A_267 : vector<16xf32>, vector<16xi1> -> vector<16xf32>
    %reduce_max3A_269 = vector.extract %reduce_max3A_268[15] : f32 from vector<16xf32>
    %broadcast_in_dim3A_270 = vector.broadcast %reduce_max3A_269 : f32 to vector<16xf32>
    %sub3A_271 = arith.subf %broadcast_in_dim3A_270, %mul3A_250 : vector<16xf32>
    %mul3A_272 = arith.mulf %gather3A_43, %add3A_242 : vector<16xf32>
    %sub3A_273 = arith.constant 1.000000e+00 : f32
    %sub3A_274 = vector.broadcast %sub3A_273 : f32 to vector<16xf32>
    %sub3A_275 = arith.subf %sub3A_274, %gather3A_43 : vector<16xf32>
    %mul3A_276 = arith.mulf %sub3A_275, %sub3A_271 : vector<16xf32>
    %add3A_277 = arith.addf %mul3A_272, %mul3A_276 : vector<16xf32>
    %gt3A_278 = arith.cmpf ogt, %add3A_277, %gather3A_39 : vector<16xf32>
    %scan3A_279 = arith.constant 0 : i32
    %scan3A_280 = arith.constant 0 : i32
    %scan3A_281 = arith.constant 32 : i32
    %scan3A_282 = arith.addi %scan3A_280, %scan3A_281 : i32
    %scan3A_283 = arith.constant 4 : i32
    %scan3A_284 = scf.for %scan3A_302 = %scan3A_280 to %scan3A_282 step %scan3A_283 iter_args(%scan3A_303 = %scan3A_279) -> (i32)  : i32 {
      %mul3A_304 = arith.constant 16 : i32
      %mul3A_305 = arith.muli %scan3A_302, %mul3A_304 : i32
      %get3A_306 = arith.constant 0 : i32
      %get3A_307 = arith.index_cast %get3A_306 : i32 to index
      %get3A_308 = arith.index_cast %mul3A_305 : i32 to index
      %get3A_309 = tpu.vector_load %arg9[%get3A_307, %get3A_308] {strides = array<i32>} : memref<2x512xf32, #tpu.memory_space<vmem>>, vector<16xf32>,
      %jit3A_310 = arith.constant 0.000000e+00 : f32
      %broadcast_in_dim3A_311 = vector.broadcast %jit3A_310 : f32 to vector<16xf32>
      %select_n3A_312 = arith.select %gt3A_159, %broadcast_in_dim3A_311, %get3A_309 : vector<16xi1>, vector<16xf32>
      %swap3A = arith.constant 0 : i32
      %swap3A_313 = arith.index_cast %swap3A : i32 to index
      %swap3A_314 = arith.index_cast %mul3A_305 : i32 to index
      %swap3A_315 = tpu.vector_load %arg9[%swap3A_313, %swap3A_314] {strides = array<i32>} : memref<2x512xf32, #tpu.memory_space<vmem>>, vector<16xf32>,
      tpu.vector_store %arg9[%swap3A_313, %swap3A_314], %select_n3A_312 {strides = array<i32>} : memref<2x512xf32, #tpu.memory_space<vmem>>, vector<16xf32>,
      %get3A_316 = arith.constant 0 : i32
      %get3A_317 = arith.index_cast %get3A_316 : i32 to index
      %get3A_318 = arith.index_cast %mul3A_305 : i32 to index
      %get3A_319 = tpu.vector_load %arg10[%get3A_317, %get3A_318] {strides = array<i32>} : memref<2x512xf32, #tpu.memory_space<vmem>>, vector<16xf32>,
      %jit3A_320 = arith.constant 0.000000e+00 : f32
      %broadcast_in_dim3A_321 = vector.broadcast %jit3A_320 : f32 to vector<16xf32>
      %select_n3A_322 = arith.select %gt3A_159, %broadcast_in_dim3A_321, %get3A_319 : vector<16xi1>, vector<16xf32>
      %swap3A_323 = arith.constant 0 : i32
      %swap3A_324 = arith.index_cast %swap3A_323 : i32 to index
      %swap3A_325 = arith.index_cast %mul3A_305 : i32 to index
      %swap3A_326 = tpu.vector_load %arg10[%swap3A_324, %swap3A_325] {strides = array<i32>} : memref<2x512xf32, #tpu.memory_space<vmem>>, vector<16xf32>,
      tpu.vector_store %arg10[%swap3A_324, %swap3A_325], %select_n3A_322 {strides = array<i32>} : memref<2x512xf32, #tpu.memory_space<vmem>>, vector<16xf32>,
      %get3A_327 = arith.constant 1 : i32
      %get3A_328 = arith.index_cast %get3A_327 : i32 to index
      %get3A_329 = arith.index_cast %mul3A_305 : i32 to index
      %get3A_330 = tpu.vector_load %arg9[%get3A_328, %get3A_329] {strides = array<i32>} : memref<2x512xf32, #tpu.memory_space<vmem>>, vector<16xf32>,
      %jit3A_331 = arith.constant 0.000000e+00 : f32
      %broadcast_in_dim3A_332 = vector.broadcast %jit3A_331 : f32 to vector<16xf32>
      %select_n3A_333 = arith.select %gt3A_278, %broadcast_in_dim3A_332, %get3A_330 : vector<16xi1>, vector<16xf32>
      %swap3A_334 = arith.constant 1 : i32
      %swap3A_335 = arith.index_cast %swap3A_334 : i32 to index
      %swap3A_336 = arith.index_cast %mul3A_305 : i32 to index
      %swap3A_337 = tpu.vector_load %arg9[%swap3A_335, %swap3A_336] {strides = array<i32>} : memref<2x512xf32, #tpu.memory_space<vmem>>, vector<16xf32>,
      tpu.vector_store %arg9[%swap3A_335, %swap3A_336], %select_n3A_333 {strides = array<i32>} : memref<2x512xf32, #tpu.memory_space<vmem>>, vector<16xf32>,
      %get3A_338 = arith.constant 1 : i32
      %get3A_339 = arith.index_cast %get3A_338 : i32 to index
      %get3A_340 = arith.index_cast %mul3A_305 : i32 to index
      %get3A_341 = tpu.vector_load %arg10[%get3A_339, %get3A_340] {strides = array<i32>} : memref<2x512xf32, #tpu.memory_space<vmem>>, vector<16xf32>,
      %jit3A_342 = arith.constant 0.000000e+00 : f32
      %broadcast_in_dim3A_343 = vector.broadcast %jit3A_342 : f32 to vector<16xf32>
      %select_n3A_344 = arith.select %gt3A_278, %broadcast_in_dim3A_343, %get3A_341 : vector<16xi1>, vector<16xf32>
      %swap3A_345 = arith.constant 1 : i32
      %swap3A_346 = arith.index_cast %swap3A_345 : i32 to index
      %swap3A_347 = arith.index_cast %mul3A_305 : i32 to index
      %swap3A_348 = tpu.vector_load %arg10[%swap3A_346, %swap3A_347] {strides = array<i32>} : memref<2x512xf32, #tpu.memory_space<vmem>>, vector<16xf32>,
      tpu.vector_store %arg10[%swap3A_346, %swap3A_347], %select_n3A_344 {strides = array<i32>} : memref<2x512xf32, #tpu.memory_space<vmem>>, vector<16xf32>,
      %scan3A_349 = arith.constant 0 : i32
      %scan3A_350 = arith.constant 1 : i32
      %scan3A_351 = arith.addi %scan3A_302, %scan3A_350 : i32
      %mul3A_352 = arith.constant 16 : i32
      %mul3A_353 = arith.muli %scan3A_351, %mul3A_352 : i32
      %get3A_354 = arith.constant 0 : i32
      %get3A_355 = arith.index_cast %get3A_354 : i32 to index
      %get3A_356 = arith.index_cast %mul3A_353 : i32 to index
      %get3A_357 = tpu.vector_load %arg9[%get3A_355, %get3A_356] {strides = array<i32>} : memref<2x512xf32, #tpu.memory_space<vmem>>, vector<16xf32>,
      %jit3A_358 = arith.constant 0.000000e+00 : f32
      %broadcast_in_dim3A_359 = vector.broadcast %jit3A_358 : f32 to vector<16xf32>
      %select_n3A_360 = arith.select %gt3A_159, %broadcast_in_dim3A_359, %get3A_357 : vector<16xi1>, vector<16xf32>
      %swap3A_361 = arith.constant 0 : i32
      %swap3A_362 = arith.index_cast %swap3A_361 : i32 to index
      %swap3A_363 = arith.index_cast %mul3A_353 : i32 to index
      %swap3A_364 = tpu.vector_load %arg9[%swap3A_362, %swap3A_363] {strides = array<i32>} : memref<2x512xf32, #tpu.memory_space<vmem>>, vector<16xf32>,
      tpu.vector_store %arg9[%swap3A_362, %swap3A_363], %select_n3A_360 {strides = array<i32>} : memref<2x512xf32, #tpu.memory_space<vmem>>, vector<16xf32>,
      %get3A_365 = arith.constant 0 : i32
      %get3A_366 = arith.index_cast %get3A_365 : i32 to index
      %get3A_367 = arith.index_cast %mul3A_353 : i32 to index
      %get3A_368 = tpu.vector_load %arg10[%get3A_366, %get3A_367] {strides = array<i32>} : memref<2x512xf32, #tpu.memory_space<vmem>>, vector<16xf32>,
      %jit3A_369 = arith.constant 0.000000e+00 : f32
      %broadcast_in_dim3A_370 = vector.broadcast %jit3A_369 : f32 to vector<16xf32>
      %select_n3A_371 = arith.select %gt3A_159, %broadcast_in_dim3A_370, %get3A_368 : vector<16xi1>, vector<16xf32>
      %swap3A_372 = arith.constant 0 : i32
      %swap3A_373 = arith.index_cast %swap3A_372 : i32 to index
      %swap3A_374 = arith.index_cast %mul3A_353 : i32 to index
      %swap3A_375 = tpu.vector_load %arg10[%swap3A_373, %swap3A_374] {strides = array<i32>} : memref<2x512xf32, #tpu.memory_space<vmem>>, vector<16xf32>,
      tpu.vector_store %arg10[%swap3A_373, %swap3A_374], %select_n3A_371 {strides = array<i32>} : memref<2x512xf32, #tpu.memory_space<vmem>>, vector<16xf32>,
      %get3A_376 = arith.constant 1 : i32
      %get3A_377 = arith.index_cast %get3A_376 : i32 to index
      %get3A_378 = arith.index_cast %mul3A_353 : i32 to index
      %get3A_379 = tpu.vector_load %arg9[%get3A_377, %get3A_378] {strides = array<i32>} : memref<2x512xf32, #tpu.memory_space<vmem>>, vector<16xf32>,
      %jit3A_380 = arith.constant 0.000000e+00 : f32
      %broadcast_in_dim3A_381 = vector.broadcast %jit3A_380 : f32 to vector<16xf32>
      %select_n3A_382 = arith.select %gt3A_278, %broadcast_in_dim3A_381, %get3A_379 : vector<16xi1>, vector<16xf32>
      %swap3A_383 = arith.constant 1 : i32
      %swap3A_384 = arith.index_cast %swap3A_383 : i32 to index
      %swap3A_385 = arith.index_cast %mul3A_353 : i32 to index
      %swap3A_386 = tpu.vector_load %arg9[%swap3A_384, %swap3A_385] {strides = array<i32>} : memref<2x512xf32, #tpu.memory_space<vmem>>, vector<16xf32>,
      tpu.vector_store %arg9[%swap3A_384, %swap3A_385], %select_n3A_382 {strides = array<i32>} : memref<2x512xf32, #tpu.memory_space<vmem>>, vector<16xf32>,
      %get3A_387 = arith.constant 1 : i32
      %get3A_388 = arith.index_cast %get3A_387 : i32 to index
      %get3A_389 = arith.index_cast %mul3A_353 : i32 to index
      %get3A_390 = tpu.vector_load %arg10[%get3A_388, %get3A_389] {strides = array<i32>} : memref<2x512xf32, #tpu.memory_space<vmem>>, vector<16xf32>,
      %jit3A_391 = arith.constant 0.000000e+00 : f32
      %broadcast_in_dim3A_392 = vector.broadcast %jit3A_391 : f32 to vector<16xf32>
      %select_n3A_393 = arith.select %gt3A_278, %broadcast_in_dim3A_392, %get3A_390 : vector<16xi1>, vector<16xf32>
      %swap3A_394 = arith.constant 1 : i32
      %swap3A_395 = arith.index_cast %swap3A_394 : i32 to index
      %swap3A_396 = arith.index_cast %mul3A_353 : i32 to index
      %swap3A_397 = tpu.vector_load %arg10[%swap3A_395, %swap3A_396] {strides = array<i32>} : memref<2x512xf32, #tpu.memory_space<vmem>>, vector<16xf32>,
      tpu.vector_store %arg10[%swap3A_395, %swap3A_396], %select_n3A_393 {strides = array<i32>} : memref<2x512xf32, #tpu.memory_space<vmem>>, vector<16xf32>,
      %scan3A_398 = arith.constant 0 : i32
      %scan3A_399 = arith.constant 2 : i32
      %scan3A_400 = arith.addi %scan3A_302, %scan3A_399 : i32
      %mul3A_401 = arith.constant 16 : i32
      %mul3A_402 = arith.muli %scan3A_400, %mul3A_401 : i32
      %get3A_403 = arith.constant 0 : i32
      %get3A_404 = arith.index_cast %get3A_403 : i32 to index
      %get3A_405 = arith.index_cast %mul3A_402 : i32 to index
      %get3A_406 = tpu.vector_load %arg9[%get3A_404, %get3A_405] {strides = array<i32>} : memref<2x512xf32, #tpu.memory_space<vmem>>, vector<16xf32>,
      %jit3A_407 = arith.constant 0.000000e+00 : f32
      %broadcast_in_dim3A_408 = vector.broadcast %jit3A_407 : f32 to vector<16xf32>
      %select_n3A_409 = arith.select %gt3A_159, %broadcast_in_dim3A_408, %get3A_406 : vector<16xi1>, vector<16xf32>
      %swap3A_410 = arith.constant 0 : i32
      %swap3A_411 = arith.index_cast %swap3A_410 : i32 to index
      %swap3A_412 = arith.index_cast %mul3A_402 : i32 to index
      %swap3A_413 = tpu.vector_load %arg9[%swap3A_411, %swap3A_412] {strides = array<i32>} : memref<2x512xf32, #tpu.memory_space<vmem>>, vector<16xf32>,
      tpu.vector_store %arg9[%swap3A_411, %swap3A_412], %select_n3A_409 {strides = array<i32>} : memref<2x512xf32, #tpu.memory_space<vmem>>, vector<16xf32>,
      %get3A_414 = arith.constant 0 : i32
      %get3A_415 = arith.index_cast %get3A_414 : i32 to index
      %get3A_416 = arith.index_cast %mul3A_402 : i32 to index
      %get3A_417 = tpu.vector_load %arg10[%get3A_415, %get3A_416] {strides = array<i32>} : memref<2x512xf32, #tpu.memory_space<vmem>>, vector<16xf32>,
      %jit3A_418 = arith.constant 0.000000e+00 : f32
      %broadcast_in_dim3A_419 = vector.broadcast %jit3A_418 : f32 to vector<16xf32>
      %select_n3A_420 = arith.select %gt3A_159, %broadcast_in_dim3A_419, %get3A_417 : vector<16xi1>, vector<16xf32>
      %swap3A_421 = arith.constant 0 : i32
      %swap3A_422 = arith.index_cast %swap3A_421 : i32 to index
      %swap3A_423 = arith.index_cast %mul3A_402 : i32 to index
      %swap3A_424 = tpu.vector_load %arg10[%swap3A_422, %swap3A_423] {strides = array<i32>} : memref<2x512xf32, #tpu.memory_space<vmem>>, vector<16xf32>,
      tpu.vector_store %arg10[%swap3A_422, %swap3A_423], %select_n3A_420 {strides = array<i32>} : memref<2x512xf32, #tpu.memory_space<vmem>>, vector<16xf32>,
      %get3A_425 = arith.constant 1 : i32
      %get3A_426 = arith.index_cast %get3A_425 : i32 to index
      %get3A_427 = arith.index_cast %mul3A_402 : i32 to index
      %get3A_428 = tpu.vector_load %arg9[%get3A_426, %get3A_427] {strides = array<i32>} : memref<2x512xf32, #tpu.memory_space<vmem>>, vector<16xf32>,
      %jit3A_429 = arith.constant 0.000000e+00 : f32
      %broadcast_in_dim3A_430 = vector.broadcast %jit3A_429 : f32 to vector<16xf32>
      %select_n3A_431 = arith.select %gt3A_278, %broadcast_in_dim3A_430, %get3A_428 : vector<16xi1>, vector<16xf32>
      %swap3A_432 = arith.constant 1 : i32
      %swap3A_433 = arith.index_cast %swap3A_432 : i32 to index
      %swap3A_434 = arith.index_cast %mul3A_402 : i32 to index
      %swap3A_435 = tpu.vector_load %arg9[%swap3A_433, %swap3A_434] {strides = array<i32>} : memref<2x512xf32, #tpu.memory_space<vmem>>, vector<16xf32>,
      tpu.vector_store %arg9[%swap3A_433, %swap3A_434], %select_n3A_431 {strides = array<i32>} : memref<2x512xf32, #tpu.memory_space<vmem>>, vector<16xf32>,
      %get3A_436 = arith.constant 1 : i32
      %get3A_437 = arith.index_cast %get3A_436 : i32 to index
      %get3A_438 = arith.index_cast %mul3A_402 : i32 to index
      %get3A_439 = tpu.vector_load %arg10[%get3A_437, %get3A_438] {strides = array<i32>} : memref<2x512xf32, #tpu.memory_space<vmem>>, vector<16xf32>,
      %jit3A_440 = arith.constant 0.000000e+00 : f32
      %broadcast_in_dim3A_441 = vector.broadcast %jit3A_440 : f32 to vector<16xf32>
      %select_n3A_442 = arith.select %gt3A_278, %broadcast_in_dim3A_441, %get3A_439 : vector<16xi1>, vector<16xf32>
      %swap3A_443 = arith.constant 1 : i32
      %swap3A_444 = arith.index_cast %swap3A_443 : i32 to index
      %swap3A_445 = arith.index_cast %mul3A_402 : i32 to index
      %swap3A_446 = tpu.vector_load %arg10[%swap3A_444, %swap3A_445] {strides = array<i32>} : memref<2x512xf32, #tpu.memory_space<vmem>>, vector<16xf32>,
      tpu.vector_store %arg10[%swap3A_444, %swap3A_445], %select_n3A_442 {strides = array<i32>} : memref<2x512xf32, #tpu.memory_space<vmem>>, vector<16xf32>,
      %scan3A_447 = arith.constant 0 : i32
      %scan3A_448 = arith.constant 3 : i32
      %scan3A_449 = arith.addi %scan3A_302, %scan3A_448 : i32
      %mul3A_450 = arith.constant 16 : i32
      %mul3A_451 = arith.muli %scan3A_449, %mul3A_450 : i32
      %get3A_452 = arith.constant 0 : i32
      %get3A_453 = arith.index_cast %get3A_452 : i32 to index
      %get3A_454 = arith.index_cast %mul3A_451 : i32 to index
      %get3A_455 = tpu.vector_load %arg9[%get3A_453, %get3A_454] {strides = array<i32>} : memref<2x512xf32, #tpu.memory_space<vmem>>, vector<16xf32>,
      %jit3A_456 = arith.constant 0.000000e+00 : f32
      %broadcast_in_dim3A_457 = vector.broadcast %jit3A_456 : f32 to vector<16xf32>
      %select_n3A_458 = arith.select %gt3A_159, %broadcast_in_dim3A_457, %get3A_455 : vector<16xi1>, vector<16xf32>
      %swap3A_459 = arith.constant 0 : i32
      %swap3A_460 = arith.index_cast %swap3A_459 : i32 to index
      %swap3A_461 = arith.index_cast %mul3A_451 : i32 to index
      %swap3A_462 = tpu.vector_load %arg9[%swap3A_460, %swap3A_461] {strides = array<i32>} : memref<2x512xf32, #tpu.memory_space<vmem>>, vector<16xf32>,
      tpu.vector_store %arg9[%swap3A_460, %swap3A_461], %select_n3A_458 {strides = array<i32>} : memref<2x512xf32, #tpu.memory_space<vmem>>, vector<16xf32>,
      %get3A_463 = arith.constant 0 : i32
      %get3A_464 = arith.index_cast %get3A_463 : i32 to index
      %get3A_465 = arith.index_cast %mul3A_451 : i32 to index
      %get3A_466 = tpu.vector_load %arg10[%get3A_464, %get3A_465] {strides = array<i32>} : memref<2x512xf32, #tpu.memory_space<vmem>>, vector<16xf32>,
      %jit3A_467 = arith.constant 0.000000e+00 : f32
      %broadcast_in_dim3A_468 = vector.broadcast %jit3A_467 : f32 to vector<16xf32>
      %select_n3A_469 = arith.select %gt3A_159, %broadcast_in_dim3A_468, %get3A_466 : vector<16xi1>, vector<16xf32>
      %swap3A_470 = arith.constant 0 : i32
      %swap3A_471 = arith.index_cast %swap3A_470 : i32 to index
      %swap3A_472 = arith.index_cast %mul3A_451 : i32 to index
      %swap3A_473 = tpu.vector_load %arg10[%swap3A_471, %swap3A_472] {strides = array<i32>} : memref<2x512xf32, #tpu.memory_space<vmem>>, vector<16xf32>,
      tpu.vector_store %arg10[%swap3A_471, %swap3A_472], %select_n3A_469 {strides = array<i32>} : memref<2x512xf32, #tpu.memory_space<vmem>>, vector<16xf32>,
      %get3A_474 = arith.constant 1 : i32
      %get3A_475 = arith.index_cast %get3A_474 : i32 to index
      %get3A_476 = arith.index_cast %mul3A_451 : i32 to index
      %get3A_477 = tpu.vector_load %arg9[%get3A_475, %get3A_476] {strides = array<i32>} : memref<2x512xf32, #tpu.memory_space<vmem>>, vector<16xf32>,
      %jit3A_478 = arith.constant 0.000000e+00 : f32
      %broadcast_in_dim3A_479 = vector.broadcast %jit3A_478 : f32 to vector<16xf32>
      %select_n3A_480 = arith.select %gt3A_278, %broadcast_in_dim3A_479, %get3A_477 : vector<16xi1>, vector<16xf32>
      %swap3A_481 = arith.constant 1 : i32
      %swap3A_482 = arith.index_cast %swap3A_481 : i32 to index
      %swap3A_483 = arith.index_cast %mul3A_451 : i32 to index
      %swap3A_484 = tpu.vector_load %arg9[%swap3A_482, %swap3A_483] {strides = array<i32>} : memref<2x512xf32, #tpu.memory_space<vmem>>, vector<16xf32>,
      tpu.vector_store %arg9[%swap3A_482, %swap3A_483], %select_n3A_480 {strides = array<i32>} : memref<2x512xf32, #tpu.memory_space<vmem>>, vector<16xf32>,
      %get3A_485 = arith.constant 1 : i32
      %get3A_486 = arith.index_cast %get3A_485 : i32 to index
      %get3A_487 = arith.index_cast %mul3A_451 : i32 to index
      %get3A_488 = tpu.vector_load %arg10[%get3A_486, %get3A_487] {strides = array<i32>} : memref<2x512xf32, #tpu.memory_space<vmem>>, vector<16xf32>,
      %jit3A_489 = arith.constant 0.000000e+00 : f32
      %broadcast_in_dim3A_490 = vector.broadcast %jit3A_489 : f32 to vector<16xf32>
      %select_n3A_491 = arith.select %gt3A_278, %broadcast_in_dim3A_490, %get3A_488 : vector<16xi1>, vector<16xf32>
      %swap3A_492 = arith.constant 1 : i32
      %swap3A_493 = arith.index_cast %swap3A_492 : i32 to index
      %swap3A_494 = arith.index_cast %mul3A_451 : i32 to index
      %swap3A_495 = tpu.vector_load %arg10[%swap3A_493, %swap3A_494] {strides = array<i32>} : memref<2x512xf32, #tpu.memory_space<vmem>>, vector<16xf32>,
      tpu.vector_store %arg10[%swap3A_493, %swap3A_494], %select_n3A_491 {strides = array<i32>} : memref<2x512xf32, #tpu.memory_space<vmem>>, vector<16xf32>,
      %scan3A_496 = arith.constant 0 : i32
      scf.yield %scan3A_496 : i32
    }
    %scan3A_285 = arith.constant 32 : i32
    %dma_start3A_286 = arith.constant 0 : i32
    %dma_start3A_287 = tpu.memref_slice %arg7[%mul3A_2, %dma_start3A_286] : memref<64x512xf32, #tpu.memory_space<hbm>> -> memref<2x512xf32, #tpu.memory_space<hbm>>
    %dma_start3A_288 = arith.constant 0 : i32
    %dma_start3A_289 = tpu.memref_slice %arg7[%mul3A_2, %dma_start3A_288] : memref<64x512xf32, #tpu.memory_space<hbm>> -> memref<2x512xf32, #tpu.memory_space<hbm>>
    tpu.enqueue_dma source(%arg9 : memref<2x512xf32, #tpu.memory_space<vmem>>) target(%dma_start3A_289 : memref<2x512xf32, #tpu.memory_space<hbm>>) target_semaphore(%arg14 : memref<!tpu.dma_semaphore, #tpu.memory_space<semaphore_mem>>)
    %dma_start3A_290 = arith.constant 0 : i32
    %dma_start3A_291 = tpu.memref_slice %arg8[%mul3A_2, %dma_start3A_290] : memref<64x512xf32, #tpu.memory_space<hbm>> -> memref<2x512xf32, #tpu.memory_space<hbm>>
    %dma_start3A_292 = arith.constant 0 : i32
    %dma_start3A_293 = tpu.memref_slice %arg8[%mul3A_2, %dma_start3A_292] : memref<64x512xf32, #tpu.memory_space<hbm>> -> memref<2x512xf32, #tpu.memory_space<hbm>>
    tpu.enqueue_dma source(%arg10 : memref<2x512xf32, #tpu.memory_space<vmem>>) target(%dma_start3A_293 : memref<2x512xf32, #tpu.memory_space<hbm>>) target_semaphore(%arg14 : memref<!tpu.dma_semaphore, #tpu.memory_space<semaphore_mem>>)
    %dma_wait3A_294 = arith.constant 0 : i32
    %dma_wait3A_295 = tpu.memref_slice %arg7[%mul3A_2, %dma_wait3A_294] : memref<64x512xf32, #tpu.memory_space<hbm>> -> memref<2x512xf32, #tpu.memory_space<hbm>>
    %dma_wait3A_296 = arith.constant 0 : i32
    %dma_wait3A_297 = tpu.memref_slice %arg7[%mul3A_2, %dma_wait3A_296] : memref<64x512xf32, #tpu.memory_space<hbm>> -> memref<2x512xf32, #tpu.memory_space<hbm>>
    tpu.wait_dma2 semaphore(%arg14 : memref<!tpu.dma_semaphore, #tpu.memory_space<semaphore_mem>>) src(%arg9 : memref<2x512xf32, #tpu.memory_space<vmem>>) dst(%dma_wait3A_297 : memref<2x512xf32, #tpu.memory_space<hbm>>)
    %dma_wait3A_298 = arith.constant 0 : i32
    %dma_wait3A_299 = tpu.memref_slice %arg8[%mul3A_2, %dma_wait3A_298] : memref<64x512xf32, #tpu.memory_space<hbm>> -> memref<2x512xf32, #tpu.memory_space<hbm>>
    %dma_wait3A_300 = arith.constant 0 : i32
    %dma_wait3A_301 = tpu.memref_slice %arg8[%mul3A_2, %dma_wait3A_300] : memref<64x512xf32, #tpu.memory_space<hbm>> -> memref<2x512xf32, #tpu.memory_space<hbm>>
    tpu.wait_dma2 semaphore(%arg14 : memref<!tpu.dma_semaphore, #tpu.memory_space<semaphore_mem>>) src(%arg10 : memref<2x512xf32, #tpu.memory_space<vmem>>) dst(%dma_wait3A_301 : memref<2x512xf32, #tpu.memory_space<hbm>>)
    return
  }
}

</mosaic_0001>

<sc_bundles>
// kernel: kernel.3.cloned.1.call-start
scs
__scs_entry_jumppad:
0x0: {  	(pc) =	sbr.rel $0x88, $3  }
0x1: {  	(tag) =	ssettag $0x0;
	lr =	simm.s32 $0x1  }
0x2: {  	[smem:$0x3F9A] =	sst lr;
	_ =	strace $0xD0000000  }
0x3: {  	_ = 	snop  }
0x4: {  	_ = 	snop  }
0x5: {  	_ = 	snop  }
0x6: {  	_ = 	snop  }
0x7: {  	_ = 	snop  }
__scs_overlays_trampoline_lowered:
0x8: {  	[smem:$0x3FA9] =	sst s0  }
0x9: {  	[smem:$0x3FAA] =	sst s1  }
0xa: {  	[smem:$0x3FAB] =	sst s2  }
0xb: {  	[smem:$0x3FAC] =	sst s3  }
0xc: {  	[smem:$0x3FAD] =	sst s4  }
0xd: {  	[smem:$0x3FAE] =	sst s5  }
0xe: {  	[smem:$0x3FAF] =	sst s6  }
0xf: {  	[smem:$0x3FB0] =	sst s7  }
0x10: {  	[smem:$0x3FB1] =	sst s8  }
0x11: {  	[smem:$0x3FB2] =	sst s9;
	s0 =	simm.s32 @!p0 $0x0  }
0x12: {  	s1 =	sld [smem:$0x3F98];
	s0 =	simm.s32 @p0 $0x1  }
0x13: {  	[smem:$0x3FB3] =	sst s0;
	s0 =	simm.s32 @!p1 $0x0  }
0x14: {  	s2 =	sld [smem:$0x3F97];
	s0 =	simm.s32 @p1 $0x1  }
0x15: {  	[smem:$0x3FB4] =	sst s0;
	s0 =	simm.s32 @!p2 $0x0  }
0x16: {  	s3 =	sld [smem:$0x3FDB];
	s0 =	simm.s32 @p2 $0x1  }
0x17: {  	s4 =	simm.s32 $0x1BF5;
	[smem:$0x3FB6] =	sst s0  }
0x18: {  	s0 =	sld [smem:$0x3F99];
	_ =	swait.ge [sflag:s4], $0x0  }
0x19: {  	s7 =	sld [smem:$0x3F9A]  }
0x1a: {  	s8 =	sadd.s32 $0xFFFFE003, lr  }
0x1b: {  	s9 =	sadd.s32 $0xFFFFFEF7, lr;
	s5 =	simm.s32 $0xFFFFFFFF;
	p2 =	slt.u32 s8, $0xFFFFF086  }
0x1c: {  	p1 =	slt.u32 s9, $0xF7A;
	s5 =	simm.s32 @!p2 $0x0  }
0x1d: {  	s5 =	simm.s32 @p1 $0x1;
	p0 =	seq.s32 s7, s2  }
0x1e: {  	s7 =	smul.u32 @!p0 $0xF7A, s2;
	p2 =	seq.s32 @!p0 s5, $0x0  }
0x1f: {  	s9 =	smul.u32 $0xF7A, s1;
	s8 =	simm.s32 @!p0 $0x1BF5;
	p2 =	por !p2, p0  }
0x20: {  	[sflag:s8] =	ssyncset.s32 @!p0 $0xFFFFF086;
	s6 =	sadd.s32 @!p0 s3, s7;
	s7 =	simm.s32 @!p0 $0x108  }
0x21: {  	s3 =	sadd.s32 s3, s9;
	s6 =	sadd.s32 @!p0 $0x88, s6;
	s7 =	simm.s32 @p2 $0x1082  }
0x22: {  	[simem:s7], [sflag:s8] =	dma.local @!p0 [hbm:s6], $0xF7A  }
0x23: {  	s9 =	sor.u32 $0xD0000000, s2;
	s6 =	simm.s32 $0x108;
	_ =	swait.ge @!p0 [sflag:s8], $0x0  }
0x24: {  	s3 =	sadd.s32 $0x88, s3;
	s6 =	simm.s32 @!p1 $0x1082;
	[sflag:s4] =	ssyncset.s32 $0xFFFFF086  }
0x25: {  	[simem:s6], [sflag:s4] =	dma.local [hbm:s3], $0xF7A  }
0x26: {  	[smem:$0x3F9A] =	sst s1;
	(tag) =	ssettag s2;
	_ =	strace s9  }
0x27: {  	s1 =	sld [smem:$0x3FAA]  }
0x28: {  	s2 =	sld [smem:$0x3FAB]  }
0x29: {  	s4 =	sld [smem:$0x3FAD]  }
0x2a: {  	p0 =	seq.s32 s5, $0x0;
	s5 =	sld [smem:$0x3FAE]  }
0x2b: {  	s6 =	sld [smem:$0x3FAF]  }
0x2c: {  	s7 =	sld [smem:$0x3FB0]  }
0x2d: {  	s3 =	simm.s32 $0x108;
	s8 =	sld [smem:$0x3FB1]  }
0x2e: {  	s3 =	simm.s32 @!p0 $0x1082;
	s9 =	sld [smem:$0x3FB2]  }
0x2f: {  	lr =	sadd.s32 s0, s3;
	s0 =	sld [smem:$0x3FA9]  }
0x30: {  	s3 =	sld [smem:$0x3FAC]  }
0x31: {  	[smem:$0x3FB5] =	sst s10  }
0x32: {  	s10 =	sld [smem:$0x3FB3];
	_ =	sdelay $0x3  }
0x33: {  	p0 =	seq.s32 s10, $0x1;
	s10 =	sld [smem:$0x3FB5];
	_ =	sdelay $0x3  }
0x34: {  	[smem:$0x3FB5] =	sst s10  }
0x35: {  	s10 =	sld [smem:$0x3FB4];
	_ =	sdelay $0x3  }
0x36: {  	p1 =	seq.s32 s10, $0x1;
	s10 =	sld [smem:$0x3FB5];
	_ =	sdelay $0x3  }
0x37: {  	[smem:$0x3FB5] =	sst s10  }
0x38: {  	s10 =	sld [smem:$0x3FB6]  }
0x39: {  	_ = 	snop;
	(pc) =	sbr.ind lr, $3  }
0x3a: {  	_ = 	snop  }
0x3b: {  	_ = 	snop  }
0x3c: {  	p2 =	seq.s32 s10, $0x1;
	s10 =	sld [smem:$0x3FB5]  }
0x3d: {  	_ =	shalt  }
0x3e: {  	_ =	shalt  }
0x3f: {  	_ =	shalt  }
0x40: {  	_ =	shalt  }
0x41: {  	_ =	shalt  }
0x42: {  	_ =	shalt  }
0x43: {  	_ =	shalt  }
0x44: {  	_ =	shalt  }
0x45: {  	_ =	shalt  }
0x46: {  	_ =	shalt  }
0x47: {  	_ =	shalt  }
0x48: {  	_ =	shalt  }
0x49: {  	_ =	shalt  }
0x4a: {  	_ =	shalt  }
0x4b: {  	_ =	shalt  }
0x4c: {  	_ =	shalt  }
0x4d: {  	_ =	shalt  }
0x4e: {  	_ =	shalt  }
0x4f: {  	_ =	shalt  }
0x50: {  	_ =	shalt  }
0x51: {  	_ =	shalt  }
0x52: {  	_ =	shalt  }
0x53: {  	_ =	shalt  }
0x54: {  	_ =	shalt  }
0x55: {  	_ =	shalt  }
0x56: {  	_ =	shalt  }
0x57: {  	_ =	shalt  }
0x58: {  	_ =	shalt  }
0x59: {  	_ =	shalt  }
0x5a: {  	_ =	shalt  }
0x5b: {  	_ =	shalt  }
0x5c: {  	_ =	shalt  }
0x5d: {  	_ =	shalt  }
0x5e: {  	_ =	shalt  }
0x5f: {  	_ =	shalt  }
0x60: {  	_ =	shalt  }
0x61: {  	_ =	shalt  }
0x62: {  	_ =	shalt  }
0x63: {  	_ =	shalt  }
0x64: {  	_ =	shalt  }
0x65: {  	_ =	shalt  }
0x66: {  	_ =	shalt  }
0x67: {  	_ =	shalt  }
0x68: {  	_ =	shalt  }
0x69: {  	_ =	shalt  }
0x6a: {  	_ =	shalt  }
0x6b: {  	_ =	shalt  }
0x6c: {  	_ =	shalt  }
0x6d: {  	_ =	shalt  }
0x6e: {  	_ =	shalt  }
0x6f: {  	_ =	shalt  }
0x70: {  	_ =	shalt  }
0x71: {  	_ =	shalt  }
0x72: {  	_ =	shalt  }
0x73: {  	_ =	shalt  }
0x74: {  	_ =	shalt  }
0x75: {  	_ =	shalt  }
0x76: {  	_ =	shalt  }
0x77: {  	_ =	shalt  }
0x78: {  	_ =	shalt  }
0x79: {  	_ =	shalt  }
0x7a: {  	_ =	shalt  }
0x7b: {  	_ =	shalt  }
0x7c: {  	_ =	shalt  }
0x7d: {  	_ =	shalt  }
0x7e: {  	_ =	shalt  }
0x7f: {  	_ =	shalt  }
0x80: {  	_ =	shalt  }
0x81: {  	_ =	shalt  }
0x82: {  	_ =	shalt  }
0x83: {  	_ =	shalt  }
0x84: {  	_ =	shalt  }
0x85: {  	_ =	shalt  }
0x86: {  	_ =	shalt  }
0x87: {  	_ =	shalt  }
.Lfunc_end0:
.L_simem_size_0:
called_computation_lowered:
.L_overlay_start_0:
0x88: {  	s2 =	sld [smem:$0x3FD9]  }
0x89: {  	s3 =	sld [smem:$0x3FFE];
	_ =	sdelay $0x1  }
0x8a: {  	s1 =	srdreg.scid  }
0x8b: {  	s0 =	sand.u32 $0x1, s1  }
0x8c: {  	s14 =	sshll.u32 s0, $0xA;
	s2 =	sadd.s32 s3, s2  }
0x8d: {  	s2 =	sadd.s32 s2, s14  }
0x8e: {  	[smem:$0x3FC1] =	sst s2  }
0x8f: {  	_ = 	snop  }
0x90: {  	s2 =	sld [smem:$0x3FC9]  }
0x91: {  	s15 =	sld [smem:$0x3FD0]  }
0x92: {  	s4 =	sld [smem:$0x3FC8]  }
0x93: {  	s5 =	sld [smem:$0x3FC7]  }
0x94: {  	s7 =	simm.s32 $0xA;
	s8 =	simm.s32 $0x10;
	s6 =	sld [smem:$0x3FC6]  }
0x95: {  	[smem:s8], [sflag:s7] =	dma.local [hbm:s15], $0x1  }
0x96: {  	_ =	swait.eq [sflag:s7], $0x1  }
0x97: {  	[sflag:s7] =	ssyncset.done $0x0  }
0x98: {  	s16 =	sld [smem:$0x10];
	[sflag:s7] =	ssyncadd.s32 $0xFFFFFFFF  }
0x99: {  	s17 =	sld [smem:$0x11];
	(tm) =	ssettm $0x1  }
0x9a: {  	s18 =	sld [smem:$0x3FFB];
	_ =	sdelay $0x3  }
0x9b: {  	_ =	strace s18  }
0x9c: {  	s8 =	sld [smem:$0x3FFC];
	_ =	sdelay $0x3  }
0x9d: {  	_ =	strace s8  }
0x9e: {  	s8 =	sld [smem:$0x3FFD];
	_ =	sdelay $0x3  }
0x9f: {  	_ =	strace s8  }
0xa0: {  	_ =	strace $0x8FFFFFFF  }
0xa1: {  	s19 =	sld [smem:$0x3FDB];
	_ =	sdelay $0x1  }
0xa2: {  	s9 =	simm.s32 $_scs_section_size  }
0xa3: {  	s10 =	simm.s32 $_size__tile_overlayer_lowered;
	s11 =	simm.s32 $_tile_overlayer_lowered  }
0xa4: {  	s22 =	simm.s32 $0x1BFF;
	s21 =	sshll.u32 s11, $0x1;
	s8 =	sadd.s32 s9, s19  }
0xa5: {  	s12 =	simm.s32 $0x0;
	s20 =	sshll.u32 s10, $0x1;
	s10 =	sadd.s32 s21, s8  }
0xa6: {  	[timem:s12], [sflag:s22] =	dma.local [hbm:s10], s20  }
0xa7: {  	_ =	swait.ge [sflag:s22], s20  }
0xa8: {  	s9 =	ssub.s32 $0x0, s20;
	[sflag:s22] =	ssyncset.done $0x0  }
0xa9: {  	[sflag:s22] =	ssyncadd.s32 s9;
	_ =	sdelay $0x1  }
0xaa: {  	s23 =	simm.s32 $0x1B8B  }
0xab: {  	_ =	swait.ge [sflag:s23], $0x1  }
0xac: {  	[sflag:s23] =	ssyncset.done $0x0  }
0xad: {  	s25 =	simm.s32 $0x1B8E;
	s24 =	sld [smem:$0x3FFE];
	[sflag:s23] =	ssyncadd.s32 $0xFFFFFFFF  }
0xae: {  	s26 =	simm.s32 $execute0_lowered;
	[smem:$0x3FD2] =	sst s25  }
0xaf: {  	s10 =	sshll.u32 s26, $0x1;
	_ =	strace $0x80000046;
	[dreg:$0x1] =	wrdreg $0xFFFFFFFF  }
0xb0: {  	s28 =	simm.s32 $_size_execute0_lowered;
	s8 =	sadd.s32 s8, s10;
	[dreg:$0x0] =	wrdreg $0x0  }
0xb1: {  	s10 =	sshll.u32 s28, $0x1;
	[dreg:$0x2] =	wrdreg s8  }
0xb2: {  	[dreg:$0x3] =	wrdreg s10  }
0xb3: {  	[dreg:$0x4] =	wrdreg $0xC0  }
0xb4: {  	_ =	task [dreg:s12], $0x5FFFF  }
0xb5: {  	[dreg:$0x1] =	wrdreg $0xFFFFFFFF  }
0xb6: {  	[dreg:$0x0] =	wrdreg $0x60  }
0xb7: {  	[dreg:$0x2] =	wrdreg s5  }
0xb8: {  	[dreg:$0x3] =	wrdreg s6  }
0xb9: {  	[dreg:$0x4] =	wrdreg s2  }
0xba: {  	[dreg:$0x5] =	wrdreg s4  }
0xbb: {  	[dreg:$0x6] =	wrdreg s24  }
0xbc: {  	[dreg:$0x7] =	wrdreg s16  }
0xbd: {  	[dreg:$0x8] =	wrdreg s17  }
0xbe: {  	[dreg:$0x9] =	wrdreg $0x9  }
0xbf: {  	_ =	task.clear_ibuf [dreg:s12], $0xAFFFF;
	_ =	strace $0x90000046  }
0xc0: {  	s29 =	simm.s32 $0x9;
	_ =	strace $0x80000048  }
0xc1: {  	_ =	swait.ge [sflag:s29], $0x1  }
0xc2: {  	[sflag:s29] =	ssyncadd.s32 $0xFFFFFFFF  }
0xc3: {  	_ =	strace $0x90000048  }
0xc4: {  	_ =	sfence  }
0xc5: {  	s30 =	sld [smem:$0x0];
	_ =	sdelay $0x2  }
0xc6: {  	s31 =	sshll.u32 s1, $0xD;
	s1 =	sshrl.u32 s1, $0x2  }
0xc7: {  	s3 =	sand.u32 $0x4000, s31;
	s1 =	sadd.s32 s1, s30  }
0xc8: {  	s0 =	sor.u32 s3, s0;
	s1 =	sshll.u32 s1, $0x11  }
0xc9: {  	s0 =	sor.u32 s1, s0  }
0xca: {  	s0 =	sadd.s32 $0x8F2B, s0  }
0xcb: {  	[sflag:s0] =	ssyncadd.remote.s32 $0x1  }
0xcc: {  	_ =	sfence.sel $0xFFFF  }
0xcd: {  	[dreg:$0x0] =	wrdreg $0xFFFFFFFF;
	(pc) =	sbr.abs _section_cstart, $3  }
0xce: {  	[dreg:$0x1] =	wrdreg $0xFFFFFFFF  }
0xcf: {  	_ =	task.clear_ibuf [dreg:s12], $0x2FFFF;
	_ =	strace $0x9FFFFFFF  }
0xd0: {  	(tm) =	ssettm $0x7FFFFFFF  }
0xd1: {  	_ =	shalt  }
tec
execute0_lowered:
.L_overlay_start_1:
0x0: {  	(tag) =	ssettag $0x1  }
0x1: {  	s6 =	rddreg [dreg:$0x0]  }
0x2: {  	s7 =	rddreg [dreg:$0x1]  }
0x3: {  	s1 =	rddreg [dreg:$0x2]  }
0x4: {  	s2 =	srdreg.scid;
	s8 =	rddreg [dreg:$0x4]  }
0x5: {  	s0 =	stileid.u32;
	s10 =	rddreg [dreg:$0x5];
	s5 =	sand.u32 $0x1, s2  }
0x6: {  	s11 =	rddreg [dreg:$0x6];
	v3 =	vimm.s32 $0x98765432;
	s4 =	sshll.u32 s0, $0x1;
	s3 =	sshll.u32 s5, $0x5  }
0x7: {  	v2 =	vimm.s32 $0xFFFEDCBA;
	v4 =	vimm.s32 $0xDCBA9876;
	v6 =	vimm.s32 $0x54321000;
	s14 =	simm.s32 $0x880;
	s15 =	simm.s32 $0x900;
	s9 =	sor.u32 s4, s3  }
0x8: {  	v1 =	vimm.s32 $0x1;
	vm0 =	vmmov $0x1;
	s16 =	simm.s32 $0x1;
	s17 =	simm.s32 $0x0;
	s2 =	rddreg [dreg:$0x3];
	v0 =	vmov s9  }
0x9: {  	v5 =	vunpack.c.l.s4.s8 v2;
	v3 =	vunpack.c.l.s4.s8 v3;
	s31 =	sshll.u32 s0, $0x5;
	s29 =	ssub.s32 $0x2, s5;
	s5 =	sadd.s32 $0x600, s8;
	v0 =	vbroadcast v0, $0x0  }
0xa: {  	vm1 =	vmmov $0x3;
	v4 =	vunpack.c.l.s4.s8 v4;
	v6 =	vunpack.c.l.s4.s8 v6;
	s3 =	rddreg [dreg:$0x7];
	s12 =	sor.u32 $0x1, s9;
	s30 =	sshll.u32 s9, $0x6  }
0xb: {  	s4 =	simm.s32 $0x0;
	s13 =	sshrl.u32 s29, $0x1;
	v5 =	vunpack.c.0.s8.s32 v5;
	v7 =	vunpack.c.0.s8.s32 v3;
	s9 =	sor.u32 s31, s30;
	[tilespmem:$0x1FFE0] =	vst v0;
	v0 =	vmov s12  }
0xc: {  	vm2 =	vmmov $0x7fff;
	v9 =	vunpack.c.0.s8.s32 v4;
	[smem:$0x7FF] =	sst s4;
	s9 =	sand.u32 $0xE60, s9;
	s12 =	ssub.s32 s29, s13;
	[tilespmem:$0x1FFF0] =	vst v0;
	v0 =	vlaneseq.u32  }
0xd: {  	v6 =	vunpack.c.0.s8.s32 v6;
	v7 =	vcombine.low v7, v5;
	s6 =	sadd.s32 s6, s9;
	s7 =	sadd.s32 s7, s9;
	s8 =	sadd.s32 s10, s9;
	v8 =	vmul.u32 $0xFFFFFFFF, v0  }
0xe: {  	vm3 =	vmmov $0x3fff;
	v3 =	vimm.s32 $0xE;
	v63 =	vand.u32 $0xF, v9;
	s9 =	sadd.s32 s11, s9;
	s11 =	simm.s32 $0x100;
	s13 =	simm.s32 $0x800  }
0xf: {  	v2 =	vcombine.low v6, v63;
	s10 =	smax.u32 s12, $0x1;
	s12 =	simm.s32 $0x400;
	_ =	strace $0x80000047;
	v0 =	vand.u32 $0xF, v7;
	v5 =	vadd.s32 $0xF, v8  }
.LBB2_1:
0x10: {  	[tilespmem:s4], [sflag:$0x1] =	stream.strided.gather [hbm4b:s6+s11], $0x400, s12, s11, $0x38;
	[tilespmem:$0x980] =	vst v63  }
0x11: {  	_ = 	snop  }
0x12: {  	[tilespmem:s12], [sflag:$0x1] =	stream.strided.gather [hbm4b:s7+s11], $0x400, s12, s11, $0x38;
	[tilespmem:$0x980] =	vst v63  }
0x13: {  	_ = 	snop  }
0x14: {  	[tilespmem:s13], [sflag:$0x1] =	stream.linear.gather [hbm4b:s1+s4], $0x80, $0x38;
	[tilespmem:$0x980] =	vst v63  }
0x15: {  	_ = 	snop  }
0x16: {  	[tilespmem:s14], [sflag:$0x1] =	stream.linear.gather [hbm4b:s2+s4], $0x80, $0x38;
	[tilespmem:$0x980] =	vst v63  }
0x17: {  	_ = 	snop  }
0x18: {  	[tilespmem:s15], [sflag:$0x1] =	stream.linear.gather [hbm4b:s5+s4], $0x80, $0x38;
	[tilespmem:$0x980] =	vst v63  }
0x19: {  	_ =	swait.ge [sflag:s16], $0x400  }
0x1a: {  	[sflag:s16] =	ssyncset.done $0x0  }
0x1b: {  	[sflag:s16] =	ssyncadd.s32 $0xFFFFFC00  }
0x1c: {  	_ =	swait.ge [sflag:s16], $0x400  }
0x1d: {  	[sflag:s16] =	ssyncset.done $0x0  }
0x1e: {  	[sflag:s16] =	ssyncadd.s32 $0xFFFFFC00  }
0x1f: {  	_ =	swait.ge [sflag:s16], $0x80  }
0x20: {  	[sflag:s16] =	ssyncset.done $0x0  }
0x21: {  	[sflag:s16] =	ssyncadd.s32 $0xFFFFFF80  }
0x22: {  	_ =	swait.ge [sflag:s16], $0x80  }
0x23: {  	[sflag:s16] =	ssyncset.done $0x0  }
0x24: {  	[sflag:s16] =	ssyncadd.s32 $0xFFFFFF80  }
0x25: {  	s18 =	simm.s32 $0x30;
	_ =	swait.ge [sflag:s16], $0x80  }
0x26: {  	s22 =	sand.u32 $0x300, s4;
	s19 =	sand.u32 $0x70, s18;
	[sflag:s16] =	ssyncset.done $0x0  }
0x27: {  	s21 =	simm.s32 $0x20;
	s23 =	sor.u32 s22, s19;
	[sflag:s16] =	ssyncadd.s32 $0xFFFFFF80  }
0x28: {  	s24 =	sand.u32 $0x60, s21;
	s19 =	simm.s32 $0x10;
	v9 =	vld [tilespmem:s23+$0x400]  }
0x29: {  	s20 =	simm.s32 $0x0;
	s24 =	sor.u32 s22, s24;
	s25 =	sand.u32 $0x50, s19;
	v10 =	vld [tilespmem:s23+$0x0]  }
0x2a: {  	s28 =	sand.u32 $0x40, s20;
	s25 =	sor.u32 s22, s25;
	v11 =	vld [tilespmem:s24+$0x400]  }
0x2b: {  	s22 =	sor.u32 s28, s22;
	v12 =	vld [tilespmem:s25+$0x400]  }
0x2c: {  	p0 =	por $0x0, $0x0;
	s23 =	simm.s32 $0x1;
	v13 =	vld [tilespmem:s22+$0x400]  }
0x2d: {  	v14 =	vld [tilespmem:s24+$0x0];
	s23 =	simm.s32 @!p0 $0x0;
	v9 =	vmul.f32 $1.442695020e+00, v9  }
0x2e: {  	s26 =	sand.u32 $0x7, s4;
	v15 =	vld [tilespmem:s25+$0x0];
	s23 =	sshll.u32 s23, $0x6;
	v10 =	vmul.f32 $1.442695020e+00, v10  }
0x2f: {  	s29 =	sshll.u32 s26, $0x4;
	v16 =	vld [tilespmem:s22+$0x0];
	s23 =	sadd.s32 $0x0, s23;
	v11 =	vmul.f32 $1.442695020e+00, v11;
	(erf) = vpow2.f32 v9  }
0x30: {  	s30 =	sand.u32 $0x3, s4;
	s24 =	sadd.s32 $0x0, s29;
	s23 =	sor.u32 $0x80, s23;
	v12 =	vmul.f32 $1.442695020e+00, v12;
	(erf) = vpow2.f32 v10  }
0x31: {  	s31 =	sshll.u32 s30, $0x5;
	s28 =	sadd.s32 $0x30, s24;
	v9 =	vld [tilespmem:s23+$0x400];
	v10 =	vmul.f32 $1.442695020e+00, v13;
	(erf) = vpow2.f32 v11  }
0x32: {  	s26 =	sadd.s32 $0x0, s31;
	s30 =	sor.u32 $0x80, s28;
	v13 =	vld [tilespmem:s23+$0x0];
	v11 =	vmul.f32 $1.442695020e+00, v14;
	(erf) = vpow2.f32 v12  }
0x33: {  	s29 =	sadd.s32 $0x20, s26;
	v14 =	vld [tilespmem:s30+$0x400];
	v12 =	vmul.f32 $1.442695020e+00, v15;
	(erf) = vpow2.f32 v10  }
0x34: {  	s22 =	sor.u32 $0x80, s29;
	v10 =	vmul.f32 $1.442695020e+00, v16;
	(erf) = vpow2.f32 v11  }
0x35: {  	s24 =	sadd.s32 $0x10, s24;
	v15 =	vld [tilespmem:s22+$0x400];
	(erf) = vpow2.f32 v12  }
0x36: {  	s24 =	sor.u32 $0x80, s24;
	v9 =	vmul.f32 $1.442695020e+00, v9;
	(erf) = vpow2.f32 v10  }
0x37: {  	v16 =	vld [tilespmem:s24+$0x400];
	v12 =	vmul.f32 $1.442695020e+00, v13  }
0x38: {  	v14 =	vmul.f32 $1.442695020e+00, v14;
	(erf) = vpow2.f32 v9;
	v50 =	vpop (erf)  }
0x39: {  	v11 =	vld [tilespmem:s30+$0x0];
	(erf) = vpow2.f32 v12;
	v7 =	vpop (erf)  }
0x3a: {  	v13 =	vld [tilespmem:s22+$0x0];
	v15 =	vmul.f32 $1.442695020e+00, v15;
	(erf) = vpow2.f32 v14;
	(xrf0) =	vmax.scan.msk.f32 $0xffff, v50;
	v20 =	vpop (erf)  }
0x3b: {  	v19 =	vpop (erf)  }
0x3c: {  	v12 =	vmul.f32 $1.442695020e+00, v16;
	(erf) = vpow2.f32 v15;
	v14 =	vpop (erf)  }
0x3d: {  	v23 =	vpop (erf)  }
0x3e: {  	v10 =	vld [tilespmem:s24+$0x0];
	v11 =	vmul.f32 $1.442695020e+00, v11;
	(erf) = vpow2.f32 v12;
	(xrf0) =	vmax.scan.msk.f32 $0xffff, v20;
	v24 =	vpop (erf)  }
0x3f: {  	v13 =	vmul.f32 $1.442695020e+00, v13;
	v26 =	vperm.xlane v20, v5;
	v15 =	vpop (erf)  }
0x40: {  	(erf) = vpow2.f32 v11;
	(xrf0) =	vmax.scan.msk.f32 $0xffff, v19;
	v11 =	vperm.xlane v7, v5;
	v4, _, _ =	vpop (xrf0)  }
0x41: {  	(erf) = vpow2.f32 v13;
	(xrf0) =	vmax.scan.msk.f32 $0xffff, v14;
	v18 =	vpop (erf)  }
0x42: {  	(xrf0) =	vmax.scan.msk.f32 $0xffff, v11;
	v25 =	vpop (erf)  }
0x43: {  	v10 =	vmul.f32 $1.442695020e+00, v10;
	(xrf0) =	vmax.scan.msk.f32 $0xffff, v18;
	v53 =	vpop (erf)  }
0x44: {  	v27 =	vperm.xlane v19, v5;
	(xrf0) =	vmax.scan.msk.f32 $0xffff, v26;
	v26, _, _ =	vpop (xrf0)  }
0x45: {  	(erf) = vpow2.f32 v10;
	v13 =	vpop (erf)  }
0x46: {  	v29, _, _ =	vpop (xrf0)  }
0x47: {  	v30 =	vmov s20;
	v28 =	vperm.xlane v14, v5;
	v11 =	vlaneseq.u32;
	(xrf0) =	vmax.scan.msk.f32 $0xffff, v53;
	v12 =	vpop (erf)  }
0x48: {  	v31 =	vperm.xlane v23, v5;
	vm4 =	veq.s32 v30, v11;
	(xrf0) =	vmax.scan.msk.f32 $0xffff, v27;
	v27, _, _ =	vpop (xrf0)  }
0x49: {  	v30 =	vperm.xlane v24, v5;
	v34 =	vperm.xlane v18, v5;
	v25 =	vsel vm4, $0x0, v25;
	v17 =	vpop (erf)  }
0x4a: {  	v60 =	vperm.xlane v25, v5;
	v43 =	vperm.xlane v26, v3;
	(xrf0) =	vmax.scan.msk.f32 $0xffff, v13;
	v21 =	vpop (erf)  }
0x4b: {  	v33 =	vsel vm4, $0x0, v15;
	v26 =	vperm.xlane v26, v2;
	v61 =	vperm.xlane v29, v3;
	(xrf0) =	vmax.scan.msk.f32 $0xffff, v28;
	v28, _, _ =	vpop (xrf0)  }
0x4c: {  	v15 =	vimm.s32 $0x0;
	v29 =	vperm.xlane v29, v2;
	v36 =	vperm.xlane v12, v5;
	v32, _, _ =	vpop (xrf0);
	(xrf0) =	vmax.scan.msk.f32 $0xffff, v12  }
0x4d: {  	v14 =	vsel vm4, $0x0, v14;
	v62 =	vperm.xlane v27, v3;
	v35, _, _ =	vpop (xrf0);
	(xrf0) =	vmax.scan.msk.f32 $0xffff, v31;
	v31 =	vperm.xlane v33, v5  }
0x4e: {  	v18 =	vsel vm4, $0x0, v18;
	v27 =	vperm.xlane v27, v2;
	v37 =	vperm.xlane v17, v5;
	v22 =	vpop (erf)  }
0x4f: {  	v26 =	vsel vm1, $0x0, v26;
	v28 =	vperm.xlane v28, v5;
	v47 =	vperm.xlane v32, v3;
	(xrf0) =	vmax.scan.msk.f32 $0xffff, v30;
	v6, _, _ =	vpop (xrf0)  }
0x50: {  	v29 =	vsel vm1, $0x0, v29;
	v32 =	vperm.xlane v32, v2;
	v30 =	vperm.xlane v13, v5;
	(xrf0) =	vmax.scan.msk.f32 $0xffff, v34;
	v58, _, _ =	vpop (xrf0)  }
0x51: {  	v27 =	vsel vm1, $0x0, v27;
	v59 =	vperm.xlane v22, v5;
	(xrf0) =	vmax.scan.msk.f32 $0xffff, v31;
	v34 =	vperm.xlane v58, v5;
	v31, _, _ =	vpop (xrf0)  }
0x52: {  	v35 =	vperm.xlane v35, v5;
	v63 =	vperm.xlane v28, v1;
	v32 =	vsel vm1, $0x0, v32;
	(xrf0) =	vmax.scan.msk.f32 $0xffff, v30;
	v38, _, _ =	vpop (xrf0)  }
0x53: {  	v30 =	vperm.xlane v21, v5;
	v34 =	vsel vm0, v61, v34;
	v51 =	vperm.xlane v31, v3;
	v39, _, _ =	vpop (xrf0);
	(xrf0) =	vmax.scan.msk.f32 $0xffff, v36  }
0x54: {  	v61 =	vperm.xlane v6, v2;
	v38 =	vperm.xlane v38, v5;
	v26 =	vmax.f32 v34, v26;
	v40, _, _ =	vpop (xrf0);
	(xrf0) =	vmax.scan.msk.f32 $0xffff, v37  }
0x55: {  	v35 =	vsel vm0, v43, v35;
	v31 =	vperm.xlane v31, v2;
	v26 =	vmul.f32 v26, v24;
	v41, _, _ =	vpop (xrf0);
	(xrf0) =	vmax.scan.msk.f32 $0xffff, v30  }
0x56: {  	v30 =	vperm.xlane v4, v2;
	v37 =	vsel vm0, v62, v38;
	v40 =	vperm.xlane v40, v5;
	v42, _, _ =	vpop (xrf0);
	(xrf0) =	vmax.scan.msk.f32 $0xffff, v59  }
0x57: {  	v29 =	vmax.f32 v37, v29;
	v54 =	vperm.xlane v41, v5;
	v44, _, _ =	vpop (xrf0);
	(xrf0) =	vmax.scan.msk.f32 $0xffff, v60;
	v42 =	vperm.xlane v42, v5  }
0x58: {  	v30 =	vsel vm1, $0x0, v30;
	v60 =	vperm.xlane v40, v0;
	v29 =	vmul.f32 v29, v33;
	v45, _, _ =	vpop (xrf0)  }
0x59: {  	(xrf0) =	vmax.scan.msk.f32 $0xffff, v7;
	v30 =	vmax.f32 v35, v30;
	v58 =	vperm.xlane v54, v1;
	v37 =	vperm.xlane v54, v0;
	v46, _, _ =	vpop (xrf0)  }
0x5a: {  	v31 =	vsel vm1, $0x0, v31;
	v55 =	vperm.xlane v45, v5;
	v43 =	vmul.f32 v30, v23;
	v48, _, _ =	vpop (xrf0)  }
0x5b: {  	v42 =	vsel vm0, v47, v42;
	v30 =	vperm.xlane v39, v3;
	v56 =	vperm.xlane v46, v5;
	v49, _, _ =	vpop (xrf0)  }
0x5c: {  	v37 =	vnsel vm3, $0x0, v37;
	v34 =	vsel vm0, v51, v55;
	v51 =	vperm.xlane v44, v5;
	v36, _, _ =	vpop (xrf0)  }
0x5d: {  	v30 =	vsel vm0, v30, v56;
	v38, _, _ =	vpop (xrf0);
	(xrf0) =	vmax.scan.msk.f32 $0xffff, v23;
	v23 =	vperm.xlane v40, v1;
	v36 =	vperm.xlane v36, v5  }
0x5e: {  	v54 =	vperm.xlane v51, v0;
	v55 =	vperm.xlane v51, v1;
	v30 =	vmax.f32 v30, v31  }
0x5f: {  	v52, _, _ =	vpop (xrf0);
	(xrf0) =	vmax.scan.msk.f32 $0xffff, v24;
	v24 =	vperm.xlane v39, v2;
	v39 =	vnsel vm3, $0x0, v60;
	v38 =	vperm.xlane v38, v5  }
0x60: {  	v35 =	vsel vm2, v52, v63;
	(xrf0) =	vmax.scan.msk.f32 $0xffff, v33;
	v52 =	vperm.xlane v49, v5;
	v33 =	vmul.f32 v30, v22  }
0x61: {  	v24 =	vsel vm1, $0x0, v24;
	v62 =	vmax.f32 v35, v39;
	v35 =	vperm.xlane v48, v5  }
0x62: {  	v24 =	vmax.f32 v42, v24;
	v42 =	vimm.f32 $0.0e+00;
	v31 =	vperm.xlane v52, v0  }
0x63: {  	v60 =	vperm.xlane v38, v0;
	v40 =	vmul.f32 v62, v50;
	v63 =	vsel vm0, v42, v42  }
0x64: {  	s31 =	simm.s32 $0xFFFFFFF0;
	(xrf0) =	vmax.scan.msk.f32 $0xffff, v17;
	v57, _, _ =	vpop (xrf0);
	v27 =	vmax.f32 v63, v27;
	v56 =	vmax.f32 v63, v32;
	v31 =	vnsel vm3, $0x0, v31  }
0x65: {  	(xrf0) =	vmax.scan.msk.f32 $0xffff, v21;
	v32 =	vor.u32 s31, v11;
	v23 =	vsel vm2, v57, v23;
	v57 =	vperm.xlane v35, v1  }
0x66: {  	v63 =	vimm.s32 $0x2;
	v59, _, _ =	vpop (xrf0);
	(xrf0) =	vmax.scan.msk.f32 $0xffff, v22;
	v22 =	vperm.xlane v36, v1;
	v27 =	vmul.f32 v27, v42  }
0x67: {  	v41 =	vsel vm2, v59, v58;
	v23 =	vmax.f32 v23, v37;
	v37 =	vsel vm1, $0x0, v61  }
0x68: {  	(xrf0) =	vmax.scan.msk.f32 $0xffff, v25;
	v25 =	vmul.f32 v24, v25;
	v24 =	vperm.xlane v52, v1;
	v34 =	vmax.f32 v34, v37  }
0x69: {  	v39 =	vmul.f32 v23, v20;
	v20, _, _ =	vpop (xrf0);
	v23 =	vnsel vm3, $0x0, v54;
	vm5 =	vgt.f32 v27, v42  }
0x6a: {  	v20 =	vsel vm2, v20, v55;
	v34 =	vmul.f32 v34, v21;
	v21, _, _ =	vpop (xrf0);
	v23 =	vmax.f32 v41, v23  }
0x6b: {  	v27 =	vsel vm5, v27, v42;
	v21 =	vsel vm2, v21, v57;
	v61 =	vmul.f32 v23, v19  }
0x6c: {  	v19 =	vperm.xlane v42, v0;
	vm6 =	vgt.f32 v29, v27;
	v21 =	vmax.f32 v21, v31  }
0x6d: {  	v30, _, _ =	vpop (xrf0);
	v31 =	vperm.xlane v36, v0;
	v27 =	vsel vm6, v29, v27;
	v29 =	vor.u32 s19, v11  }
0x6e: {  	v24 =	vsel vm2, v30, v24;
	v30 =	vperm.xlane v38, v1;
	v58, _, _ =	vpop (xrf0);
	vm4 =	vgt.f32 v26, v27  }
0x6f: {  	v36 =	vmul.f32 v21, v53;
	v38 =	vimm.s32 $0x0;
	v22 =	vsel vm2, v58, v22;
	v59, _, _ =	vpop (xrf0)  }
0x70: {  	v23 =	vnsel vm3, $0x0, v31;
	v26 =	vsel vm4, v26, v27;
	v30 =	vsel vm2, v59, v30  }
0x71: {  	v31 =	vmax.f32 v24, v23;
	v23 =	vnsel vm3, $0x0, v60;
	v24 =	vnsel vm3, $0x0, v19  }
0x72: {  	v22 =	vmax.f32 v22, v23;
	v20 =	vmax.f32 v20, v24;
	v31 =	vmul.f32 v31, v13  }
0x73: {  	v14 =	vmul.f32 v20, v14;
	v20 =	vmax.f32 v30, v24;
	v24 =	vor.u32 s21, v11  }
0x74: {  	v30 =	vor.u32 s20, v11;
	v13 =	vmul.f32 v22, v12;
	v12 =	vsel vm5, v32, v15  }
0x75: {  	v3 =	vld.msk [tilespmem:s15+$0x0], $0xffff;
	vm5 =	vgt.f32 v43, v26;
	v18 =	vmul.f32 v20, v18;
	v12 =	vsel vm6, v30, v12  }
0x76: {  	v62 =	vld.idx.msk [tilespmem:v1+s15+$0x0], $0xffff;
	v20 =	vmul.f32 v56, v42;
	v21 =	vsel vm5, v43, v26;
	v12 =	vsel vm4, v29, v12  }
0x77: {  	v23 =	vor.u32 s18, v11;
	vm10 =	vgt.f32 v14, v42;
	v22 =	vmovc v0;
	v0 =	vld.idx.msk [tilespmem:v63+s15+$0x0], $0xffff;
	v16 =	vsel vm5, v24, v12  }
0x78: {  	vm7 =	vgt.f32 v20, v42;
	vm4 =	vgt.f32 v18, v42;
	v12 =	vsel vm10, v14, v42  }
0x79: {  	v10 =	vmovc v2;
	v14 =	vimm.s32 $0x0;
	v20 =	vsel vm7, v20, v42;
	v18 =	vsel vm4, v18, v42  }
0x7a: {  	[tilespmem:$0x1FFB0] =	vst v3;
	vm11 =	vgt.f32 v61, v12;
	vm8 =	vgt.f32 v25, v20;
	vm5 =	vgt.f32 v13, v18  }
0x7b: {  	s22 =	simm.s32 $0x0;
	[tilespmem:$0x1FFC0] =	vst v62;
	s19 =	simm.s32 $0x80;
	v27 =	vsel vm11, v61, v12;
	v26 =	vsel vm8, v25, v20;
	v25 =	vsel vm5, v13, v18  }
0x7c: {  	s18 =	simm.s32 $0x0;
	s20 =	simm.s32 $0x70;
	s21 =	simm.s32 $0x0;
	vm12 =	vgt.f32 v39, v27;
	vm9 =	vgt.f32 v33, v26;
	[tilespmem:$0x1FFD0] =	vst v0;
	vm6 =	vgt.f32 v31, v25  }
.LBB2_2:
0x7d: {  	s26 =	sand.u32 $0x300, s19;
	s24 =	sand.u32 $0x70, s20  }
0x7e: {  	v27 =	vsel vm12, v39, v27;
	s23 =	sadd.s32 $0xFFFFFFF0, s20;
	s28 =	sor.u32 s26, s24  }
0x7f: {  	[tilespmem:$0x1FF50] =	vst v16;
	v26 =	vsel vm9, v33, v26;
	v37 =	vsel vm6, v31, v25;
	vm13 =	vgt.f32 v40, v27;
	s24 =	sadd.s32 $0xFFFFFFE0, s20;
	s29 =	sand.u32 $0x60, s23;
	v16 =	vld [tilespmem:s28+$0x400]  }
0x80: {  	v31 =	vmovc v17;
	s25 =	sadd.s32 $0xFFFFFFD0, s20;
	vm14 =	vgt.f32 v34, v26;
	vm15 =	vgt.f32 v36, v37;
	v0 =	vsel vm13, v40, v27;
	s30 =	sand.u32 $0x50, s24;
	s29 =	sor.u32 s26, s29;
	v17 =	vld [tilespmem:s28+$0x0]  }
0x81: {  	s31 =	sand.u32 $0x40, s25;
	v40 =	vmovc v28;
	s30 =	sor.u32 s26, s30;
	v28 =	vld [tilespmem:s29+$0x400];
	v19 =	vsel vm10, v30, v15;
	v20 =	vsel vm7, v32, v14;
	v18 =	vsel vm4, v30, v38  }
0x82: {  	p0 =	por !p0, !p0;
	s28 =	simm.s32 $0x1;
	s26 =	sor.u32 s31, s26;
	v19 =	vsel vm11, v29, v19;
	v20 =	vsel vm8, v30, v20;
	v18 =	vsel vm5, v29, v18;
	v30 =	vld [tilespmem:s30+$0x400]  }
0x83: {  	s28 =	simm.s32 @!p0 $0x0;
	v19 =	vsel vm12, v24, v19;
	v20 =	vsel vm9, v29, v20;
	v18 =	vsel vm6, v24, v18;
	v29 =	vld [tilespmem:s26+$0x400]  }
0x84: {  	s28 =	sshll.u32 s28, $0x6;
	v51 =	vsel vm13, v23, v19;
	v54 =	vsel vm15, v23, v18;
	v23 =	vld [tilespmem:s29+$0x0];
	v16 =	vmul.f32 $1.442695020e+00, v16  }
0x85: {  	s21 =	sadd.s32 $0x4, s21;
	s28 =	sadd.s32 s28, s19;
	v52 =	vsel vm14, v24, v20;
	v24 =	vld [tilespmem:s30+$0x0];
	v17 =	vmul.f32 $1.442695020e+00, v17  }
0x86: {  	s22 =	sadd.s32 $0x2, s22;
	s31 =	sand.u32 $0x7, s21;
	v55 =	vld [tilespmem:s26+$0x0];
	s26 =	sor.u32 $0x80, s28;
	v28 =	vmul.f32 $1.442695020e+00, v28;
	(erf) = vpow2.f32 v16  }
0x87: {  	s29 =	sshll.u32 s31, $0x4;
	s31 =	sand.u32 $0x3, s22;
	v16 =	vld [tilespmem:s26+$0x400];
	v30 =	vmul.f32 $1.442695020e+00, v30;
	(erf) = vpow2.f32 v17  }
0x88: {  	s29 =	sadd.s32 s19, s29;
	s31 =	sshll.u32 s31, $0x5;
	v17 =	vmul.f32 $1.442695020e+00, v29;
	(erf) = vpow2.f32 v28  }
0x89: {  	s31 =	sadd.s32 s19, s31;
	s30 =	sadd.s32 $0x30, s29;
	v29 =	vld [tilespmem:s26+$0x0];
	v23 =	vmul.f32 $1.442695020e+00, v23;
	(erf) = vpow2.f32 v30  }
0x8a: {  	s31 =	sadd.s32 $0x20, s31;
	s30 =	sor.u32 $0x80, s30;
	v24 =	vmul.f32 $1.442695020e+00, v24;
	(erf) = vpow2.f32 v17  }
0x8b: {  	s26 =	sor.u32 $0x80, s31;
	v28 =	vld [tilespmem:s30+$0x400];
	v17 =	vmul.f32 $1.442695020e+00, v55;
	(erf) = vpow2.f32 v23  }
0x8c: {  	s29 =	sadd.s32 $0x10, s29;
	v30 =	vld [tilespmem:s26+$0x400];
	v16 =	vmul.f32 $1.442695020e+00, v16;
	(erf) = vpow2.f32 v24  }
0x8d: {  	s29 =	sor.u32 $0x80, s29;
	v23 =	vld [tilespmem:s30+$0x0];
	(erf) = vpow2.f32 v17  }
0x8e: {  	v56 =	vld [tilespmem:s29+$0x400];
	v57 =	vmul.f32 $1.442695020e+00, v29;
	(erf) = vpow2.f32 v16  }
0x8f: {  	v24 =	vpop (erf)  }
0x90: {  	v29 =	vld [tilespmem:s26+$0x0];
	v28 =	vmul.f32 $1.442695020e+00, v28;
	(erf) = vpow2.f32 v57;
	v25 =	vpop (erf)  }
0x91: {  	v30 =	vmul.f32 $1.442695020e+00, v30;
	v39 =	vpop (erf)  }
0x92: {  	v27 =	vsel vm15, v36, v37;
	(erf) = vpow2.f32 v28;
	v23 =	vmul.f32 $1.442695020e+00, v23;
	(xrf0) =	vmax.scan.msk.f32 $0xffff, v24;
	v36 =	vpop (erf)  }
0x93: {  	v49 =	vsel vm14, v34, v26;
	v34 =	vmov v35;
	v32 =	vmul.f32 $1.442695020e+00, v56;
	v35 =	vpop (erf)  }
0x94: {  	v17 =	vld [tilespmem:s29+$0x0];
	(erf) = vpow2.f32 v30;
	(xrf0) =	vmax.scan.msk.f32 $0xffff, v39;
	v43 =	vpop (erf)  }
0x95: {  	v28 =	vmul.f32 $1.442695020e+00, v29;
	(erf) = vpow2.f32 v32;
	v44 =	vpop (erf)  }
0x96: {  	v58 =	vmov s25;
	(erf) = vpow2.f32 v23;
	(xrf0) =	vmax.scan.msk.f32 $0xffff, v36;
	v23 =	vpop (erf)  }
0x97: {  	vm4 =	veq.s32 v58, v11;
	v46 =	vpop (erf)  }
0x98: {  	v53 =	vperm.xlane v53, v5;
	v30 =	vperm.xlane v50, v5;
	(xrf0) =	vmax.scan.msk.f32 $0xffff, v35;
	v48 =	vsel vm4, $0x0, v23;
	v23, _, _ =	vpop (xrf0)  }
0x99: {  	v33 =	vmov v7;
	v17 =	vmul.f32 $1.442695020e+00, v17;
	(erf) = vpow2.f32 v28;
	v28 =	vpop (erf)  }
0x9a: {  	v7 =	vimm.s32 $0xE;
	[tilespmem:$0x1FF70] =	vst v52;
	v19 =	vmov v24;
	v24 =	vperm.xlane v25, v5;
	v52, _, _ =	vpop (xrf0)  }
0x9b: {  	v63 =	vperm.xlane v4, v7;
	(erf) = vpow2.f32 v17;
	(xrf0) =	vmax.scan.msk.f32 $0xffff, v30;
	v29 =	vpop (erf)  }
0x9c: {  	[tilespmem:$0x1FF90] =	vst v0;
	v40 =	vperm.xlane v40, v22;
	v45 =	vperm.xlane v39, v5;
	(xrf0) =	vmax.scan.msk.f32 $0xffff, v24;
	v56, _, _ =	vpop (xrf0)  }
0x9d: {  	v3 =	vperm.xlane v6, v7;
	[tilespmem:$0x1FFA0] =	vst v49;
	v47 =	vperm.xlane v36, v5;
	(xrf0) =	vmax.scan.msk.f32 $0xffff, v46;
	v38 =	vpop (erf)  }
0x9e: {  	v34 =	vperm.xlane v34, v22;
	v18 =	vnsel vm3, $0x0, v40;
	(xrf0) =	vmax.scan.msk.f32 $0xffff, v45;
	v45 =	vsel vm4, $0x0, v28;
	v28, _, _ =	vpop (xrf0)  }
0x9f: {  	[tilespmem:$0x1FF60] =	vst v51;
	v30 =	vperm.xlane v35, v5;
	v32 =	vperm.xlane v43, v5;
	v20 =	vmov v29;
	v37 =	vpop (erf)  }
0xa0: {  	v16 =	vimm.s32 $0x1;
	v50 =	vperm.xlane v44, v5;
	v49 =	vperm.xlane v46, v5;
	(xrf0) =	vmax.scan.msk.f32 $0xffff, v20;
	v17 =	vpop (erf)  }
0xa1: {  	v24 =	vor.u32 s23, v11;
	v51 =	vperm.xlane v48, v5;
	v61 =	vperm.xlane v23, v10;
	(xrf0) =	vmax.scan.msk.f32 $0xffff, v47;
	v47, _, _ =	vpop (xrf0)  }
0xa2: {  	[tilespmem:$0x1FF80] =	vst v54;
	v26 =	vmov v23;
	v23 =	vor.u32 s20, v11;
	v0 =	vperm.xlane v52, v7;
	v41 =	vpop (erf)  }
0xa3: {  	v46 =	vsel vm4, $0x0, v46;
	v52 =	vperm.xlane v52, v10;
	v59 =	vperm.xlane v45, v5;
	(xrf0) =	vmax.scan.msk.f32 $0xffff, v38;
	v62, _, _ =	vpop (xrf0)  }
0xa4: {  	v4 =	vperm.xlane v56, v7;
	v29 =	vor.u32 s24, v11;
	v56 =	vperm.xlane v56, v10;
	v42 =	vpop (erf);
	(xrf0) =	vmax.scan.msk.f32 $0xffff, v30  }
0xa5: {  	v61 =	vsel vm1, $0x0, v61;
	v55 =	vperm.xlane v38, v5;
	v12 =	vperm.xlane v28, v7;
	v1, _, _ =	vpop (xrf0);
	(xrf0) =	vmax.scan.msk.f32 $0xffff, v37  }
0xa6: {  	v14 =	vperm.xlane v28, v10;
	v52 =	vsel vm1, $0x0, v52;
	v54 =	vperm.xlane v37, v5;
	v13, _, _ =	vpop (xrf0);
	(xrf0) =	vmax.scan.msk.f32 $0xffff, v32  }
0xa7: {  	v56 =	vsel vm1, $0x0, v56;
	v58 =	vperm.xlane v17, v5;
	v57 =	vperm.xlane v41, v5;
	(xrf0) =	vmax.scan.msk.f32 $0xffff, v50;
	v50, _, _ =	vpop (xrf0)  }
0xa8: {  	v14 =	vsel vm1, $0x0, v14;
	v28 =	vperm.xlane v62, v5;
	v62 =	vperm.xlane v47, v5;
	(xrf0) =	vmax.scan.msk.f32 $0xffff, v49;
	v49, _, _ =	vpop (xrf0)  }
0xa9: {  	v30 =	vor.u32 s25, v11;
	v60 =	vperm.xlane v42, v5;
	v13 =	vperm.xlane v13, v5;
	(xrf0) =	vmax.scan.msk.f32 $0xffff, v51;
	v51, _, _ =	vpop (xrf0)  }
0xaa: {  	v47 =	vsel vm4, $0x0, v35;
	v2 =	vperm.xlane v1, v10;
	v1 =	vperm.xlane v1, v7;
	v35, _, _ =	vpop (xrf0);
	(xrf0) =	vmax.scan.msk.f32 $0xffff, v53  }
0xab: {  	v15 =	vperm.xlane v50, v10;
	v0 =	vsel vm0, v0, v13;
	v49 =	vperm.xlane v49, v5;
	v8, _, _ =	vpop (xrf0);
	(xrf0) =	vmax.scan.msk.f32 $0xffff, v55  }
0xac: {  	s31 =	sadd.s32 $0xFFFFFFC0, s20;
	v0 =	vmax.f32 v0, v61;
	v53 =	vperm.xlane v51, v7;
	v51 =	vperm.xlane v51, v10;
	(xrf0) =	vmax.scan.msk.f32 $0xffff, v54;
	v54, _, _ =	vpop (xrf0)  }
0xad: {  	v32 =	vor.u32 s31, v11;
	v0 =	vmul.f32 v0, v43;
	v35 =	vperm.xlane v35, v5;
	v11, _, _ =	vpop (xrf0);
	(xrf0) =	vmax.scan.msk.f32 $0xffff, v58  }
0xae: {  	v4 =	vsel vm0, v4, v49;
	v55 =	vperm.xlane v8, v7;
	v8 =	vperm.xlane v8, v10;
	v58, _, _ =	vpop (xrf0);
	(xrf0) =	vmax.scan.msk.f32 $0xffff, v57  }
0xaf: {  	v4 =	vmax.f32 v4, v52;
	v54 =	vperm.xlane v54, v5;
	v12 =	vsel vm0, v12, v35;
	v57, _, _ =	vpop (xrf0);
	(xrf0) =	vmax.scan.msk.f32 $0xffff, v60  }
0xb0: {  	v4 =	vmul.f32 v4, v44;
	v11 =	vperm.xlane v11, v5;
	v12 =	vmax.f32 v12, v56;
	(xrf0) =	vmax.scan.msk.f32 $0xffff, v59;
	v59, _, _ =	vpop (xrf0)  }
0xb1: {  	v60 =	vsel vm0, v63, v62;
	v58 =	vperm.xlane v58, v5;
	v62 =	vperm.xlane v28, v16;
	v63, _, _ =	vpop (xrf0)  }
0xb2: {  	v13 =	vsel vm1, $0x0, v15;
	v12 =	vmul.f32 v12, v48;
	v57 =	vperm.xlane v57, v5;
	(xrf0) =	vmax.scan.msk.f32 $0xffff, v25;
	v15, _, _ =	vpop (xrf0)  }
0xb3: {  	v2 =	vsel vm1, $0x0, v2;
	v7 =	vperm.xlane v11, v22;
	v11 =	vperm.xlane v11, v16;
	v6, _, _ =	vpop (xrf0)  }
0xb4: {  	v14 =	vmax.f32 v60, v14;
	v59 =	vperm.xlane v59, v5;
	v60 =	vperm.xlane v15, v5;
	v15, _, _ =	vpop (xrf0)  }
0xb5: {  	v51 =	vsel vm1, $0x0, v51;
	v14 =	vmul.f32 v14, v33;
	v35 =	vperm.xlane v6, v5;
	v6, _, _ =	vpop (xrf0)  }
0xb6: {  	v8 =	vsel vm1, $0x0, v8;
	v49 =	vperm.xlane v63, v5;
	v63 =	vperm.xlane v54, v22;
	v9, _, _ =	vpop (xrf0);
	(xrf0) =	vmax.scan.msk.f32 $0xffff, v43  }
0xb7: {  	v1 =	vsel vm0, v1, v58;
	v54 =	vperm.xlane v54, v16;
	v33 =	vperm.xlane v57, v22  }
0xb8: {  	v7 =	vnsel vm3, $0x0, v7;
	v1 =	vmax.f32 v1, v8;
	v40 =	vperm.xlane v6, v5;
	v6, _, _ =	vpop (xrf0);
	(xrf0) =	vmax.scan.msk.f32 $0xffff, v44  }
0xb9: {  	v3 =	vsel vm0, v3, v59;
	v1 =	vmul.f32 v1, v45;
	vm4 =	vgt.f32 v14, v21  }
0xba: {  	v2 =	vmax.f32 v3, v2;
	v14 =	vsel vm4, v14, v21;
	v15 =	vperm.xlane v15, v5  }
0xbb: {  	v61 =	vsel vm0, v55, v60;
	v2 =	vmul.f32 v2, v31;
	v43 =	vnsel vm3, $0x0, v63;
	(xrf0) =	vmax.scan.msk.f32 $0xffff, v48  }
0xbc: {  	v9 =	vperm.xlane v9, v5;
	v44 =	vsel vm0, v53, v49;
	v49 =	vperm.xlane v35, v16;
	v59, _, _ =	vpop (xrf0);
	(xrf0) =	vmax.scan.msk.f32 $0xffff, v17  }
0xbd: {  	v52 =	vsel vm2, v6, v62;
	v6 =	vmovc v50;
	v50 =	vperm.xlane v57, v16;
	v8 =	vperm.xlane v40, v16  }
0xbe: {  	v63 =	vperm.xlane v9, v16;
	v48 =	vsel vm2, v59, v54;
	v54 =	vperm.xlane v15, v16;
	v62, _, _ =	vpop (xrf0);
	(xrf0) =	vmax.scan.msk.f32 $0xffff, v41;
	v16 =	vld [tilespmem:$0x1FF50]  }
0xbf: {  	v3 =	vmax.f32 v61, v51;
	v61 =	vnsel vm3, $0x0, v33;
	v7 =	vmax.f32 v48, v7  }
0xc0: {  	v33 =	vmul.f32 v3, v42;
	v55 =	vperm.xlane v40, v22;
	v13 =	vmax.f32 v44, v13;
	(xrf0) =	vmax.scan.msk.f32 $0xffff, v42  }
0xc1: {  	v15 =	vperm.xlane v15, v22;
	v11 =	vsel vm2, v62, v11;
	v60, _, _ =	vpop (xrf0);
	v62 =	vnsel vm3, $0x0, v34;
	(xrf0) =	vmax.scan.msk.f32 $0xffff, v45  }
0xc2: {  	v34 =	vmul.f32 v13, v41;
	v39 =	vmul.f32 v7, v39;
	v11 =	vmax.f32 v11, v61;
	v7, _, _ =	vpop (xrf0)  }
0xc3: {  	v21 =	vsel vm4, v32, v16;
	vm4 =	vgt.f32 v12, v14;
	v3 =	vsel vm2, v7, v49  }
0xc4: {  	v7 =	vnsel vm3, $0x0, v15;
	v13, _, _ =	vpop (xrf0);
	v15 =	vnsel vm3, $0x0, v55;
	v12 =	vsel vm4, v12, v14  }
0xc5: {  	v13 =	vsel vm2, v13, v54;
	v3 =	vmax.f32 v3, v7;
	v7 =	vmul.f32 v11, v36  }
0xc6: {  	v31, _, _ =	vpop (xrf0);
	v11 =	vmax.f32 v13, v15;
	v13 =	vsel vm4, v30, v21;
	vm4 =	vgt.f32 v4, v12  }
0xc7: {  	v9 =	vperm.xlane v9, v22;
	v8 =	vsel vm2, v31, v8;
	v31, _, _ =	vpop (xrf0);
	v16 =	vsel vm4, v4, v12  }
0xc8: {  	v31 =	vsel vm2, v31, v63;
	v12 =	vsel vm4, v29, v13;
	v63 =	vld [tilespmem:$0x1FF90];
	vm4 =	vgt.f32 v0, v16  }
0xc9: {  	v59 =	vmax.f32 v52, v43;
	v21 =	vsel vm4, v0, v16;
	v16 =	vsel vm4, v24, v12;
	v12 =	vld [tilespmem:$0x1FFA0]  }
0xca: {  	v9 =	vnsel vm3, $0x0, v9;
	v40 =	vmul.f32 v59, v19;
	v43 =	vsel vm2, v60, v50  }
0xcb: {  	v18 =	vmax.f32 v43, v18;
	v36 =	vmul.f32 v3, v20;
	v14 =	vmax.f32 v31, v62  }
0xcc: {  	s18 =	sadd.s32 $0x4, s18;
	v8 =	vmax.f32 v8, v9;
	v9 =	vmul.f32 v18, v47;
	v3 =	vmul.f32 v14, v46  }
0xcd: {  	p1 =	slt.u32 s18, $0x1C;
	v31 =	vmul.f32 v11, v38;
	v11 =	vlaneseq.u32;
	v8 =	vmul.f32 v8, v37  }
.Ltmp0:
0xce: {  	vm4 =	vgt.f32 v3, v27;
	vm10 =	vgt.f32 v9, v63;
	vm7 =	vgt.f32 v2, v12;
	(pc) =	sbr.rel @p1 .LBB2_2-.Ltmp0, $4  }
0xcf: {  	v53 =	vmovc v20;
	v3 =	vsel vm4, v3, v27;
	v0 =	vsel vm10, v9, v63;
	v2 =	vsel vm7, v2, v12  }
0xd0: {  	v15 =	vld [tilespmem:$0x1FF60];
	v4 =	vmovc v26;
	vm5 =	vgt.f32 v8, v3;
	vm11 =	vgt.f32 v7, v0;
	vm8 =	vgt.f32 v1, v2  }
0xd1: {  	v38 =	vld [tilespmem:$0x1FF80];
	v27 =	vsel vm11, v7, v0;
	v7 =	vmovc v25;
	v25 =	vsel vm5, v8, v3;
	v26 =	vsel vm8, v1, v2  }
0xd2: {  	s19 =	sadd.s32 $0x80, s19;
	s20 =	sadd.s32 $0x40, s20;
	v50 =	vmovc v19;
	v14 =	vld [tilespmem:$0x1FF70];
	vm12 =	vgt.f32 v39, v27;
	vm6 =	vgt.f32 v31, v25;
	vm9 =	vgt.f32 v33, v26  }
0xd3: {  	v0 =	vperm.xlane v50, v5;
	_ =	sdelay $0x1  }
0xd4: {  	(xrf0) =	vmax.scan.msk.f32 $0xffff, v0;
	_ =	sdelay $0x5  }
0xd5: {  	v13 =	vimm.s32 $0xE;
	v0, _, _ =	vpop (xrf0)  }
0xd6: {  	v1 =	vperm.xlane v4, v13;
	v0 =	vperm.xlane v0, v5;
	_ =	sdelay $0x1  }
0xd7: {  	v0 =	vsel vm0, v1, v0  }
0xd8: {  	v0 =	vmul.f32 v0, v7  }
0xd9: {  	v1 =	vperm.xlane v53, v5  }
0xda: {  	vm13 =	vgt.f32 v0, v21  }
0xdb: {  	(xrf0) =	vmax.scan.msk.f32 $0xffff, v1;
	v0 =	vsel vm13, v0, v21  }
0xdc: {  	(xrf0) =	vmax.scan.msk.f32 $0xffff, v0;
	_ =	sdelay $0x3  }
0xdd: {  	v1 =	vld [tilespmem:$0x0]  }
0xde: {  	v3 =	vld [tilespmem:$0x400];
	v2, _, _ =	vpop (xrf0)  }
0xdf: {  	v4, _, _ =	vpop (xrf0)  }
0xe0: {  	v7 =	vbroadcast v4, $0xF  }
0xe1: {  	v18 =	vmovc v10;
	v8 =	vsel vm12, v39, v27;
	v9 =	vxor.u32 $0x80000000, v16;
	v10 =	vor.u32 $0x800001F0, v11  }
0xe2: {  	vm14 =	veq.f32 v0, v7;
	v0 =	vsel vm13, v10, v9;
	v7 =	vmul.f32 $1.442695020e+00, v1  }
0xe3: {  	vm13 =	vgt.f32 v40, v8;
	v9 =	vmul.f32 $1.442695020e+00, v3;
	v0 =	vnsel vm14, $0x80000200, v0  }
0xe4: {  	v8 =	vsel vm13, v40, v8;
	(xrf0) =	vmin.scan.msk.u32 $0xffff, v0;
	(erf) = vpow2.f32 v7  }
0xe5: {  	(xrf0) =	vmax.scan.msk.f32 $0xffff, v8;
	(erf) = vpow2.f32 v9;
	_ =	sdelay $0x4  }
0xe6: {  	v0, _, _ =	vpop (xrf0)  }
0xe7: {  	v6 =	vperm.xlane v6, v13;
	v7 =	vsel vm10, v30, v15;
	v9, _, _ =	vpop (xrf0)  }
0xe8: {  	v2 =	vperm.xlane v2, v5;
	v7 =	vsel vm11, v29, v7;
	v12 =	vbroadcast v9, $0xF  }
0xe9: {  	v11 =	vsel vm9, v33, v26;
	v7 =	vsel vm12, v24, v7;
	v56 =	vpop (erf)  }
0xea: {  	v2 =	vsel vm0, v6, v2;
	v7 =	vsel vm13, v23, v7;
	vm13 =	veq.f32 v8, v12;
	v8 =	vpop (erf)  }
0xeb: {  	v2 =	vmul.f32 v2, v17;
	v7 =	vxor.u32 $0x80000000, v7;
	v8 =	vmul.f32 v8, v56  }
0xec: {  	v1 =	vmul.f32 v3, v1;
	vm12 =	vgt.f32 v34, v11;
	v6 =	vnsel vm13, $0x80000200, v7  }
0xed: {  	v3 =	vsel vm12, v34, v11;
	(xrf0) =	vmin.scan.msk.u32 $0xffff, v6;
	v6 =	vnsel vm0, $0xBF800000, v8  }
0xee: {  	v1 =	vnsel vm0, $0xFF7FC99E, v1;
	vm14 =	vgt.f32 v2, v3;
	(xrf0) =	vmax.scan.msk.f32 $0xffff, v6  }
0xef: {  	(xrf0) =	vmax.scan.msk.f32 $0xffff, v1;
	v1 =	vsel vm14, v2, v3  }
0xf0: {  	(xrf0) =	vmax.scan.msk.f32 $0xffff, v1;
	_ =	sdelay $0x2  }
0xf1: {  	v3 =	vld [tilespmem:$0x80];
	v2, _, _ =	vpop (xrf0)  }
0xf2: {  	v7 =	vsel vm7, v32, v14;
	v8 =	vld [tilespmem:$0x480];
	v6, _, _ =	vpop (xrf0)  }
0xf3: {  	v7 =	vsel vm8, v30, v7;
	v11, _, _ =	vpop (xrf0)  }
0xf4: {  	v7 =	vsel vm9, v29, v7;
	v57, _, _ =	vpop (xrf0)  }
0xf5: {  	v7 =	vsel vm12, v24, v7;
	v58 =	vbroadcast v57, $0xF  }
0xf6: {  	v59 =	vsel vm6, v31, v25;
	v7 =	vxor.u32 $0x80000000, v7;
	v60 =	vmul.f32 $1.442695020e+00, v3  }
0xf7: {  	vm7 =	veq.f32 v1, v58;
	v1 =	vsel vm14, v10, v7;
	v7 =	vmul.f32 $1.442695020e+00, v8  }
0xf8: {  	vm15 =	vgt.f32 v36, v59;
	(erf) = vpow2.f32 v60;
	v1 =	vnsel vm7, $0x80000200, v1  }
0xf9: {  	v10 =	vsel vm15, v36, v59;
	(xrf0) =	vmin.scan.msk.u32 $0xffff, v1;
	(erf) = vpow2.f32 v7  }
0xfa: {  	(xrf0) =	vmax.scan.msk.f32 $0xffff, v10;
	_ =	sdelay $0x4  }
0xfb: {  	v1 =	vsel vm4, v30, v38;
	v7, _, _ =	vpop (xrf0)  }
0xfc: {  	v1 =	vsel vm5, v29, v1;
	v61, _, _ =	vpop (xrf0)  }
0xfd: {  	(v2sf) =	vpush v4, $0xF;
	v1 =	vsel vm6, v24, v1;
	v62 =	vpop (erf);
	v4 =	vbroadcast v61, $0xF  }
0xfe: {  	(v2sf) =	vpush v0, $0xF;
	v1 =	vsel vm15, v23, v1;
	v0 =	vpop (erf)  }
0xff: {  	v1 =	vxor.u32 $0x80000000, v1;
	vm4 =	veq.f32 v10, v4;
	v0 =	vmul.f32 v0, v62  }
0x100: {  	v1 =	vnsel vm4, $0x80000200, v1  }
0x101: {  	(v2sf) =	vpush v9, $0xF;
	(xrf0) =	vmin.scan.msk.u32 $0xffff, v1;
	v0 =	vnsel vm0, $0xBF800000, v0  }
0x102: {  	(v2sf) =	vpush v2, $0xF;
	(xrf0) =	vmax.scan.msk.f32 $0xffff, v0  }
0x103: {  	(v2sf) =	vpush v6, $0xF;
	_ =	sdelay $0x1  }
0x104: {  	(v2sf) =	vpush v57, $0xF  }
0x105: {  	(v2sf) =	vpush v7, $0xF  }
0x106: {  	(v2sf) =	vpush v61, $0xF;
	v0, _, _ =	vpop (xrf0)  }
0x107: {  	(v2sf) =	vpush v0, $0xF;
	v0, _, _ =	vpop (xrf0)  }
0x108: {  	(v2sf) =	vpush v0, $0xF;
	_ =	sdelay $0x4  }
0x109: {  	s18 =	spop (v2sf)  }
0x10a: {  	s19 =	spop (v2sf)  }
0x10b: {  	s20 =	spop (v2sf)  }
0x10c: {  	s21 =	spop (v2sf)  }
0x10d: {  	s22 =	spop (v2sf)  }
0x10e: {  	p0 =	sgt.f32 s22, s18  }
0x10f: {  	p1 =	sgt.f32 s22, s20;
	s22 =	spop (v2sf)  }
0x110: {  	s19 =	simm.s32 @p0 $0x0;
	s20 =	spop (v2sf)  }
0x111: {  	s21 =	simm.s32 @p1 $0x0;
	v0 =	vmov s19;
	s23 =	spop (v2sf)  }
0x112: {  	v2 =	vmov s21;
	v1 =	vshll.u32 v0, $0x1;
	s21 =	spop (v2sf)  }
0x113: {  	v4 =	vshll.u32 v2, $0x1;
	v0 =	vand.u32 $0x7F, v0;
	v1 =	vand.u32 $0xFFFFFF00, v1;
	s24 =	spop (v2sf)  }
0x114: {  	v0 =	vor.u32 v0, v1;
	v1 =	vand.u32 $0x7F, v2;
	v2 =	vand.u32 $0xFFFFFF00, v4;
	v4 =	vld [tilespmem:$0x1FFE0];
	p0 =	sgt.f32 s24, s22  }
0x115: {  	v1 =	vor.u32 v1, v2;
	p1 =	sgt.f32 s24, s23  }
0x116: {  	s20 =	simm.s32 @p0 $0x0  }
0x117: {  	s21 =	simm.s32 @p1 $0x0;
	v6 =	vmov s20  }
0x118: {  	v63 =	vld [tilespmem:$0x1FFB0];
	s18 =	simm.s32 $0x0;
	v9 =	vmov s21;
	v7 =	vshll.u32 v6, $0x1  }
0x119: {  	v0 =	vld.idx.msk [tilespmem:v0+s18+$0x0], $0xffff;
	v6 =	vand.u32 $0x7F, v6;
	v10 =	vshll.u32 v9, $0x1;
	v7 =	vand.u32 $0xFFFFFF00, v7  }
0x11a: {  	v1 =	vld.idx.msk [tilespmem:v1+s12+$0x0], $0xffff;
	v6 =	vor.u32 v7, v6;
	v7 =	vand.u32 $0x7F, v9;
	v9 =	vand.u32 $0xFFFFFF00, v10  }
0x11b: {  	v7 =	vor.u32 v9, v7;
	v9 =	vld [tilespmem:$0x1FFF0]  }
0x11c: {  	v2 =	vld.idx.msk [tilespmem:v4+s13+$0x0], $0xffff  }
0x11d: {  	v4 =	vld.idx.msk [tilespmem:v4+s14+$0x0], $0xffff;
	v6 =	vor.u32 $0x80, v6;
	_ =	sdelay $0x1  }
0x11e: {  	v3 =	vmul.f32 v8, v3;
	v0 =	vmul.f32 v1, v0  }
0x11f: {  	v1 =	vbroadcast v11, $0xF;
	v11 =	vld [tilespmem:$0x1FFD0];
	v10 =	vsub.f32 $1.000000000e+00, v63;
	v7 =	vor.u32 $0x80, v7  }
0x120: {  	v3 =	vnsel vm0, $0xFF7FC99E, v3  }
0x121: {  	(xrf0) =	vmax.scan.msk.f32 $0xffff, v3;
	v4 =	vmul.f32 v4, v63;
	v2 =	vmul.f32 v2, v10;
	v3 =	vld.idx.msk [tilespmem:v6+s18+$0x0], $0xffff  }
0x122: {  	v8 =	vld.idx.msk [tilespmem:v9+s13+$0x0], $0xffff  }
0x123: {  	v2 =	vadd.f32 v4, v2;
	v4 =	vld.idx.msk [tilespmem:v9+s14+$0x0], $0xffff  }
0x124: {  	v0 =	vsub.f32 v1, v0;
	v1 =	vsub.f32 $1.000000000e+00, v11;
	v6 =	vld.idx.msk [tilespmem:v7+s12+$0x0], $0xffff;
	_ =	sdelay $0x1  }
0x125: {  	v0 =	vmul.f32 v0, v1;
	v2 =	vmul.f32 v2, v11;
	_ =	sdelay $0x1  }
0x126: {  	s25 =	sand.u32 $0x40, s18;
	s26 =	sand.u32 $0x300, s18;
	v0 =	vadd.f32 v0, v2;
	v2 =	vmul.f32 v4, v63;
	v4 =	vmul.f32 v8, v10;
	v8, _, _ =	vpop (xrf0)  }
0x127: {  	s19 =	sor.u32 s25, s26;
	v3 =	vmul.f32 v6, v3;
	v6 =	vbroadcast v8, $0xF;
	v8 =	vld [tilespmem:$0x1FFC0]  }
0x128: {  	v7 =	vld [tilespmem:s19+$0x0]  }
0x129: {  	v9 =	vld [tilespmem:s19+$0x400];
	_ =	sdelay $0x1  }
0x12a: {  	p0 =	por $0x0, $0x0;
	s20 =	simm.s32 $0x1  }
0x12b: {  	s20 =	simm.s32 @!p0 $0x0;
	vm4 =	vgt.f32 v0, v8  }
0x12c: {  	s20 =	sshll.u32 s20, $0x6;
	v0 =	vsel vm4, $0x0, v7  }
0x12d: {  	s20 =	sadd.s32 $0x0, s20;
	v2 =	vadd.f32 v2, v4;
	v3 =	vsub.f32 v6, v3;
	[tilespmem:s19+$0x0] =	vst v0;
	v0 =	vsel vm4, $0x0, v9  }
0x12e: {  	s28 =	sor.u32 $0x80, s20;
	[tilespmem:s19+$0x400] =	vst v0  }
0x12f: {  	v1 =	vmul.f32 v3, v1;
	v0 =	vmul.f32 v2, v11;
	v2 =	vld [tilespmem:s28+$0x0]  }
0x130: {  	v3 =	vld [tilespmem:s28+$0x400]  }
0x131: {  	v0 =	vadd.f32 v1, v0;
	_ =	sdelay $0x1  }
0x132: {  	vm5 =	vgt.f32 v0, v8  }
0x133: {  	v0 =	vsel vm5, $0x0, v2  }
0x134: {  	[tilespmem:s28+$0x0] =	vst v0;
	v0 =	vsel vm5, $0x0, v3  }
0x135: {  	[tilespmem:s28+$0x400] =	vst v0  }
0x136: {  	v0 =	vld [tilespmem:s19+$0x10]  }
0x137: {  	v1 =	vld [tilespmem:s19+$0x410];
	_ =	sdelay $0x3  }
0x138: {  	v0 =	vsel vm4, $0x0, v0  }
0x139: {  	s29 =	sadd.s32 $0x10, s20;
	[tilespmem:s19+$0x10] =	vst v0;
	v0 =	vsel vm4, $0x0, v1  }
0x13a: {  	s21 =	sor.u32 $0x80, s29;
	[tilespmem:s19+$0x410] =	vst v0  }
0x13b: {  	v0 =	vld [tilespmem:s21+$0x0]  }
0x13c: {  	v1 =	vld [tilespmem:s21+$0x400];
	_ =	sdelay $0x3  }
0x13d: {  	v0 =	vsel vm5, $0x0, v0  }
0x13e: {  	[tilespmem:s21+$0x0] =	vst v0;
	v0 =	vsel vm5, $0x0, v1  }
0x13f: {  	[tilespmem:s21+$0x400] =	vst v0  }
0x140: {  	v0 =	vld [tilespmem:s19+$0x20]  }
0x141: {  	v1 =	vld [tilespmem:s19+$0x420];
	_ =	sdelay $0x3  }
0x142: {  	v0 =	vsel vm4, $0x0, v0  }
0x143: {  	s30 =	sadd.s32 $0x20, s20;
	[tilespmem:s19+$0x20] =	vst v0;
	v0 =	vsel vm4, $0x0, v1  }
0x144: {  	s21 =	sor.u32 $0x80, s30;
	[tilespmem:s19+$0x420] =	vst v0  }
0x145: {  	v0 =	vld [tilespmem:s21+$0x0]  }
0x146: {  	v1 =	vld [tilespmem:s21+$0x400];
	_ =	sdelay $0x3  }
0x147: {  	v0 =	vsel vm5, $0x0, v0  }
0x148: {  	[tilespmem:s21+$0x0] =	vst v0;
	v0 =	vsel vm5, $0x0, v1  }
0x149: {  	[tilespmem:s21+$0x400] =	vst v0  }
0x14a: {  	v0 =	vld [tilespmem:s19+$0x30]  }
0x14b: {  	v1 =	vld [tilespmem:s19+$0x430];
	_ =	sdelay $0x3  }
0x14c: {  	s31 =	sadd.s32 $0x30, s20;
	v0 =	vsel vm4, $0x0, v0  }
0x14d: {  	s20 =	simm.s32 $0x0;
	s22 =	sor.u32 $0x80, s31;
	v3 =	vimm.s32 $0xE;
	s21 =	simm.s32 $0x40;
	v9 =	vsel vm4, $0x0, v1;
	[tilespmem:s19+$0x30] =	vst v0  }
.LBB2_4:
0x14e: {  	s20 =	sadd.s32 $0x4, s20;
	[tilespmem:s19+$0x430] =	vst v9;
	s18 =	sadd.s32 $0x80, s18;
	p0 =	por !p0, !p0  }
0x14f: {  	p1 =	slt.u32 s20, $0x1C;
	v0 =	vld [tilespmem:s22+$0x0]  }
0x150: {  	v1 =	vld [tilespmem:s22+$0x400];
	_ =	sdelay $0x3  }
0x151: {  	v0 =	vsel vm5, $0x0, v0  }
0x152: {  	s19 =	sand.u32 $0x40, s21;
	s23 =	sand.u32 $0x300, s18;
	[tilespmem:s22+$0x0] =	vst v0;
	v0 =	vsel vm5, $0x0, v1  }
0x153: {  	s19 =	sor.u32 s19, s23;
	[tilespmem:s22+$0x400] =	vst v0  }
0x154: {  	v0 =	vld [tilespmem:s19+$0x0]  }
0x155: {  	v1 =	vld [tilespmem:s19+$0x400];
	_ =	sdelay $0x1  }
0x156: {  	s22 =	simm.s32 $0x1  }
0x157: {  	s22 =	simm.s32 @!p0 $0x0  }
0x158: {  	s22 =	sshll.u32 s22, $0x6;
	v0 =	vsel vm4, $0x0, v0  }
0x159: {  	s22 =	sadd.s32 s22, s18;
	[tilespmem:s19+$0x0] =	vst v0;
	v0 =	vsel vm4, $0x0, v1  }
0x15a: {  	s23 =	sor.u32 $0x80, s22;
	s24 =	sadd.s32 $0x10, s22;
	s25 =	sadd.s32 $0x20, s22;
	[tilespmem:s19+$0x400] =	vst v0  }
0x15b: {  	s22 =	sadd.s32 $0x30, s22;
	v0 =	vld [tilespmem:s23+$0x0]  }
0x15c: {  	s22 =	sor.u32 $0x80, s22;
	v1 =	vld [tilespmem:s23+$0x400];
	_ =	sdelay $0x3  }
0x15d: {  	v0 =	vsel vm5, $0x0, v0  }
0x15e: {  	[tilespmem:s23+$0x0] =	vst v0;
	v0 =	vsel vm5, $0x0, v1  }
0x15f: {  	[tilespmem:s23+$0x400] =	vst v0  }
0x160: {  	v0 =	vld [tilespmem:s19+$0x10]  }
0x161: {  	v1 =	vld [tilespmem:s19+$0x410];
	_ =	sdelay $0x3  }
0x162: {  	v0 =	vsel vm4, $0x0, v0  }
0x163: {  	[tilespmem:s19+$0x10] =	vst v0;
	v0 =	vsel vm4, $0x0, v1  }
0x164: {  	s23 =	sor.u32 $0x80, s24;
	[tilespmem:s19+$0x410] =	vst v0  }
0x165: {  	v0 =	vld [tilespmem:s23+$0x0]  }
0x166: {  	v1 =	vld [tilespmem:s23+$0x400];
	_ =	sdelay $0x3  }
0x167: {  	v0 =	vsel vm5, $0x0, v0  }
0x168: {  	[tilespmem:s23+$0x0] =	vst v0;
	v0 =	vsel vm5, $0x0, v1  }
0x169: {  	[tilespmem:s23+$0x400] =	vst v0  }
0x16a: {  	v0 =	vld [tilespmem:s19+$0x20]  }
0x16b: {  	v1 =	vld [tilespmem:s19+$0x420];
	_ =	sdelay $0x3  }
0x16c: {  	v0 =	vsel vm4, $0x0, v0  }
0x16d: {  	[tilespmem:s19+$0x20] =	vst v0;
	v0 =	vsel vm4, $0x0, v1  }
0x16e: {  	s23 =	sor.u32 $0x80, s25;
	[tilespmem:s19+$0x420] =	vst v0  }
0x16f: {  	v0 =	vld [tilespmem:s23+$0x0]  }
0x170: {  	v1 =	vld [tilespmem:s23+$0x400];
	_ =	sdelay $0x3  }
0x171: {  	v0 =	vsel vm5, $0x0, v0  }
0x172: {  	[tilespmem:s23+$0x0] =	vst v0;
	v0 =	vsel vm5, $0x0, v1  }
0x173: {  	[tilespmem:s23+$0x400] =	vst v0  }
0x174: {  	v0 =	vld [tilespmem:s19+$0x30]  }
0x175: {  	v1 =	vld [tilespmem:s19+$0x430]  }
.Ltmp1:
0x176: {  	(pc) =	sbr.rel @p1 .LBB2_4-.Ltmp1, $3  }
0x177: {  	_ =	sdelay $0x1  }
0x178: {  	v0 =	vsel vm4, $0x0, v0  }
0x179: {  	s21 =	sadd.s32 $0x40, s21;
	[tilespmem:s19+$0x30] =	vst v0;
	v9 =	vsel vm4, $0x0, v1  }
0x17a: {  	[tilespmem:s19+$0x430] =	vst v9  }
0x17b: {  	v0 =	vld [tilespmem:s22+$0x0]  }
0x17c: {  	v1 =	vld [tilespmem:s22+$0x400];
	_ =	sdelay $0x3  }
0x17d: {  	v0 =	vsel vm5, $0x0, v0  }
0x17e: {  	[tilespmem:s22+$0x0] =	vst v0;
	v0 =	vsel vm5, $0x0, v1  }
0x17f: {  	[tilespmem:s22+$0x400] =	vst v0  }
0x180: {  	[hbm4b:s8+s11] =	stream.strided.scatter [tilespmem:s4], [sflag:$0x1], $0x400, s12, s11, $0x38;
	[tilespmem:$0x980] =	vst v63  }
0x181: {  	s17 =	sadd.s32 $0x1, s17  }
0x182: {  	[hbm4b:s9+s11] =	stream.strided.scatter [tilespmem:s12], [sflag:$0x1], $0x400, s12, s11, $0x38;
	[tilespmem:$0x980] =	vst v63  }
0x183: {  	p0 =	sne.s32 s17, s10;
	_ =	swait.ge [sflag:s16], $0x400  }
.Ltmp2:
0x184: {  	[sflag:s16] =	ssyncset.done $0x0;
	(pc) =	sbr.rel @p0 .LBB2_1-.Ltmp2, $4  }
0x185: {  	[sflag:s16] =	ssyncadd.s32 $0xFFFFFC00  }
0x186: {  	_ =	swait.ge [sflag:s16], $0x400  }
0x187: {  	[sflag:s16] =	ssyncset.done $0x0  }
0x188: {  	v2 =	vmov v18;
	v1 =	vimm.s32 $0x1;
	v0 =	vmov v22;
	[sflag:s16] =	ssyncadd.s32 $0xFFFFFC00  }
0x189: {  	_ =	sfence.sel $0x180000  }
0x18a: {  	[bflag:$0x0] =	sbarrier.arrive $0xFFFF  }
0x18b: {  	p0 =	sne.s32 s0, $0x0;
	_ =	strace $0x90000047  }
0x18c: {  	s0 =	sadd.s32 @!p0 $0x100000, s3;
	[bflag:$0x2] =	sbarrier.arrive $0xFFFF  }
0x18d: {  	[sflag:s0] =	ssyncadd.tile.s32 @!p0 $0x1;
	_ =	shalt  }
.Lfunc_end2:
_tile_overlayer_lowered:
.L_overlay_start_2:
0x18e: {  	(tag) =	ssettag $0x2  }
0x18f: {  	s0 =	rddreg [dreg:$0x0];
	s2 =	stileid.u32  }
0x190: {  	s1 =	rddreg [dreg:$0x1];
	p0 =	sne.s32 s2, $0x0  }
0x191: {  	s3 =	rddreg [dreg:$0x2];
	[bflag:$0x3] =	sbarrier.arrive $0xFFFF;
	s2 =	simm.s32 @!p0 $0x1C02  }
0x192: {  	[timem:s3], [sflag:s2] =	dma.local @!p0 [hbm:s0], s1  }
0x193: {  	s0 =	simm.s32 @!p0 $0x2  }
0x194: {  	_ =	swait.ge @!p0 [sflag:s0], s1  }
0x195: {  	s1 =	ssub.s32 @!p0 $0x0, s1;
	[sflag:s0] =	ssyncset.done @!p0 $0x0  }
0x196: {  	[sflag:s0] =	ssyncadd.s32 @!p0 s1  }
0x197: {  	[bflag:$0x3] =	sbarrier.arrive $0xFFFF  }
0x198: {  	_ =	shalt  }

</sc_bundles>
